<compile_context>
chip_gen: v7x
topology: tpu7x:2x2x1
jax: 0.10.2.dev20260603
libtpu: 0.0.44.dev20260713+nightly
codegen_flags: <defaults>
</compile_context>

<pallas_src>
import functools

import jax
from jax import lax
import jax.numpy as jnp
from jax.experimental import pallas as pl
from jax.experimental.pallas import tpu as pltpu
from jax.experimental.pallas import tpu_sc as plsc

_N = 10000
_E = 320000
_DIN = 128
_DH = 64
_DOUT = 64

_W1 = 96
_W2 = 64
_DT = jnp.bfloat16
_NTILES = 32
_EPT = _E // _NTILES
_CB = 125
_NCH = _EPT // _CB
_NBUF = 8
_NPAD = 10000
_RPT = _NPAD // 16
_ZR = 125
_BR = 2000


@functools.cache
def _make_sc_segsum(W):
  mesh = plsc.VectorSubcoreMesh(core_axis_name="c", subcore_axis_name="s")

  @functools.partial(
      pl.kernel,
      out_type=jax.ShapeDtypeStruct((2, _NPAD, W), _DT),
      mesh=mesh,
      compiler_params=pltpu.CompilerParams(use_tc_tiling_on_sc=False),
      scratch_types=[
          pltpu.VMEM((_NCH, _CB), jnp.int32),
          pltpu.VMEM((_NCH, _CB), jnp.int32),
          pltpu.VMEM((_CB, W), _DT),
          pltpu.VMEM((_CB, W), _DT),
          pltpu.VMEM((_CB, W), _DT),
          pltpu.VMEM((_CB, W), _DT),
          pltpu.VMEM((_CB, W), _DT),
          pltpu.VMEM((_CB, W), _DT),
          pltpu.VMEM((_CB, W), _DT),
          pltpu.VMEM((_CB, W), _DT),
          pltpu.VMEM((_ZR, W), _DT),
          pltpu.VMEM((_ZR, W), _DT),
          pltpu.VMEM_SHARED((_NPAD, W), _DT),
          pltpu.SemaphoreType.DMA,
          pltpu.SemaphoreType.DMA,
          pltpu.SemaphoreType.DMA,
          pltpu.SemaphoreType.DMA,
          pltpu.SemaphoreType.DMA,
          pltpu.SemaphoreType.DMA,
          pltpu.SemaphoreType.DMA,
          pltpu.SemaphoreType.DMA,
          pltpu.SemaphoreType.DMA,
          pltpu.SemaphoreType.DMA,
          pltpu.SemaphoreType.DMA,
          pltpu.SemaphoreType.DMA,
          pltpu.SemaphoreType.DMA,
          pltpu.SemaphoreType.DMA,
          pltpu.SemaphoreType.DMA,
          pltpu.SemaphoreType.DMA,
      ],
  )
  def sc(table, ei, out, srcv, dstv, r0, r1, r2, r3, r4, r5, r6, r7, zb, zb2,
         acc, g0, g1, g2, g3, g4, g5, g6, g7, t0, t1, t2, t3, t4, t5, t6, t7):
    rows = (r0, r1, r2, r3, r4, r5, r6, r7)
    gsems = (g0, g1, g2, g3, g4, g5, g6, g7)
    ssems = (t0, t1, t2, t3, t4, t5, t6, t7)
    cid = lax.axis_index("c")
    sid = lax.axis_index("s")
    wid = sid * 2 + cid

    pltpu.sync_copy(ei.at[0, wid], srcv)
    pltpu.sync_copy(ei.at[1, wid], dstv)

    def gather(c, b):
      pltpu.async_copy(table.at[srcv.at[c]], rows[b], gsems[b])

    for b in range(_NBUF):
      gather(b, b)

    zvec = jnp.zeros((32,), _DT)

    def zrow(i, carry):
      for j in range(W // 32):
        zb[i, pl.ds(j * 32, 32)] = zvec
      return carry

    lax.fori_loop(0, _ZR, zrow, 0)
    row0 = sid * _RPT
    for k in range(_RPT // _ZR):
      pltpu.sync_copy(zb, acc.at[pl.ds(row0 + k * _ZR, _ZR)])
    plsc.subcore_barrier()

    def scatter(c, b):
      pltpu.make_async_copy(table.at[srcv.at[c]], rows[b], gsems[b]).wait()
      pltpu.async_copy(rows[b], acc.at[dstv.at[c]], ssems[b], add=True)

    def drain(c, b):
      pltpu.make_async_copy(rows[b], acc.at[dstv.at[c]], ssems[b]).wait()

    def block(j, carry):
      for b in range(_NBUF):
        scatter(j * _NBUF + b, b)
      for b in range(_NBUF):
        drain(j * _NBUF + b, b)
        gather((j + 1) * _NBUF + b, b)
      return carry

    nblk = _NCH // _NBUF
    lax.fori_loop(0, nblk - 1, block, 0)
    for b in range(_NBUF):
      scatter((nblk - 1) * _NBUF + b, b)
    for b in range(_NBUF):
      drain((nblk - 1) * _NBUF + b, b)
    plsc.subcore_barrier()

    bufs = (zb, zb2)
    nko = _RPT // _ZR
    for k in range(nko):
      r = row0 + k * _ZR
      buf, sem = bufs[k % 2], gsems[k % 2]
      if k >= 2:
        pltpu.make_async_copy(
            buf, out.at[cid, pl.ds(r - 2 * _ZR, _ZR)], sem).wait()
      pltpu.sync_copy(acc.at[pl.ds(r, _ZR)], buf)
      pltpu.async_copy(buf, out.at[cid, pl.ds(r, _ZR)], sem)
    for k in range(max(nko - 2, 0), nko):
      r = row0 + k * _ZR
      pltpu.make_async_copy(
          bufs[k % 2], out.at[cid, pl.ds(r, _ZR)], gsems[k % 2]).wait()

  return sc


def _tc_pre(x, Wl1, Wr1):

  def body(x_ref, wl_ref, wr_ref, t_ref, r_ref):
    xv = x_ref[...]
    p = jnp.dot(xv, wl_ref[...], preferred_element_type=jnp.float32)
    t_ref[...] = jnp.concatenate(
        [p.astype(_DT), jnp.ones((_BR, _W1 - _DH), _DT)], axis=1)
    r_ref[...] = jnp.dot(xv, wr_ref[...], preferred_element_type=jnp.float32)

  return pl.pallas_call(
      body,
      grid=(_N // _BR,),
      in_specs=[pl.BlockSpec((_BR, _DIN), lambda i: (i, 0)),
                pl.BlockSpec((_DIN, _DH), lambda i: (0, 0)),
                pl.BlockSpec((_DIN, _DH), lambda i: (0, 0))],
      out_specs=(pl.BlockSpec((_BR, _W1), lambda i: (i, 0)),
                 pl.BlockSpec((_BR, _DH), lambda i: (i, 0))),
      out_shape=(jax.ShapeDtypeStruct((_N, _W1), _DT),
                 jax.ShapeDtypeStruct((_N, _DH), jnp.float32)),
  )(x, Wl1, Wr1)


def _tc_mid(aggp, r1, b1, Wl2, Wr2):

  def body(a_ref, r1_ref, b1_ref, wl_ref, wr_ref, t2_ref, r2_ref, inv_ref):
    acc = (a_ref[0] + a_ref[1]).astype(jnp.float32)
    cnt = acc[:, _DH:_DH + 1]
    inv = 1.0 / jnp.maximum(cnt, 1.0)
    o = acc[:, :_DH] * inv + b1_ref[...] + r1_ref[...]
    nrm = jnp.sqrt(jnp.sum(o * o, axis=1, keepdims=True))
    h = jnp.maximum(o / jnp.maximum(nrm, 1e-12), 0.0)
    t2_ref[...] = jnp.dot(
        h, wl_ref[...], preferred_element_type=jnp.float32).astype(_DT)
    r2_ref[...] = jnp.dot(h, wr_ref[...], preferred_element_type=jnp.float32)
    inv_ref[...] = inv

  return pl.pallas_call(
      body,
      grid=(_N // _BR,),
      in_specs=[pl.BlockSpec((2, _BR, _W1), lambda i: (0, i, 0)),
                pl.BlockSpec((_BR, _DH), lambda i: (i, 0)),
                pl.BlockSpec((1, _DH), lambda i: (0, 0)),
                pl.BlockSpec((_DH, _DOUT), lambda i: (0, 0)),
                pl.BlockSpec((_DH, _DOUT), lambda i: (0, 0))],
      out_specs=(pl.BlockSpec((_BR, _W2), lambda i: (i, 0)),
                 pl.BlockSpec((_BR, _DOUT), lambda i: (i, 0)),
                 pl.BlockSpec((_BR, 1), lambda i: (i, 0))),
      out_shape=(jax.ShapeDtypeStruct((_N, _W2), _DT),
                 jax.ShapeDtypeStruct((_N, _DOUT), jnp.float32),
                 jax.ShapeDtypeStruct((_N, 1), jnp.float32)),
  )(aggp, r1, b1.reshape(1, _DH), Wl2, Wr2)


def _tc_post(aggp2, r2, inv, b2):

  def body(a_ref, r2_ref, inv_ref, b2_ref, out_ref):
    acc = (a_ref[0] + a_ref[1]).astype(jnp.float32)
    o = acc * inv_ref[...] + b2_ref[...] + r2_ref[...]
    nrm = jnp.sqrt(jnp.sum(o * o, axis=1, keepdims=True))
    o = o / jnp.maximum(nrm, 1e-12)
    out_ref[...] = jnp.where(o > 0.0, o, jnp.exp(jnp.minimum(o, 0.0)) - 1.0)

  return pl.pallas_call(
      body,
      grid=(_N // _BR,),
      in_specs=[pl.BlockSpec((2, _BR, _W2), lambda i: (0, i, 0)),
                pl.BlockSpec((_BR, _DOUT), lambda i: (i, 0)),
                pl.BlockSpec((_BR, 1), lambda i: (i, 0)),
                pl.BlockSpec((1, _DOUT), lambda i: (0, 0))],
      out_specs=pl.BlockSpec((_BR, _DOUT), lambda i: (i, 0)),
      out_shape=jax.ShapeDtypeStruct((_N, _DOUT), jnp.float32),
  )(aggp2, r2, inv, b2.reshape(1, _DOUT))


def kernel(x, edge_index, Wl1, b1, Wr1, Wl2, b2, Wr2):
  ei = edge_index.reshape(2, _NTILES, _NCH, _CB)
  table1, r1 = _tc_pre(x, Wl1, Wr1)
  aggp1 = _make_sc_segsum(_W1)(table1, ei)
  table2, r2, inv = _tc_mid(aggp1, r1, b1, Wl2, Wr2)
  aggp2 = _make_sc_segsum(_W2)(table2, ei)
  return _tc_post(aggp2, r2, inv, b2)

# --- scband reference (transcript-rebuilt; emitter-appended) ---
"""Pipeline reference for scband-ggsage-18554258719174 (READ-ONLY COPY).

The authoritative reference and input builder live on the scoring server;
editing this copy changes nothing except your own understanding.
"""

import jax, jax.numpy as jnp
import numpy as np

N = 10000
E = 320000
DIN = 128
DH = 64
DOUT = 64


def setup_inputs(seed: int = 0) -> dict:
    key = jax.random.key(seed)
    ks = jax.random.split(key, 9)
    x = jax.random.normal(ks[0], (N, DIN), dtype=jnp.float32)
    edge_index = jax.random.randint(ks[1], (2, E), 0, N)
    # SAGEConv layer 1: lin_l (on mean-aggregated neighbors, with bias), lin_r (on root, no bias)
    Wl1 = jax.random.normal(ks[2], (DIN, DH), dtype=jnp.float32) * 0.05
    b1 = jnp.zeros((DH,), dtype=jnp.float32)
    Wr1 = jax.random.normal(ks[3], (DIN, DH), dtype=jnp.float32) * 0.05
    # SAGEConv layer 2
    Wl2 = jax.random.normal(ks[4], (DH, DOUT), dtype=jnp.float32) * 0.05
    b2 = jnp.zeros((DOUT,), dtype=jnp.float32)
    Wr2 = jax.random.normal(ks[5], (DH, DOUT), dtype=jnp.float32) * 0.05
    return {"x": x, "edge_index": edge_index, "Wl1": Wl1, "b1": b1, "Wr1": Wr1,
            "Wl2": Wl2, "b2": b2, "Wr2": Wr2}


def _sage_conv(h, src, dst, Wl, b, Wr):
    # PyG SAGEConv: mean aggregation of source features into destination nodes
    msg = h[src]  # gather [E, d]
    agg = jax.ops.segment_sum(msg, dst, num_segments=N)
    cnt = jax.ops.segment_sum(jnp.ones((src.shape[0],), dtype=jnp.float32), dst, num_segments=N)
    mean = agg / jnp.maximum(cnt, 1.0)[:, None]
    out = mean @ Wl + b + h @ Wr
    # normalize=True -> F.normalize(out, p=2, dim=-1), eps=1e-12
    nrm = jnp.sqrt(jnp.sum(out * out, axis=-1, keepdims=True))
    return out / jnp.maximum(nrm, 1e-12)


def reference(x, edge_index, Wl1, b1, Wr1, Wl2, b2, Wr2):
    src = edge_index[0]
    dst = edge_index[1]
    h = jax.nn.relu(_sage_conv(x, src, dst, Wl1, b1, Wr1))
    h = _sage_conv(h, src, dst, Wl2, b2, Wr2)
    return jax.nn.elu(h)

if __name__ == "__main__":
    import jax
    _d = setup_inputs()
    print(jax.jit(kernel)(*tuple(_d.values())))

</pallas_src>

<mosaic_0001>
#map = affine_map<(d0, d1) -> (0, 0)>
#map1 = affine_map<(d0, d1) -> (0, 0, 0, 0)>
#map2 = affine_map<(d0, d1) -> (0, 0, 0)>
module attributes {stable_mosaic.version = 14 : i64} {
  func.func @sc(%arg0: i32, %arg1: i32, %arg2: memref<10000x96xbf16, #tpu.memory_space<hbm>>, %arg3: memref<2x32x80x125xi32, #tpu.memory_space<hbm>>, %arg4: memref<2x10000x96xbf16, #tpu.memory_space<hbm>>, %arg5: memref<80x125xi32, #tpu.memory_space<vmem>>, %arg6: memref<80x125xi32, #tpu.memory_space<vmem>>, %arg7: memref<125x96xbf16, #tpu.memory_space<vmem>>, %arg8: memref<125x96xbf16, #tpu.memory_space<vmem>>, %arg9: memref<125x96xbf16, #tpu.memory_space<vmem>>, %arg10: memref<125x96xbf16, #tpu.memory_space<vmem>>, %arg11: memref<125x96xbf16, #tpu.memory_space<vmem>>, %arg12: memref<125x96xbf16, #tpu.memory_space<vmem>>, %arg13: memref<125x96xbf16, #tpu.memory_space<vmem>>, %arg14: memref<125x96xbf16, #tpu.memory_space<vmem>>, %arg15: memref<125x96xbf16, #tpu.memory_space<vmem>>, %arg16: memref<125x96xbf16, #tpu.memory_space<vmem>>, %arg17: memref<10000x96xbf16, #tpu.memory_space<vmem_shared>>, %arg18: memref<!tpu.dma_semaphore, #tpu.memory_space<semaphore_mem>>, %arg19: memref<!tpu.dma_semaphore, #tpu.memory_space<semaphore_mem>>, %arg20: memref<!tpu.dma_semaphore, #tpu.memory_space<semaphore_mem>>, %arg21: memref<!tpu.dma_semaphore, #tpu.memory_space<semaphore_mem>>, %arg22: memref<!tpu.dma_semaphore, #tpu.memory_space<semaphore_mem>>, %arg23: memref<!tpu.dma_semaphore, #tpu.memory_space<semaphore_mem>>, %arg24: memref<!tpu.dma_semaphore, #tpu.memory_space<semaphore_mem>>, %arg25: memref<!tpu.dma_semaphore, #tpu.memory_space<semaphore_mem>>, %arg26: memref<!tpu.dma_semaphore, #tpu.memory_space<semaphore_mem>>, %arg27: memref<!tpu.dma_semaphore, #tpu.memory_space<semaphore_mem>>, %arg28: memref<!tpu.dma_semaphore, #tpu.memory_space<semaphore_mem>>, %arg29: memref<!tpu.dma_semaphore, #tpu.memory_space<semaphore_mem>>, %arg30: memref<!tpu.dma_semaphore, #tpu.memory_space<semaphore_mem>>, %arg31: memref<!tpu.dma_semaphore, #tpu.memory_space<semaphore_mem>>, %arg32: memref<!tpu.dma_semaphore, #tpu.memory_space<semaphore_mem>>, %arg33: memref<!tpu.dma_semaphore, #tpu.memory_space<semaphore_mem>>) attributes {dimension_semantics = [#tpu.dimension_semantics<core_parallel>, #tpu.dimension_semantics<subcore_parallel>], iteration_bounds = array<i64: 2, 16>, scalar_prefetch = 0 : i64, scratch_operands = 29 : i64, tpu.core_type = #tpu.core_type<sc_vector_subcore>, window_params = [{transform_indices = #map}, {transform_indices = #map1}, {transform_indices = #map2}]} {
    %mul3A = arith.constant 2 : i32
    %mul3A_0 = arith.muli %arg1, %mul3A : i32
    %add3A = arith.addi %mul3A_0, %arg0 : i32
    %run_scoped3A = arith.constant 0 : i32
    "tpu.region"() ({
      %run_scoped3A_328 = tpu.sem_alloc : memref<!tpu.dma_semaphore, #tpu.memory_space<semaphore_mem>>
      %dma_start3A_329 = arith.constant 0 : i32
      %dma_start3A_330 = arith.constant 0 : i32
      %dma_start3A_331 = tpu.memref_slice %arg3[%run_scoped3A, %add3A, %dma_start3A_329, %dma_start3A_330] : memref<2x32x80x125xi32, #tpu.memory_space<hbm>> -> memref<1x1x80x125xi32, #tpu.memory_space<hbm>>
      %dma_start3A_332 = tpu.memref_squeeze %dma_start3A_331 : memref<1x1x80x125xi32, #tpu.memory_space<hbm>> -> memref<80x125xi32, #tpu.memory_space<hbm>>
      %dma_start3A_333 = arith.constant 0 : i32
      %dma_start3A_334 = arith.constant 0 : i32
      %dma_start3A_335 = tpu.memref_slice %arg3[%run_scoped3A, %add3A, %dma_start3A_333, %dma_start3A_334] : memref<2x32x80x125xi32, #tpu.memory_space<hbm>> -> memref<1x1x80x125xi32, #tpu.memory_space<hbm>>
      %dma_start3A_336 = tpu.memref_squeeze %dma_start3A_335 : memref<1x1x80x125xi32, #tpu.memory_space<hbm>> -> memref<80x125xi32, #tpu.memory_space<hbm>>
      tpu.enqueue_dma source(%dma_start3A_336 : memref<80x125xi32, #tpu.memory_space<hbm>>) target(%arg5 : memref<80x125xi32, #tpu.memory_space<vmem>>) target_semaphore(%run_scoped3A_328 : memref<!tpu.dma_semaphore, #tpu.memory_space<semaphore_mem>>)
      %dma_wait3A_337 = arith.constant 0 : i32
      %dma_wait3A_338 = arith.constant 0 : i32
      %dma_wait3A_339 = tpu.memref_slice %arg3[%run_scoped3A, %add3A, %dma_wait3A_337, %dma_wait3A_338] : memref<2x32x80x125xi32, #tpu.memory_space<hbm>> -> memref<1x1x80x125xi32, #tpu.memory_space<hbm>>
      %dma_wait3A_340 = tpu.memref_squeeze %dma_wait3A_339 : memref<1x1x80x125xi32, #tpu.memory_space<hbm>> -> memref<80x125xi32, #tpu.memory_space<hbm>>
      %dma_wait3A_341 = arith.constant 0 : i32
      %dma_wait3A_342 = arith.constant 0 : i32
      %dma_wait3A_343 = tpu.memref_slice %arg3[%run_scoped3A, %add3A, %dma_wait3A_341, %dma_wait3A_342] : memref<2x32x80x125xi32, #tpu.memory_space<hbm>> -> memref<1x1x80x125xi32, #tpu.memory_space<hbm>>
      %dma_wait3A_344 = tpu.memref_squeeze %dma_wait3A_343 : memref<1x1x80x125xi32, #tpu.memory_space<hbm>> -> memref<80x125xi32, #tpu.memory_space<hbm>>
      tpu.wait_dma2 semaphore(%run_scoped3A_328 : memref<!tpu.dma_semaphore, #tpu.memory_space<semaphore_mem>>) src(%dma_wait3A_344 : memref<80x125xi32, #tpu.memory_space<hbm>>) dst(%arg5 : memref<80x125xi32, #tpu.memory_space<vmem>>)
      tpu.yield
    }) : () -> ()
    %run_scoped3A_1 = arith.constant 1 : i32
    "tpu.region"() ({
      %run_scoped3A_328 = tpu.sem_alloc : memref<!tpu.dma_semaphore, #tpu.memory_space<semaphore_mem>>
      %dma_start3A_329 = arith.constant 0 : i32
      %dma_start3A_330 = arith.constant 0 : i32
      %dma_start3A_331 = tpu.memref_slice %arg3[%run_scoped3A_1, %add3A, %dma_start3A_329, %dma_start3A_330] : memref<2x32x80x125xi32, #tpu.memory_space<hbm>> -> memref<1x1x80x125xi32, #tpu.memory_space<hbm>>
      %dma_start3A_332 = tpu.memref_squeeze %dma_start3A_331 : memref<1x1x80x125xi32, #tpu.memory_space<hbm>> -> memref<80x125xi32, #tpu.memory_space<hbm>>
      %dma_start3A_333 = arith.constant 0 : i32
      %dma_start3A_334 = arith.constant 0 : i32
      %dma_start3A_335 = tpu.memref_slice %arg3[%run_scoped3A_1, %add3A, %dma_start3A_333, %dma_start3A_334] : memref<2x32x80x125xi32, #tpu.memory_space<hbm>> -> memref<1x1x80x125xi32, #tpu.memory_space<hbm>>
      %dma_start3A_336 = tpu.memref_squeeze %dma_start3A_335 : memref<1x1x80x125xi32, #tpu.memory_space<hbm>> -> memref<80x125xi32, #tpu.memory_space<hbm>>
      tpu.enqueue_dma source(%dma_start3A_336 : memref<80x125xi32, #tpu.memory_space<hbm>>) target(%arg6 : memref<80x125xi32, #tpu.memory_space<vmem>>) target_semaphore(%run_scoped3A_328 : memref<!tpu.dma_semaphore, #tpu.memory_space<semaphore_mem>>)
      %dma_wait3A_337 = arith.constant 0 : i32
      %dma_wait3A_338 = arith.constant 0 : i32
      %dma_wait3A_339 = tpu.memref_slice %arg3[%run_scoped3A_1, %add3A, %dma_wait3A_337, %dma_wait3A_338] : memref<2x32x80x125xi32, #tpu.memory_space<hbm>> -> memref<1x1x80x125xi32, #tpu.memory_space<hbm>>
      %dma_wait3A_340 = tpu.memref_squeeze %dma_wait3A_339 : memref<1x1x80x125xi32, #tpu.memory_space<hbm>> -> memref<80x125xi32, #tpu.memory_space<hbm>>
      %dma_wait3A_341 = arith.constant 0 : i32
      %dma_wait3A_342 = arith.constant 0 : i32
      %dma_wait3A_343 = tpu.memref_slice %arg3[%run_scoped3A_1, %add3A, %dma_wait3A_341, %dma_wait3A_342] : memref<2x32x80x125xi32, #tpu.memory_space<hbm>> -> memref<1x1x80x125xi32, #tpu.memory_space<hbm>>
      %dma_wait3A_344 = tpu.memref_squeeze %dma_wait3A_343 : memref<1x1x80x125xi32, #tpu.memory_space<hbm>> -> memref<80x125xi32, #tpu.memory_space<hbm>>
      tpu.wait_dma2 semaphore(%run_scoped3A_328 : memref<!tpu.dma_semaphore, #tpu.memory_space<semaphore_mem>>) src(%dma_wait3A_344 : memref<80x125xi32, #tpu.memory_space<hbm>>) dst(%arg6 : memref<80x125xi32, #tpu.memory_space<vmem>>)
      tpu.yield
    }) : () -> ()
    %dma_start3A = arith.constant 0 : i32
    %dma_start3A_2 = arith.constant 0 : i32
    %dma_start3A_3 = tpu.memref_slice %arg5[%dma_start3A, %dma_start3A_2] : memref<80x125xi32, #tpu.memory_space<vmem>> -> memref<1x125xi32, #tpu.memory_space<vmem>>
    %dma_start3A_4 = tpu.memref_squeeze %dma_start3A_3 : memref<1x125xi32, #tpu.memory_space<vmem>> -> memref<125xi32, #tpu.memory_space<vmem>>
    %dma_start3A_5 = arith.constant 0 : i32
    %dma_start3A_6 = arith.constant 0 : i32
    %dma_start3A_7 = tpu.memref_slice %arg2[%dma_start3A_5, %dma_start3A_6] : memref<10000x96xbf16, #tpu.memory_space<hbm>> -> memref<10000x96xbf16, #tpu.memory_space<hbm>>
    tpu.enqueue_indirect_dma source(%dma_start3A_7 : memref<10000x96xbf16, #tpu.memory_space<hbm>>) target(%arg7 : memref<125x96xbf16, #tpu.memory_space<vmem>>) offsets(%dma_start3A_4 : memref<125xi32, #tpu.memory_space<vmem>>) semaphore(%arg18 : memref<!tpu.dma_semaphore, #tpu.memory_space<semaphore_mem>>)
    %dma_start3A_8 = arith.constant 1 : i32
    %dma_start3A_9 = arith.constant 0 : i32
    %dma_start3A_10 = tpu.memref_slice %arg5[%dma_start3A_8, %dma_start3A_9] : memref<80x125xi32, #tpu.memory_space<vmem>> -> memref<1x125xi32, #tpu.memory_space<vmem>>
    %dma_start3A_11 = tpu.memref_squeeze %dma_start3A_10 : memref<1x125xi32, #tpu.memory_space<vmem>> -> memref<125xi32, #tpu.memory_space<vmem>>
    %dma_start3A_12 = arith.constant 0 : i32
    %dma_start3A_13 = arith.constant 0 : i32
    %dma_start3A_14 = tpu.memref_slice %arg2[%dma_start3A_12, %dma_start3A_13] : memref<10000x96xbf16, #tpu.memory_space<hbm>> -> memref<10000x96xbf16, #tpu.memory_space<hbm>>
    tpu.enqueue_indirect_dma source(%dma_start3A_14 : memref<10000x96xbf16, #tpu.memory_space<hbm>>) target(%arg8 : memref<125x96xbf16, #tpu.memory_space<vmem>>) offsets(%dma_start3A_11 : memref<125xi32, #tpu.memory_space<vmem>>) semaphore(%arg19 : memref<!tpu.dma_semaphore, #tpu.memory_space<semaphore_mem>>)
    %dma_start3A_15 = arith.constant 2 : i32
    %dma_start3A_16 = arith.constant 0 : i32
    %dma_start3A_17 = tpu.memref_slice %arg5[%dma_start3A_15, %dma_start3A_16] : memref<80x125xi32, #tpu.memory_space<vmem>> -> memref<1x125xi32, #tpu.memory_space<vmem>>
    %dma_start3A_18 = tpu.memref_squeeze %dma_start3A_17 : memref<1x125xi32, #tpu.memory_space<vmem>> -> memref<125xi32, #tpu.memory_space<vmem>>
    %dma_start3A_19 = arith.constant 0 : i32
    %dma_start3A_20 = arith.constant 0 : i32
    %dma_start3A_21 = tpu.memref_slice %arg2[%dma_start3A_19, %dma_start3A_20] : memref<10000x96xbf16, #tpu.memory_space<hbm>> -> memref<10000x96xbf16, #tpu.memory_space<hbm>>
    tpu.enqueue_indirect_dma source(%dma_start3A_21 : memref<10000x96xbf16, #tpu.memory_space<hbm>>) target(%arg9 : memref<125x96xbf16, #tpu.memory_space<vmem>>) offsets(%dma_start3A_18 : memref<125xi32, #tpu.memory_space<vmem>>) semaphore(%arg20 : memref<!tpu.dma_semaphore, #tpu.memory_space<semaphore_mem>>)
    %dma_start3A_22 = arith.constant 3 : i32
    %dma_start3A_23 = arith.constant 0 : i32
    %dma_start3A_24 = tpu.memref_slice %arg5[%dma_start3A_22, %dma_start3A_23] : memref<80x125xi32, #tpu.memory_space<vmem>> -> memref<1x125xi32, #tpu.memory_space<vmem>>
    %dma_start3A_25 = tpu.memref_squeeze %dma_start3A_24 : memref<1x125xi32, #tpu.memory_space<vmem>> -> memref<125xi32, #tpu.memory_space<vmem>>
    %dma_start3A_26 = arith.constant 0 : i32
    %dma_start3A_27 = arith.constant 0 : i32
    %dma_start3A_28 = tpu.memref_slice %arg2[%dma_start3A_26, %dma_start3A_27] : memref<10000x96xbf16, #tpu.memory_space<hbm>> -> memref<10000x96xbf16, #tpu.memory_space<hbm>>
    tpu.enqueue_indirect_dma source(%dma_start3A_28 : memref<10000x96xbf16, #tpu.memory_space<hbm>>) target(%arg10 : memref<125x96xbf16, #tpu.memory_space<vmem>>) offsets(%dma_start3A_25 : memref<125xi32, #tpu.memory_space<vmem>>) semaphore(%arg21 : memref<!tpu.dma_semaphore, #tpu.memory_space<semaphore_mem>>)
    %dma_start3A_29 = arith.constant 4 : i32
    %dma_start3A_30 = arith.constant 0 : i32
    %dma_start3A_31 = tpu.memref_slice %arg5[%dma_start3A_29, %dma_start3A_30] : memref<80x125xi32, #tpu.memory_space<vmem>> -> memref<1x125xi32, #tpu.memory_space<vmem>>
    %dma_start3A_32 = tpu.memref_squeeze %dma_start3A_31 : memref<1x125xi32, #tpu.memory_space<vmem>> -> memref<125xi32, #tpu.memory_space<vmem>>
    %dma_start3A_33 = arith.constant 0 : i32
    %dma_start3A_34 = arith.constant 0 : i32
    %dma_start3A_35 = tpu.memref_slice %arg2[%dma_start3A_33, %dma_start3A_34] : memref<10000x96xbf16, #tpu.memory_space<hbm>> -> memref<10000x96xbf16, #tpu.memory_space<hbm>>
    tpu.enqueue_indirect_dma source(%dma_start3A_35 : memref<10000x96xbf16, #tpu.memory_space<hbm>>) target(%arg11 : memref<125x96xbf16, #tpu.memory_space<vmem>>) offsets(%dma_start3A_32 : memref<125xi32, #tpu.memory_space<vmem>>) semaphore(%arg22 : memref<!tpu.dma_semaphore, #tpu.memory_space<semaphore_mem>>)
    %dma_start3A_36 = arith.constant 5 : i32
    %dma_start3A_37 = arith.constant 0 : i32
    %dma_start3A_38 = tpu.memref_slice %arg5[%dma_start3A_36, %dma_start3A_37] : memref<80x125xi32, #tpu.memory_space<vmem>> -> memref<1x125xi32, #tpu.memory_space<vmem>>
    %dma_start3A_39 = tpu.memref_squeeze %dma_start3A_38 : memref<1x125xi32, #tpu.memory_space<vmem>> -> memref<125xi32, #tpu.memory_space<vmem>>
    %dma_start3A_40 = arith.constant 0 : i32
    %dma_start3A_41 = arith.constant 0 : i32
    %dma_start3A_42 = tpu.memref_slice %arg2[%dma_start3A_40, %dma_start3A_41] : memref<10000x96xbf16, #tpu.memory_space<hbm>> -> memref<10000x96xbf16, #tpu.memory_space<hbm>>
    tpu.enqueue_indirect_dma source(%dma_start3A_42 : memref<10000x96xbf16, #tpu.memory_space<hbm>>) target(%arg12 : memref<125x96xbf16, #tpu.memory_space<vmem>>) offsets(%dma_start3A_39 : memref<125xi32, #tpu.memory_space<vmem>>) semaphore(%arg23 : memref<!tpu.dma_semaphore, #tpu.memory_space<semaphore_mem>>)
    %dma_start3A_43 = arith.constant 6 : i32
    %dma_start3A_44 = arith.constant 0 : i32
    %dma_start3A_45 = tpu.memref_slice %arg5[%dma_start3A_43, %dma_start3A_44] : memref<80x125xi32, #tpu.memory_space<vmem>> -> memref<1x125xi32, #tpu.memory_space<vmem>>
    %dma_start3A_46 = tpu.memref_squeeze %dma_start3A_45 : memref<1x125xi32, #tpu.memory_space<vmem>> -> memref<125xi32, #tpu.memory_space<vmem>>
    %dma_start3A_47 = arith.constant 0 : i32
    %dma_start3A_48 = arith.constant 0 : i32
    %dma_start3A_49 = tpu.memref_slice %arg2[%dma_start3A_47, %dma_start3A_48] : memref<10000x96xbf16, #tpu.memory_space<hbm>> -> memref<10000x96xbf16, #tpu.memory_space<hbm>>
    tpu.enqueue_indirect_dma source(%dma_start3A_49 : memref<10000x96xbf16, #tpu.memory_space<hbm>>) target(%arg13 : memref<125x96xbf16, #tpu.memory_space<vmem>>) offsets(%dma_start3A_46 : memref<125xi32, #tpu.memory_space<vmem>>) semaphore(%arg24 : memref<!tpu.dma_semaphore, #tpu.memory_space<semaphore_mem>>)
    %dma_start3A_50 = arith.constant 7 : i32
    %dma_start3A_51 = arith.constant 0 : i32
    %dma_start3A_52 = tpu.memref_slice %arg5[%dma_start3A_50, %dma_start3A_51] : memref<80x125xi32, #tpu.memory_space<vmem>> -> memref<1x125xi32, #tpu.memory_space<vmem>>
    %dma_start3A_53 = tpu.memref_squeeze %dma_start3A_52 : memref<1x125xi32, #tpu.memory_space<vmem>> -> memref<125xi32, #tpu.memory_space<vmem>>
    %dma_start3A_54 = arith.constant 0 : i32
    %dma_start3A_55 = arith.constant 0 : i32
    %dma_start3A_56 = tpu.memref_slice %arg2[%dma_start3A_54, %dma_start3A_55] : memref<10000x96xbf16, #tpu.memory_space<hbm>> -> memref<10000x96xbf16, #tpu.memory_space<hbm>>
    tpu.enqueue_indirect_dma source(%dma_start3A_56 : memref<10000x96xbf16, #tpu.memory_space<hbm>>) target(%arg14 : memref<125x96xbf16, #tpu.memory_space<vmem>>) offsets(%dma_start3A_53 : memref<125xi32, #tpu.memory_space<vmem>>) semaphore(%arg25 : memref<!tpu.dma_semaphore, #tpu.memory_space<semaphore_mem>>)
    %broadcast_in_dim3A = arith.constant 0.000000e+00 : bf16
    %broadcast_in_dim3A_57 = vector.broadcast %broadcast_in_dim3A : bf16 to vector<32xbf16>
    %scan3A = arith.constant 0 : i32
    %scan3A_58 = arith.constant 0 : i32
    %scan3A_59 = arith.constant 125 : i32
    %scan3A_60 = arith.addi %scan3A_58, %scan3A_59 : i32
    %scan3A_61 = arith.constant 1 : i32
    scf.for %scan3A_328 = %scan3A_58 to %scan3A_60 step %scan3A_61  : i32 {
      %swap3A = arith.index_cast %scan3A_328 : i32 to index
      %swap3A_329 = arith.constant 0 : index
      %swap3A_330 = tpu.vector_load %arg15[%swap3A, %swap3A_329] {strides = array<i32>} : memref<125x96xbf16, #tpu.memory_space<vmem>>, vector<1x32xbf16>,
      %swap3A_331 = vector.shape_cast %swap3A_330 : vector<1x32xbf16> to vector<32xbf16>
      %swap3A_332 = vector.shape_cast %broadcast_in_dim3A_57 : vector<32xbf16> to vector<1x32xbf16>
      tpu.vector_store %arg15[%swap3A, %swap3A_329], %swap3A_332 {strides = array<i32>} : memref<125x96xbf16, #tpu.memory_space<vmem>>, vector<1x32xbf16>,
      %swap3A_333 = arith.index_cast %scan3A_328 : i32 to index
      %swap3A_334 = arith.constant 32 : index
      %swap3A_335 = tpu.vector_load %arg15[%swap3A_333, %swap3A_334] {strides = array<i32>} : memref<125x96xbf16, #tpu.memory_space<vmem>>, vector<1x32xbf16>,
      %swap3A_336 = vector.shape_cast %swap3A_335 : vector<1x32xbf16> to vector<32xbf16>
      %swap3A_337 = vector.shape_cast %broadcast_in_dim3A_57 : vector<32xbf16> to vector<1x32xbf16>
      tpu.vector_store %arg15[%swap3A_333, %swap3A_334], %swap3A_337 {strides = array<i32>} : memref<125x96xbf16, #tpu.memory_space<vmem>>, vector<1x32xbf16>,
      %swap3A_338 = arith.index_cast %scan3A_328 : i32 to index
      %swap3A_339 = arith.constant 64 : index
      %swap3A_340 = tpu.vector_load %arg15[%swap3A_338, %swap3A_339] {strides = array<i32>} : memref<125x96xbf16, #tpu.memory_space<vmem>>, vector<1x32xbf16>,
      %swap3A_341 = vector.shape_cast %swap3A_340 : vector<1x32xbf16> to vector<32xbf16>
      %swap3A_342 = vector.shape_cast %broadcast_in_dim3A_57 : vector<32xbf16> to vector<1x32xbf16>
      tpu.vector_store %arg15[%swap3A_338, %swap3A_339], %swap3A_342 {strides = array<i32>} : memref<125x96xbf16, #tpu.memory_space<vmem>>, vector<1x32xbf16>,
    }
    %scan3A_62 = arith.constant 125 : i32
    %mul3A_63 = arith.constant 625 : i32
    %mul3A_64 = arith.muli %arg1, %mul3A_63 : i32
    %add3A_65 = arith.constant 0 : i32
    %add3A_66 = arith.addi %mul3A_64, %add3A_65 : i32
    "tpu.region"() ({
      %run_scoped3A_328 = tpu.sem_alloc : memref<!tpu.dma_semaphore, #tpu.memory_space<semaphore_mem>>
      %dma_start3A_329 = arith.constant 0 : i32
      %dma_start3A_330 = tpu.memref_slice %arg17[%add3A_66, %dma_start3A_329] : memref<10000x96xbf16, #tpu.memory_space<vmem_shared>> -> memref<125x96xbf16, #tpu.memory_space<vmem_shared>>
      %dma_start3A_331 = arith.constant 0 : i32
      %dma_start3A_332 = tpu.memref_slice %arg17[%add3A_66, %dma_start3A_331] : memref<10000x96xbf16, #tpu.memory_space<vmem_shared>> -> memref<125x96xbf16, #tpu.memory_space<vmem_shared>>
      tpu.enqueue_dma source(%arg15 : memref<125x96xbf16, #tpu.memory_space<vmem>>) target(%dma_start3A_332 : memref<125x96xbf16, #tpu.memory_space<vmem_shared>>) target_semaphore(%run_scoped3A_328 : memref<!tpu.dma_semaphore, #tpu.memory_space<semaphore_mem>>)
      %dma_wait3A_333 = arith.constant 0 : i32
      %dma_wait3A_334 = tpu.memref_slice %arg17[%add3A_66, %dma_wait3A_333] : memref<10000x96xbf16, #tpu.memory_space<vmem_shared>> -> memref<125x96xbf16, #tpu.memory_space<vmem_shared>>
      %dma_wait3A_335 = arith.constant 0 : i32
      %dma_wait3A_336 = tpu.memref_slice %arg17[%add3A_66, %dma_wait3A_335] : memref<10000x96xbf16, #tpu.memory_space<vmem_shared>> -> memref<125x96xbf16, #tpu.memory_space<vmem_shared>>
      tpu.wait_dma2 semaphore(%run_scoped3A_328 : memref<!tpu.dma_semaphore, #tpu.memory_space<semaphore_mem>>) src(%arg15 : memref<125x96xbf16, #tpu.memory_space<vmem>>) dst(%dma_wait3A_336 : memref<125x96xbf16, #tpu.memory_space<vmem_shared>>)
      tpu.yield
    }) : () -> ()
    %add3A_67 = arith.constant 125 : i32
    %add3A_68 = arith.addi %mul3A_64, %add3A_67 : i32
    "tpu.region"() ({
      %run_scoped3A_328 = tpu.sem_alloc : memref<!tpu.dma_semaphore, #tpu.memory_space<semaphore_mem>>
      %dma_start3A_329 = arith.constant 0 : i32
      %dma_start3A_330 = tpu.memref_slice %arg17[%add3A_68, %dma_start3A_329] : memref<10000x96xbf16, #tpu.memory_space<vmem_shared>> -> memref<125x96xbf16, #tpu.memory_space<vmem_shared>>
      %dma_start3A_331 = arith.constant 0 : i32
      %dma_start3A_332 = tpu.memref_slice %arg17[%add3A_68, %dma_start3A_331] : memref<10000x96xbf16, #tpu.memory_space<vmem_shared>> -> memref<125x96xbf16, #tpu.memory_space<vmem_shared>>
      tpu.enqueue_dma source(%arg15 : memref<125x96xbf16, #tpu.memory_space<vmem>>) target(%dma_start3A_332 : memref<125x96xbf16, #tpu.memory_space<vmem_shared>>) target_semaphore(%run_scoped3A_328 : memref<!tpu.dma_semaphore, #tpu.memory_space<semaphore_mem>>)
      %dma_wait3A_333 = arith.constant 0 : i32
      %dma_wait3A_334 = tpu.memref_slice %arg17[%add3A_68, %dma_wait3A_333] : memref<10000x96xbf16, #tpu.memory_space<vmem_shared>> -> memref<125x96xbf16, #tpu.memory_space<vmem_shared>>
      %dma_wait3A_335 = arith.constant 0 : i32
      %dma_wait3A_336 = tpu.memref_slice %arg17[%add3A_68, %dma_wait3A_335] : memref<10000x96xbf16, #tpu.memory_space<vmem_shared>> -> memref<125x96xbf16, #tpu.memory_space<vmem_shared>>
      tpu.wait_dma2 semaphore(%run_scoped3A_328 : memref<!tpu.dma_semaphore, #tpu.memory_space<semaphore_mem>>) src(%arg15 : memref<125x96xbf16, #tpu.memory_space<vmem>>) dst(%dma_wait3A_336 : memref<125x96xbf16, #tpu.memory_space<vmem_shared>>)
      tpu.yield
    }) : () -> ()
    %add3A_69 = arith.constant 250 : i32
    %add3A_70 = arith.addi %mul3A_64, %add3A_69 : i32
    "tpu.region"() ({
      %run_scoped3A_328 = tpu.sem_alloc : memref<!tpu.dma_semaphore, #tpu.memory_space<semaphore_mem>>
      %dma_start3A_329 = arith.constant 0 : i32
      %dma_start3A_330 = tpu.memref_slice %arg17[%add3A_70, %dma_start3A_329] : memref<10000x96xbf16, #tpu.memory_space<vmem_shared>> -> memref<125x96xbf16, #tpu.memory_space<vmem_shared>>
      %dma_start3A_331 = arith.constant 0 : i32
      %dma_start3A_332 = tpu.memref_slice %arg17[%add3A_70, %dma_start3A_331] : memref<10000x96xbf16, #tpu.memory_space<vmem_shared>> -> memref<125x96xbf16, #tpu.memory_space<vmem_shared>>
      tpu.enqueue_dma source(%arg15 : memref<125x96xbf16, #tpu.memory_space<vmem>>) target(%dma_start3A_332 : memref<125x96xbf16, #tpu.memory_space<vmem_shared>>) target_semaphore(%run_scoped3A_328 : memref<!tpu.dma_semaphore, #tpu.memory_space<semaphore_mem>>)
      %dma_wait3A_333 = arith.constant 0 : i32
      %dma_wait3A_334 = tpu.memref_slice %arg17[%add3A_70, %dma_wait3A_333] : memref<10000x96xbf16, #tpu.memory_space<vmem_shared>> -> memref<125x96xbf16, #tpu.memory_space<vmem_shared>>
      %dma_wait3A_335 = arith.constant 0 : i32
      %dma_wait3A_336 = tpu.memref_slice %arg17[%add3A_70, %dma_wait3A_335] : memref<10000x96xbf16, #tpu.memory_space<vmem_shared>> -> memref<125x96xbf16, #tpu.memory_space<vmem_shared>>
      tpu.wait_dma2 semaphore(%run_scoped3A_328 : memref<!tpu.dma_semaphore, #tpu.memory_space<semaphore_mem>>) src(%arg15 : memref<125x96xbf16, #tpu.memory_space<vmem>>) dst(%dma_wait3A_336 : memref<125x96xbf16, #tpu.memory_space<vmem_shared>>)
      tpu.yield
    }) : () -> ()
    %add3A_71 = arith.constant 375 : i32
    %add3A_72 = arith.addi %mul3A_64, %add3A_71 : i32
    "tpu.region"() ({
      %run_scoped3A_328 = tpu.sem_alloc : memref<!tpu.dma_semaphore, #tpu.memory_space<semaphore_mem>>
      %dma_start3A_329 = arith.constant 0 : i32
      %dma_start3A_330 = tpu.memref_slice %arg17[%add3A_72, %dma_start3A_329] : memref<10000x96xbf16, #tpu.memory_space<vmem_shared>> -> memref<125x96xbf16, #tpu.memory_space<vmem_shared>>
      %dma_start3A_331 = arith.constant 0 : i32
      %dma_start3A_332 = tpu.memref_slice %arg17[%add3A_72, %dma_start3A_331] : memref<10000x96xbf16, #tpu.memory_space<vmem_shared>> -> memref<125x96xbf16, #tpu.memory_space<vmem_shared>>
      tpu.enqueue_dma source(%arg15 : memref<125x96xbf16, #tpu.memory_space<vmem>>) target(%dma_start3A_332 : memref<125x96xbf16, #tpu.memory_space<vmem_shared>>) target_semaphore(%run_scoped3A_328 : memref<!tpu.dma_semaphore, #tpu.memory_space<semaphore_mem>>)
      %dma_wait3A_333 = arith.constant 0 : i32
      %dma_wait3A_334 = tpu.memref_slice %arg17[%add3A_72, %dma_wait3A_333] : memref<10000x96xbf16, #tpu.memory_space<vmem_shared>> -> memref<125x96xbf16, #tpu.memory_space<vmem_shared>>
      %dma_wait3A_335 = arith.constant 0 : i32
      %dma_wait3A_336 = tpu.memref_slice %arg17[%add3A_72, %dma_wait3A_335] : memref<10000x96xbf16, #tpu.memory_space<vmem_shared>> -> memref<125x96xbf16, #tpu.memory_space<vmem_shared>>
      tpu.wait_dma2 semaphore(%run_scoped3A_328 : memref<!tpu.dma_semaphore, #tpu.memory_space<semaphore_mem>>) src(%arg15 : memref<125x96xbf16, #tpu.memory_space<vmem>>) dst(%dma_wait3A_336 : memref<125x96xbf16, #tpu.memory_space<vmem_shared>>)
      tpu.yield
    }) : () -> ()
    %add3A_73 = arith.constant 500 : i32
    %add3A_74 = arith.addi %mul3A_64, %add3A_73 : i32
    "tpu.region"() ({
      %run_scoped3A_328 = tpu.sem_alloc : memref<!tpu.dma_semaphore, #tpu.memory_space<semaphore_mem>>
      %dma_start3A_329 = arith.constant 0 : i32
      %dma_start3A_330 = tpu.memref_slice %arg17[%add3A_74, %dma_start3A_329] : memref<10000x96xbf16, #tpu.memory_space<vmem_shared>> -> memref<125x96xbf16, #tpu.memory_space<vmem_shared>>
      %dma_start3A_331 = arith.constant 0 : i32
      %dma_start3A_332 = tpu.memref_slice %arg17[%add3A_74, %dma_start3A_331] : memref<10000x96xbf16, #tpu.memory_space<vmem_shared>> -> memref<125x96xbf16, #tpu.memory_space<vmem_shared>>
      tpu.enqueue_dma source(%arg15 : memref<125x96xbf16, #tpu.memory_space<vmem>>) target(%dma_start3A_332 : memref<125x96xbf16, #tpu.memory_space<vmem_shared>>) target_semaphore(%run_scoped3A_328 : memref<!tpu.dma_semaphore, #tpu.memory_space<semaphore_mem>>)
      %dma_wait3A_333 = arith.constant 0 : i32
      %dma_wait3A_334 = tpu.memref_slice %arg17[%add3A_74, %dma_wait3A_333] : memref<10000x96xbf16, #tpu.memory_space<vmem_shared>> -> memref<125x96xbf16, #tpu.memory_space<vmem_shared>>
      %dma_wait3A_335 = arith.constant 0 : i32
      %dma_wait3A_336 = tpu.memref_slice %arg17[%add3A_74, %dma_wait3A_335] : memref<10000x96xbf16, #tpu.memory_space<vmem_shared>> -> memref<125x96xbf16, #tpu.memory_space<vmem_shared>>
      tpu.wait_dma2 semaphore(%run_scoped3A_328 : memref<!tpu.dma_semaphore, #tpu.memory_space<semaphore_mem>>) src(%arg15 : memref<125x96xbf16, #tpu.memory_space<vmem>>) dst(%dma_wait3A_336 : memref<125x96xbf16, #tpu.memory_space<vmem_shared>>)
      tpu.yield
    }) : () -> ()
    %barrier3A = arith.constant 0 : index
    tpu.barrier barrier_id(%barrier3A)
    %scan3A_75 = arith.constant 0 : i32
    %scan3A_76 = arith.constant 0 : i32
    %scan3A_77 = arith.constant 9 : i32
    %scan3A_78 = arith.addi %scan3A_76, %scan3A_77 : i32
    %scan3A_79 = arith.constant 1 : i32
    scf.for %scan3A_328 = %scan3A_76 to %scan3A_78 step %scan3A_79  : i32 {
      %mul3A_329 = arith.constant 8 : i32
      %mul3A_330 = arith.muli %scan3A_328, %mul3A_329 : i32
      %add3A_331 = arith.constant 0 : i32
      %add3A_332 = arith.addi %mul3A_330, %add3A_331 : i32
      %dma_wait3A_333 = arith.constant 0 : i32
      %dma_wait3A_334 = tpu.memref_slice %arg5[%add3A_332, %dma_wait3A_333] : memref<80x125xi32, #tpu.memory_space<vmem>> -> memref<1x125xi32, #tpu.memory_space<vmem>>
      %dma_wait3A_335 = tpu.memref_squeeze %dma_wait3A_334 : memref<1x125xi32, #tpu.memory_space<vmem>> -> memref<125xi32, #tpu.memory_space<vmem>>
      %dma_wait3A_336 = arith.constant 0 : i32
      %dma_wait3A_337 = arith.constant 0 : i32
      %dma_wait3A_338 = tpu.memref_slice %arg2[%dma_wait3A_336, %dma_wait3A_337] : memref<10000x96xbf16, #tpu.memory_space<hbm>> -> memref<10000x96xbf16, #tpu.memory_space<hbm>>
      tpu.wait_indirect_dma semaphore(%arg18 : memref<!tpu.dma_semaphore, #tpu.memory_space<semaphore_mem>>) src(%dma_wait3A_338 : memref<10000x96xbf16, #tpu.memory_space<hbm>>) dst(%arg7 : memref<125x96xbf16, #tpu.memory_space<vmem>>)
      %dma_start3A_339 = arith.constant 0 : i32
      %dma_start3A_340 = tpu.memref_slice %arg6[%add3A_332, %dma_start3A_339] : memref<80x125xi32, #tpu.memory_space<vmem>> -> memref<1x125xi32, #tpu.memory_space<vmem>>
      %dma_start3A_341 = tpu.memref_squeeze %dma_start3A_340 : memref<1x125xi32, #tpu.memory_space<vmem>> -> memref<125xi32, #tpu.memory_space<vmem>>
      %dma_start3A_342 = arith.constant 0 : i32
      %dma_start3A_343 = arith.constant 0 : i32
      %dma_start3A_344 = tpu.memref_slice %arg17[%dma_start3A_342, %dma_start3A_343] : memref<10000x96xbf16, #tpu.memory_space<vmem_shared>> -> memref<10000x96xbf16, #tpu.memory_space<vmem_shared>>
      tpu.enqueue_indirect_dma source(%arg7 : memref<125x96xbf16, #tpu.memory_space<vmem>>) target(%dma_start3A_344 : memref<10000x96xbf16, #tpu.memory_space<vmem_shared>>) offsets(%dma_start3A_341 : memref<125xi32, #tpu.memory_space<vmem>>) semaphore(%arg26 : memref<!tpu.dma_semaphore, #tpu.memory_space<semaphore_mem>>) {add = true}
      %mul3A_345 = arith.constant 8 : i32
      %mul3A_346 = arith.muli %scan3A_328, %mul3A_345 : i32
      %add3A_347 = arith.constant 1 : i32
      %add3A_348 = arith.addi %mul3A_346, %add3A_347 : i32
      %dma_wait3A_349 = arith.constant 0 : i32
      %dma_wait3A_350 = tpu.memref_slice %arg5[%add3A_348, %dma_wait3A_349] : memref<80x125xi32, #tpu.memory_space<vmem>> -> memref<1x125xi32, #tpu.memory_space<vmem>>
      %dma_wait3A_351 = tpu.memref_squeeze %dma_wait3A_350 : memref<1x125xi32, #tpu.memory_space<vmem>> -> memref<125xi32, #tpu.memory_space<vmem>>
      %dma_wait3A_352 = arith.constant 0 : i32
      %dma_wait3A_353 = arith.constant 0 : i32
      %dma_wait3A_354 = tpu.memref_slice %arg2[%dma_wait3A_352, %dma_wait3A_353] : memref<10000x96xbf16, #tpu.memory_space<hbm>> -> memref<10000x96xbf16, #tpu.memory_space<hbm>>
      tpu.wait_indirect_dma semaphore(%arg19 : memref<!tpu.dma_semaphore, #tpu.memory_space<semaphore_mem>>) src(%dma_wait3A_354 : memref<10000x96xbf16, #tpu.memory_space<hbm>>) dst(%arg8 : memref<125x96xbf16, #tpu.memory_space<vmem>>)
      %dma_start3A_355 = arith.constant 0 : i32
      %dma_start3A_356 = tpu.memref_slice %arg6[%add3A_348, %dma_start3A_355] : memref<80x125xi32, #tpu.memory_space<vmem>> -> memref<1x125xi32, #tpu.memory_space<vmem>>
      %dma_start3A_357 = tpu.memref_squeeze %dma_start3A_356 : memref<1x125xi32, #tpu.memory_space<vmem>> -> memref<125xi32, #tpu.memory_space<vmem>>
      %dma_start3A_358 = arith.constant 0 : i32
      %dma_start3A_359 = arith.constant 0 : i32
      %dma_start3A_360 = tpu.memref_slice %arg17[%dma_start3A_358, %dma_start3A_359] : memref<10000x96xbf16, #tpu.memory_space<vmem_shared>> -> memref<10000x96xbf16, #tpu.memory_space<vmem_shared>>
      tpu.enqueue_indirect_dma source(%arg8 : memref<125x96xbf16, #tpu.memory_space<vmem>>) target(%dma_start3A_360 : memref<10000x96xbf16, #tpu.memory_space<vmem_shared>>) offsets(%dma_start3A_357 : memref<125xi32, #tpu.memory_space<vmem>>) semaphore(%arg27 : memref<!tpu.dma_semaphore, #tpu.memory_space<semaphore_mem>>) {add = true}
      %mul3A_361 = arith.constant 8 : i32
      %mul3A_362 = arith.muli %scan3A_328, %mul3A_361 : i32
      %add3A_363 = arith.constant 2 : i32
      %add3A_364 = arith.addi %mul3A_362, %add3A_363 : i32
      %dma_wait3A_365 = arith.constant 0 : i32
      %dma_wait3A_366 = tpu.memref_slice %arg5[%add3A_364, %dma_wait3A_365] : memref<80x125xi32, #tpu.memory_space<vmem>> -> memref<1x125xi32, #tpu.memory_space<vmem>>
      %dma_wait3A_367 = tpu.memref_squeeze %dma_wait3A_366 : memref<1x125xi32, #tpu.memory_space<vmem>> -> memref<125xi32, #tpu.memory_space<vmem>>
      %dma_wait3A_368 = arith.constant 0 : i32
      %dma_wait3A_369 = arith.constant 0 : i32
      %dma_wait3A_370 = tpu.memref_slice %arg2[%dma_wait3A_368, %dma_wait3A_369] : memref<10000x96xbf16, #tpu.memory_space<hbm>> -> memref<10000x96xbf16, #tpu.memory_space<hbm>>
      tpu.wait_indirect_dma semaphore(%arg20 : memref<!tpu.dma_semaphore, #tpu.memory_space<semaphore_mem>>) src(%dma_wait3A_370 : memref<10000x96xbf16, #tpu.memory_space<hbm>>) dst(%arg9 : memref<125x96xbf16, #tpu.memory_space<vmem>>)
      %dma_start3A_371 = arith.constant 0 : i32
      %dma_start3A_372 = tpu.memref_slice %arg6[%add3A_364, %dma_start3A_371] : memref<80x125xi32, #tpu.memory_space<vmem>> -> memref<1x125xi32, #tpu.memory_space<vmem>>
      %dma_start3A_373 = tpu.memref_squeeze %dma_start3A_372 : memref<1x125xi32, #tpu.memory_space<vmem>> -> memref<125xi32, #tpu.memory_space<vmem>>
      %dma_start3A_374 = arith.constant 0 : i32
      %dma_start3A_375 = arith.constant 0 : i32
      %dma_start3A_376 = tpu.memref_slice %arg17[%dma_start3A_374, %dma_start3A_375] : memref<10000x96xbf16, #tpu.memory_space<vmem_shared>> -> memref<10000x96xbf16, #tpu.memory_space<vmem_shared>>
      tpu.enqueue_indirect_dma source(%arg9 : memref<125x96xbf16, #tpu.memory_space<vmem>>) target(%dma_start3A_376 : memref<10000x96xbf16, #tpu.memory_space<vmem_shared>>) offsets(%dma_start3A_373 : memref<125xi32, #tpu.memory_space<vmem>>) semaphore(%arg28 : memref<!tpu.dma_semaphore, #tpu.memory_space<semaphore_mem>>) {add = true}
      %mul3A_377 = arith.constant 8 : i32
      %mul3A_378 = arith.muli %scan3A_328, %mul3A_377 : i32
      %add3A_379 = arith.constant 3 : i32
      %add3A_380 = arith.addi %mul3A_378, %add3A_379 : i32
      %dma_wait3A_381 = arith.constant 0 : i32
      %dma_wait3A_382 = tpu.memref_slice %arg5[%add3A_380, %dma_wait3A_381] : memref<80x125xi32, #tpu.memory_space<vmem>> -> memref<1x125xi32, #tpu.memory_space<vmem>>
      %dma_wait3A_383 = tpu.memref_squeeze %dma_wait3A_382 : memref<1x125xi32, #tpu.memory_space<vmem>> -> memref<125xi32, #tpu.memory_space<vmem>>
      %dma_wait3A_384 = arith.constant 0 : i32
      %dma_wait3A_385 = arith.constant 0 : i32
      %dma_wait3A_386 = tpu.memref_slice %arg2[%dma_wait3A_384, %dma_wait3A_385] : memref<10000x96xbf16, #tpu.memory_space<hbm>> -> memref<10000x96xbf16, #tpu.memory_space<hbm>>
      tpu.wait_indirect_dma semaphore(%arg21 : memref<!tpu.dma_semaphore, #tpu.memory_space<semaphore_mem>>) src(%dma_wait3A_386 : memref<10000x96xbf16, #tpu.memory_space<hbm>>) dst(%arg10 : memref<125x96xbf16, #tpu.memory_space<vmem>>)
      %dma_start3A_387 = arith.constant 0 : i32
      %dma_start3A_388 = tpu.memref_slice %arg6[%add3A_380, %dma_start3A_387] : memref<80x125xi32, #tpu.memory_space<vmem>> -> memref<1x125xi32, #tpu.memory_space<vmem>>
      %dma_start3A_389 = tpu.memref_squeeze %dma_start3A_388 : memref<1x125xi32, #tpu.memory_space<vmem>> -> memref<125xi32, #tpu.memory_space<vmem>>
      %dma_start3A_390 = arith.constant 0 : i32
      %dma_start3A_391 = arith.constant 0 : i32
      %dma_start3A_392 = tpu.memref_slice %arg17[%dma_start3A_390, %dma_start3A_391] : memref<10000x96xbf16, #tpu.memory_space<vmem_shared>> -> memref<10000x96xbf16, #tpu.memory_space<vmem_shared>>
      tpu.enqueue_indirect_dma source(%arg10 : memref<125x96xbf16, #tpu.memory_space<vmem>>) target(%dma_start3A_392 : memref<10000x96xbf16, #tpu.memory_space<vmem_shared>>) offsets(%dma_start3A_389 : memref<125xi32, #tpu.memory_space<vmem>>) semaphore(%arg29 : memref<!tpu.dma_semaphore, #tpu.memory_space<semaphore_mem>>) {add = true}
      %mul3A_393 = arith.constant 8 : i32
      %mul3A_394 = arith.muli %scan3A_328, %mul3A_393 : i32
      %add3A_395 = arith.constant 4 : i32
      %add3A_396 = arith.addi %mul3A_394, %add3A_395 : i32
      %dma_wait3A_397 = arith.constant 0 : i32
      %dma_wait3A_398 = tpu.memref_slice %arg5[%add3A_396, %dma_wait3A_397] : memref<80x125xi32, #tpu.memory_space<vmem>> -> memref<1x125xi32, #tpu.memory_space<vmem>>
      %dma_wait3A_399 = tpu.memref_squeeze %dma_wait3A_398 : memref<1x125xi32, #tpu.memory_space<vmem>> -> memref<125xi32, #tpu.memory_space<vmem>>
      %dma_wait3A_400 = arith.constant 0 : i32
      %dma_wait3A_401 = arith.constant 0 : i32
      %dma_wait3A_402 = tpu.memref_slice %arg2[%dma_wait3A_400, %dma_wait3A_401] : memref<10000x96xbf16, #tpu.memory_space<hbm>> -> memref<10000x96xbf16, #tpu.memory_space<hbm>>
      tpu.wait_indirect_dma semaphore(%arg22 : memref<!tpu.dma_semaphore, #tpu.memory_space<semaphore_mem>>) src(%dma_wait3A_402 : memref<10000x96xbf16, #tpu.memory_space<hbm>>) dst(%arg11 : memref<125x96xbf16, #tpu.memory_space<vmem>>)
      %dma_start3A_403 = arith.constant 0 : i32
      %dma_start3A_404 = tpu.memref_slice %arg6[%add3A_396, %dma_start3A_403] : memref<80x125xi32, #tpu.memory_space<vmem>> -> memref<1x125xi32, #tpu.memory_space<vmem>>
      %dma_start3A_405 = tpu.memref_squeeze %dma_start3A_404 : memref<1x125xi32, #tpu.memory_space<vmem>> -> memref<125xi32, #tpu.memory_space<vmem>>
      %dma_start3A_406 = arith.constant 0 : i32
      %dma_start3A_407 = arith.constant 0 : i32
      %dma_start3A_408 = tpu.memref_slice %arg17[%dma_start3A_406, %dma_start3A_407] : memref<10000x96xbf16, #tpu.memory_space<vmem_shared>> -> memref<10000x96xbf16, #tpu.memory_space<vmem_shared>>
      tpu.enqueue_indirect_dma source(%arg11 : memref<125x96xbf16, #tpu.memory_space<vmem>>) target(%dma_start3A_408 : memref<10000x96xbf16, #tpu.memory_space<vmem_shared>>) offsets(%dma_start3A_405 : memref<125xi32, #tpu.memory_space<vmem>>) semaphore(%arg30 : memref<!tpu.dma_semaphore, #tpu.memory_space<semaphore_mem>>) {add = true}
      %mul3A_409 = arith.constant 8 : i32
      %mul3A_410 = arith.muli %scan3A_328, %mul3A_409 : i32
      %add3A_411 = arith.constant 5 : i32
      %add3A_412 = arith.addi %mul3A_410, %add3A_411 : i32
      %dma_wait3A_413 = arith.constant 0 : i32
      %dma_wait3A_414 = tpu.memref_slice %arg5[%add3A_412, %dma_wait3A_413] : memref<80x125xi32, #tpu.memory_space<vmem>> -> memref<1x125xi32, #tpu.memory_space<vmem>>
      %dma_wait3A_415 = tpu.memref_squeeze %dma_wait3A_414 : memref<1x125xi32, #tpu.memory_space<vmem>> -> memref<125xi32, #tpu.memory_space<vmem>>
      %dma_wait3A_416 = arith.constant 0 : i32
      %dma_wait3A_417 = arith.constant 0 : i32
      %dma_wait3A_418 = tpu.memref_slice %arg2[%dma_wait3A_416, %dma_wait3A_417] : memref<10000x96xbf16, #tpu.memory_space<hbm>> -> memref<10000x96xbf16, #tpu.memory_space<hbm>>
      tpu.wait_indirect_dma semaphore(%arg23 : memref<!tpu.dma_semaphore, #tpu.memory_space<semaphore_mem>>) src(%dma_wait3A_418 : memref<10000x96xbf16, #tpu.memory_space<hbm>>) dst(%arg12 : memref<125x96xbf16, #tpu.memory_space<vmem>>)
      %dma_start3A_419 = arith.constant 0 : i32
      %dma_start3A_420 = tpu.memref_slice %arg6[%add3A_412, %dma_start3A_419] : memref<80x125xi32, #tpu.memory_space<vmem>> -> memref<1x125xi32, #tpu.memory_space<vmem>>
      %dma_start3A_421 = tpu.memref_squeeze %dma_start3A_420 : memref<1x125xi32, #tpu.memory_space<vmem>> -> memref<125xi32, #tpu.memory_space<vmem>>
      %dma_start3A_422 = arith.constant 0 : i32
      %dma_start3A_423 = arith.constant 0 : i32
      %dma_start3A_424 = tpu.memref_slice %arg17[%dma_start3A_422, %dma_start3A_423] : memref<10000x96xbf16, #tpu.memory_space<vmem_shared>> -> memref<10000x96xbf16, #tpu.memory_space<vmem_shared>>
      tpu.enqueue_indirect_dma source(%arg12 : memref<125x96xbf16, #tpu.memory_space<vmem>>) target(%dma_start3A_424 : memref<10000x96xbf16, #tpu.memory_space<vmem_shared>>) offsets(%dma_start3A_421 : memref<125xi32, #tpu.memory_space<vmem>>) semaphore(%arg31 : memref<!tpu.dma_semaphore, #tpu.memory_space<semaphore_mem>>) {add = true}
      %mul3A_425 = arith.constant 8 : i32
      %mul3A_426 = arith.muli %scan3A_328, %mul3A_425 : i32
      %add3A_427 = arith.constant 6 : i32
      %add3A_428 = arith.addi %mul3A_426, %add3A_427 : i32
      %dma_wait3A_429 = arith.constant 0 : i32
      %dma_wait3A_430 = tpu.memref_slice %arg5[%add3A_428, %dma_wait3A_429] : memref<80x125xi32, #tpu.memory_space<vmem>> -> memref<1x125xi32, #tpu.memory_space<vmem>>
      %dma_wait3A_431 = tpu.memref_squeeze %dma_wait3A_430 : memref<1x125xi32, #tpu.memory_space<vmem>> -> memref<125xi32, #tpu.memory_space<vmem>>
      %dma_wait3A_432 = arith.constant 0 : i32
      %dma_wait3A_433 = arith.constant 0 : i32
      %dma_wait3A_434 = tpu.memref_slice %arg2[%dma_wait3A_432, %dma_wait3A_433] : memref<10000x96xbf16, #tpu.memory_space<hbm>> -> memref<10000x96xbf16, #tpu.memory_space<hbm>>
      tpu.wait_indirect_dma semaphore(%arg24 : memref<!tpu.dma_semaphore, #tpu.memory_space<semaphore_mem>>) src(%dma_wait3A_434 : memref<10000x96xbf16, #tpu.memory_space<hbm>>) dst(%arg13 : memref<125x96xbf16, #tpu.memory_space<vmem>>)
      %dma_start3A_435 = arith.constant 0 : i32
      %dma_start3A_436 = tpu.memref_slice %arg6[%add3A_428, %dma_start3A_435] : memref<80x125xi32, #tpu.memory_space<vmem>> -> memref<1x125xi32, #tpu.memory_space<vmem>>
      %dma_start3A_437 = tpu.memref_squeeze %dma_start3A_436 : memref<1x125xi32, #tpu.memory_space<vmem>> -> memref<125xi32, #tpu.memory_space<vmem>>
      %dma_start3A_438 = arith.constant 0 : i32
      %dma_start3A_439 = arith.constant 0 : i32
      %dma_start3A_440 = tpu.memref_slice %arg17[%dma_start3A_438, %dma_start3A_439] : memref<10000x96xbf16, #tpu.memory_space<vmem_shared>> -> memref<10000x96xbf16, #tpu.memory_space<vmem_shared>>
      tpu.enqueue_indirect_dma source(%arg13 : memref<125x96xbf16, #tpu.memory_space<vmem>>) target(%dma_start3A_440 : memref<10000x96xbf16, #tpu.memory_space<vmem_shared>>) offsets(%dma_start3A_437 : memref<125xi32, #tpu.memory_space<vmem>>) semaphore(%arg32 : memref<!tpu.dma_semaphore, #tpu.memory_space<semaphore_mem>>) {add = true}
      %mul3A_441 = arith.constant 8 : i32
      %mul3A_442 = arith.muli %scan3A_328, %mul3A_441 : i32
      %add3A_443 = arith.constant 7 : i32
      %add3A_444 = arith.addi %mul3A_442, %add3A_443 : i32
      %dma_wait3A_445 = arith.constant 0 : i32
      %dma_wait3A_446 = tpu.memref_slice %arg5[%add3A_444, %dma_wait3A_445] : memref<80x125xi32, #tpu.memory_space<vmem>> -> memref<1x125xi32, #tpu.memory_space<vmem>>
      %dma_wait3A_447 = tpu.memref_squeeze %dma_wait3A_446 : memref<1x125xi32, #tpu.memory_space<vmem>> -> memref<125xi32, #tpu.memory_space<vmem>>
      %dma_wait3A_448 = arith.constant 0 : i32
      %dma_wait3A_449 = arith.constant 0 : i32
      %dma_wait3A_450 = tpu.memref_slice %arg2[%dma_wait3A_448, %dma_wait3A_449] : memref<10000x96xbf16, #tpu.memory_space<hbm>> -> memref<10000x96xbf16, #tpu.memory_space<hbm>>
      tpu.wait_indirect_dma semaphore(%arg25 : memref<!tpu.dma_semaphore, #tpu.memory_space<semaphore_mem>>) src(%dma_wait3A_450 : memref<10000x96xbf16, #tpu.memory_space<hbm>>) dst(%arg14 : memref<125x96xbf16, #tpu.memory_space<vmem>>)
      %dma_start3A_451 = arith.constant 0 : i32
      %dma_start3A_452 = tpu.memref_slice %arg6[%add3A_444, %dma_start3A_451] : memref<80x125xi32, #tpu.memory_space<vmem>> -> memref<1x125xi32, #tpu.memory_space<vmem>>
      %dma_start3A_453 = tpu.memref_squeeze %dma_start3A_452 : memref<1x125xi32, #tpu.memory_space<vmem>> -> memref<125xi32, #tpu.memory_space<vmem>>
      %dma_start3A_454 = arith.constant 0 : i32
      %dma_start3A_455 = arith.constant 0 : i32
      %dma_start3A_456 = tpu.memref_slice %arg17[%dma_start3A_454, %dma_start3A_455] : memref<10000x96xbf16, #tpu.memory_space<vmem_shared>> -> memref<10000x96xbf16, #tpu.memory_space<vmem_shared>>
      tpu.enqueue_indirect_dma source(%arg14 : memref<125x96xbf16, #tpu.memory_space<vmem>>) target(%dma_start3A_456 : memref<10000x96xbf16, #tpu.memory_space<vmem_shared>>) offsets(%dma_start3A_453 : memref<125xi32, #tpu.memory_space<vmem>>) semaphore(%arg33 : memref<!tpu.dma_semaphore, #tpu.memory_space<semaphore_mem>>) {add = true}
      %mul3A_457 = arith.constant 8 : i32
      %mul3A_458 = arith.muli %scan3A_328, %mul3A_457 : i32
      %add3A_459 = arith.constant 0 : i32
      %add3A_460 = arith.addi %mul3A_458, %add3A_459 : i32
      %dma_wait3A_461 = arith.constant 0 : i32
      %dma_wait3A_462 = tpu.memref_slice %arg6[%add3A_460, %dma_wait3A_461] : memref<80x125xi32, #tpu.memory_space<vmem>> -> memref<1x125xi32, #tpu.memory_space<vmem>>
      %dma_wait3A_463 = tpu.memref_squeeze %dma_wait3A_462 : memref<1x125xi32, #tpu.memory_space<vmem>> -> memref<125xi32, #tpu.memory_space<vmem>>
      %dma_wait3A_464 = arith.constant 0 : i32
      %dma_wait3A_465 = arith.constant 0 : i32
      %dma_wait3A_466 = tpu.memref_slice %arg17[%dma_wait3A_464, %dma_wait3A_465] : memref<10000x96xbf16, #tpu.memory_space<vmem_shared>> -> memref<10000x96xbf16, #tpu.memory_space<vmem_shared>>
      tpu.wait_indirect_dma semaphore(%arg26 : memref<!tpu.dma_semaphore, #tpu.memory_space<semaphore_mem>>) src(%arg7 : memref<125x96xbf16, #tpu.memory_space<vmem>>) dst(%dma_wait3A_466 : memref<10000x96xbf16, #tpu.memory_space<vmem_shared>>)
      %add3A_467 = arith.constant 1 : i32
      %add3A_468 = arith.addi %scan3A_328, %add3A_467 : i32
      %mul3A_469 = arith.constant 8 : i32
      %mul3A_470 = arith.muli %add3A_468, %mul3A_469 : i32
      %add3A_471 = arith.constant 0 : i32
      %add3A_472 = arith.addi %mul3A_470, %add3A_471 : i32
      %dma_start3A_473 = arith.constant 0 : i32
      %dma_start3A_474 = tpu.memref_slice %arg5[%add3A_472, %dma_start3A_473] : memref<80x125xi32, #tpu.memory_space<vmem>> -> memref<1x125xi32, #tpu.memory_space<vmem>>
      %dma_start3A_475 = tpu.memref_squeeze %dma_start3A_474 : memref<1x125xi32, #tpu.memory_space<vmem>> -> memref<125xi32, #tpu.memory_space<vmem>>
      %dma_start3A_476 = arith.constant 0 : i32
      %dma_start3A_477 = arith.constant 0 : i32
      %dma_start3A_478 = tpu.memref_slice %arg2[%dma_start3A_476, %dma_start3A_477] : memref<10000x96xbf16, #tpu.memory_space<hbm>> -> memref<10000x96xbf16, #tpu.memory_space<hbm>>
      tpu.enqueue_indirect_dma source(%dma_start3A_478 : memref<10000x96xbf16, #tpu.memory_space<hbm>>) target(%arg7 : memref<125x96xbf16, #tpu.memory_space<vmem>>) offsets(%dma_start3A_475 : memref<125xi32, #tpu.memory_space<vmem>>) semaphore(%arg18 : memref<!tpu.dma_semaphore, #tpu.memory_space<semaphore_mem>>)
      %mul3A_479 = arith.constant 8 : i32
      %mul3A_480 = arith.muli %scan3A_328, %mul3A_479 : i32
      %add3A_481 = arith.constant 1 : i32
      %add3A_482 = arith.addi %mul3A_480, %add3A_481 : i32
      %dma_wait3A_483 = arith.constant 0 : i32
      %dma_wait3A_484 = tpu.memref_slice %arg6[%add3A_482, %dma_wait3A_483] : memref<80x125xi32, #tpu.memory_space<vmem>> -> memref<1x125xi32, #tpu.memory_space<vmem>>
      %dma_wait3A_485 = tpu.memref_squeeze %dma_wait3A_484 : memref<1x125xi32, #tpu.memory_space<vmem>> -> memref<125xi32, #tpu.memory_space<vmem>>
      %dma_wait3A_486 = arith.constant 0 : i32
      %dma_wait3A_487 = arith.constant 0 : i32
      %dma_wait3A_488 = tpu.memref_slice %arg17[%dma_wait3A_486, %dma_wait3A_487] : memref<10000x96xbf16, #tpu.memory_space<vmem_shared>> -> memref<10000x96xbf16, #tpu.memory_space<vmem_shared>>
      tpu.wait_indirect_dma semaphore(%arg27 : memref<!tpu.dma_semaphore, #tpu.memory_space<semaphore_mem>>) src(%arg8 : memref<125x96xbf16, #tpu.memory_space<vmem>>) dst(%dma_wait3A_488 : memref<10000x96xbf16, #tpu.memory_space<vmem_shared>>)
      %add3A_489 = arith.constant 1 : i32
      %add3A_490 = arith.addi %scan3A_328, %add3A_489 : i32
      %mul3A_491 = arith.constant 8 : i32
      %mul3A_492 = arith.muli %add3A_490, %mul3A_491 : i32
      %add3A_493 = arith.constant 1 : i32
      %add3A_494 = arith.addi %mul3A_492, %add3A_493 : i32
      %dma_start3A_495 = arith.constant 0 : i32
      %dma_start3A_496 = tpu.memref_slice %arg5[%add3A_494, %dma_start3A_495] : memref<80x125xi32, #tpu.memory_space<vmem>> -> memref<1x125xi32, #tpu.memory_space<vmem>>
      %dma_start3A_497 = tpu.memref_squeeze %dma_start3A_496 : memref<1x125xi32, #tpu.memory_space<vmem>> -> memref<125xi32, #tpu.memory_space<vmem>>
      %dma_start3A_498 = arith.constant 0 : i32
      %dma_start3A_499 = arith.constant 0 : i32
      %dma_start3A_500 = tpu.memref_slice %arg2[%dma_start3A_498, %dma_start3A_499] : memref<10000x96xbf16, #tpu.memory_space<hbm>> -> memref<10000x96xbf16, #tpu.memory_space<hbm>>
      tpu.enqueue_indirect_dma source(%dma_start3A_500 : memref<10000x96xbf16, #tpu.memory_space<hbm>>) target(%arg8 : memref<125x96xbf16, #tpu.memory_space<vmem>>) offsets(%dma_start3A_497 : memref<125xi32, #tpu.memory_space<vmem>>) semaphore(%arg19 : memref<!tpu.dma_semaphore, #tpu.memory_space<semaphore_mem>>)
      %mul3A_501 = arith.constant 8 : i32
      %mul3A_502 = arith.muli %scan3A_328, %mul3A_501 : i32
      %add3A_503 = arith.constant 2 : i32
      %add3A_504 = arith.addi %mul3A_502, %add3A_503 : i32
      %dma_wait3A_505 = arith.constant 0 : i32
      %dma_wait3A_506 = tpu.memref_slice %arg6[%add3A_504, %dma_wait3A_505] : memref<80x125xi32, #tpu.memory_space<vmem>> -> memref<1x125xi32, #tpu.memory_space<vmem>>
      %dma_wait3A_507 = tpu.memref_squeeze %dma_wait3A_506 : memref<1x125xi32, #tpu.memory_space<vmem>> -> memref<125xi32, #tpu.memory_space<vmem>>
      %dma_wait3A_508 = arith.constant 0 : i32
      %dma_wait3A_509 = arith.constant 0 : i32
      %dma_wait3A_510 = tpu.memref_slice %arg17[%dma_wait3A_508, %dma_wait3A_509] : memref<10000x96xbf16, #tpu.memory_space<vmem_shared>> -> memref<10000x96xbf16, #tpu.memory_space<vmem_shared>>
      tpu.wait_indirect_dma semaphore(%arg28 : memref<!tpu.dma_semaphore, #tpu.memory_space<semaphore_mem>>) src(%arg9 : memref<125x96xbf16, #tpu.memory_space<vmem>>) dst(%dma_wait3A_510 : memref<10000x96xbf16, #tpu.memory_space<vmem_shared>>)
      %add3A_511 = arith.constant 1 : i32
      %add3A_512 = arith.addi %scan3A_328, %add3A_511 : i32
      %mul3A_513 = arith.constant 8 : i32
      %mul3A_514 = arith.muli %add3A_512, %mul3A_513 : i32
      %add3A_515 = arith.constant 2 : i32
      %add3A_516 = arith.addi %mul3A_514, %add3A_515 : i32
      %dma_start3A_517 = arith.constant 0 : i32
      %dma_start3A_518 = tpu.memref_slice %arg5[%add3A_516, %dma_start3A_517] : memref<80x125xi32, #tpu.memory_space<vmem>> -> memref<1x125xi32, #tpu.memory_space<vmem>>
      %dma_start3A_519 = tpu.memref_squeeze %dma_start3A_518 : memref<1x125xi32, #tpu.memory_space<vmem>> -> memref<125xi32, #tpu.memory_space<vmem>>
      %dma_start3A_520 = arith.constant 0 : i32
      %dma_start3A_521 = arith.constant 0 : i32
      %dma_start3A_522 = tpu.memref_slice %arg2[%dma_start3A_520, %dma_start3A_521] : memref<10000x96xbf16, #tpu.memory_space<hbm>> -> memref<10000x96xbf16, #tpu.memory_space<hbm>>
      tpu.enqueue_indirect_dma source(%dma_start3A_522 : memref<10000x96xbf16, #tpu.memory_space<hbm>>) target(%arg9 : memref<125x96xbf16, #tpu.memory_space<vmem>>) offsets(%dma_start3A_519 : memref<125xi32, #tpu.memory_space<vmem>>) semaphore(%arg20 : memref<!tpu.dma_semaphore, #tpu.memory_space<semaphore_mem>>)
      %mul3A_523 = arith.constant 8 : i32
      %mul3A_524 = arith.muli %scan3A_328, %mul3A_523 : i32
      %add3A_525 = arith.constant 3 : i32
      %add3A_526 = arith.addi %mul3A_524, %add3A_525 : i32
      %dma_wait3A_527 = arith.constant 0 : i32
      %dma_wait3A_528 = tpu.memref_slice %arg6[%add3A_526, %dma_wait3A_527] : memref<80x125xi32, #tpu.memory_space<vmem>> -> memref<1x125xi32, #tpu.memory_space<vmem>>
      %dma_wait3A_529 = tpu.memref_squeeze %dma_wait3A_528 : memref<1x125xi32, #tpu.memory_space<vmem>> -> memref<125xi32, #tpu.memory_space<vmem>>
      %dma_wait3A_530 = arith.constant 0 : i32
      %dma_wait3A_531 = arith.constant 0 : i32
      %dma_wait3A_532 = tpu.memref_slice %arg17[%dma_wait3A_530, %dma_wait3A_531] : memref<10000x96xbf16, #tpu.memory_space<vmem_shared>> -> memref<10000x96xbf16, #tpu.memory_space<vmem_shared>>
      tpu.wait_indirect_dma semaphore(%arg29 : memref<!tpu.dma_semaphore, #tpu.memory_space<semaphore_mem>>) src(%arg10 : memref<125x96xbf16, #tpu.memory_space<vmem>>) dst(%dma_wait3A_532 : memref<10000x96xbf16, #tpu.memory_space<vmem_shared>>)
      %add3A_533 = arith.constant 1 : i32
      %add3A_534 = arith.addi %scan3A_328, %add3A_533 : i32
      %mul3A_535 = arith.constant 8 : i32
      %mul3A_536 = arith.muli %add3A_534, %mul3A_535 : i32
      %add3A_537 = arith.constant 3 : i32
      %add3A_538 = arith.addi %mul3A_536, %add3A_537 : i32
      %dma_start3A_539 = arith.constant 0 : i32
      %dma_start3A_540 = tpu.memref_slice %arg5[%add3A_538, %dma_start3A_539] : memref<80x125xi32, #tpu.memory_space<vmem>> -> memref<1x125xi32, #tpu.memory_space<vmem>>
      %dma_start3A_541 = tpu.memref_squeeze %dma_start3A_540 : memref<1x125xi32, #tpu.memory_space<vmem>> -> memref<125xi32, #tpu.memory_space<vmem>>
      %dma_start3A_542 = arith.constant 0 : i32
      %dma_start3A_543 = arith.constant 0 : i32
      %dma_start3A_544 = tpu.memref_slice %arg2[%dma_start3A_542, %dma_start3A_543] : memref<10000x96xbf16, #tpu.memory_space<hbm>> -> memref<10000x96xbf16, #tpu.memory_space<hbm>>
      tpu.enqueue_indirect_dma source(%dma_start3A_544 : memref<10000x96xbf16, #tpu.memory_space<hbm>>) target(%arg10 : memref<125x96xbf16, #tpu.memory_space<vmem>>) offsets(%dma_start3A_541 : memref<125xi32, #tpu.memory_space<vmem>>) semaphore(%arg21 : memref<!tpu.dma_semaphore, #tpu.memory_space<semaphore_mem>>)
      %mul3A_545 = arith.constant 8 : i32
      %mul3A_546 = arith.muli %scan3A_328, %mul3A_545 : i32
      %add3A_547 = arith.constant 4 : i32
      %add3A_548 = arith.addi %mul3A_546, %add3A_547 : i32
      %dma_wait3A_549 = arith.constant 0 : i32
      %dma_wait3A_550 = tpu.memref_slice %arg6[%add3A_548, %dma_wait3A_549] : memref<80x125xi32, #tpu.memory_space<vmem>> -> memref<1x125xi32, #tpu.memory_space<vmem>>
      %dma_wait3A_551 = tpu.memref_squeeze %dma_wait3A_550 : memref<1x125xi32, #tpu.memory_space<vmem>> -> memref<125xi32, #tpu.memory_space<vmem>>
      %dma_wait3A_552 = arith.constant 0 : i32
      %dma_wait3A_553 = arith.constant 0 : i32
      %dma_wait3A_554 = tpu.memref_slice %arg17[%dma_wait3A_552, %dma_wait3A_553] : memref<10000x96xbf16, #tpu.memory_space<vmem_shared>> -> memref<10000x96xbf16, #tpu.memory_space<vmem_shared>>
      tpu.wait_indirect_dma semaphore(%arg30 : memref<!tpu.dma_semaphore, #tpu.memory_space<semaphore_mem>>) src(%arg11 : memref<125x96xbf16, #tpu.memory_space<vmem>>) dst(%dma_wait3A_554 : memref<10000x96xbf16, #tpu.memory_space<vmem_shared>>)
      %add3A_555 = arith.constant 1 : i32
      %add3A_556 = arith.addi %scan3A_328, %add3A_555 : i32
      %mul3A_557 = arith.constant 8 : i32
      %mul3A_558 = arith.muli %add3A_556, %mul3A_557 : i32
      %add3A_559 = arith.constant 4 : i32
      %add3A_560 = arith.addi %mul3A_558, %add3A_559 : i32
      %dma_start3A_561 = arith.constant 0 : i32
      %dma_start3A_562 = tpu.memref_slice %arg5[%add3A_560, %dma_start3A_561] : memref<80x125xi32, #tpu.memory_space<vmem>> -> memref<1x125xi32, #tpu.memory_space<vmem>>
      %dma_start3A_563 = tpu.memref_squeeze %dma_start3A_562 : memref<1x125xi32, #tpu.memory_space<vmem>> -> memref<125xi32, #tpu.memory_space<vmem>>
      %dma_start3A_564 = arith.constant 0 : i32
      %dma_start3A_565 = arith.constant 0 : i32
      %dma_start3A_566 = tpu.memref_slice %arg2[%dma_start3A_564, %dma_start3A_565] : memref<10000x96xbf16, #tpu.memory_space<hbm>> -> memref<10000x96xbf16, #tpu.memory_space<hbm>>
      tpu.enqueue_indirect_dma source(%dma_start3A_566 : memref<10000x96xbf16, #tpu.memory_space<hbm>>) target(%arg11 : memref<125x96xbf16, #tpu.memory_space<vmem>>) offsets(%dma_start3A_563 : memref<125xi32, #tpu.memory_space<vmem>>) semaphore(%arg22 : memref<!tpu.dma_semaphore, #tpu.memory_space<semaphore_mem>>)
      %mul3A_567 = arith.constant 8 : i32
      %mul3A_568 = arith.muli %scan3A_328, %mul3A_567 : i32
      %add3A_569 = arith.constant 5 : i32
      %add3A_570 = arith.addi %mul3A_568, %add3A_569 : i32
      %dma_wait3A_571 = arith.constant 0 : i32
      %dma_wait3A_572 = tpu.memref_slice %arg6[%add3A_570, %dma_wait3A_571] : memref<80x125xi32, #tpu.memory_space<vmem>> -> memref<1x125xi32, #tpu.memory_space<vmem>>
      %dma_wait3A_573 = tpu.memref_squeeze %dma_wait3A_572 : memref<1x125xi32, #tpu.memory_space<vmem>> -> memref<125xi32, #tpu.memory_space<vmem>>
      %dma_wait3A_574 = arith.constant 0 : i32
      %dma_wait3A_575 = arith.constant 0 : i32
      %dma_wait3A_576 = tpu.memref_slice %arg17[%dma_wait3A_574, %dma_wait3A_575] : memref<10000x96xbf16, #tpu.memory_space<vmem_shared>> -> memref<10000x96xbf16, #tpu.memory_space<vmem_shared>>
      tpu.wait_indirect_dma semaphore(%arg31 : memref<!tpu.dma_semaphore, #tpu.memory_space<semaphore_mem>>) src(%arg12 : memref<125x96xbf16, #tpu.memory_space<vmem>>) dst(%dma_wait3A_576 : memref<10000x96xbf16, #tpu.memory_space<vmem_shared>>)
      %add3A_577 = arith.constant 1 : i32
      %add3A_578 = arith.addi %scan3A_328, %add3A_577 : i32
      %mul3A_579 = arith.constant 8 : i32
      %mul3A_580 = arith.muli %add3A_578, %mul3A_579 : i32
      %add3A_581 = arith.constant 5 : i32
      %add3A_582 = arith.addi %mul3A_580, %add3A_581 : i32
      %dma_start3A_583 = arith.constant 0 : i32
      %dma_start3A_584 = tpu.memref_slice %arg5[%add3A_582, %dma_start3A_583] : memref<80x125xi32, #tpu.memory_space<vmem>> -> memref<1x125xi32, #tpu.memory_space<vmem>>
      %dma_start3A_585 = tpu.memref_squeeze %dma_start3A_584 : memref<1x125xi32, #tpu.memory_space<vmem>> -> memref<125xi32, #tpu.memory_space<vmem>>
      %dma_start3A_586 = arith.constant 0 : i32
      %dma_start3A_587 = arith.constant 0 : i32
      %dma_start3A_588 = tpu.memref_slice %arg2[%dma_start3A_586, %dma_start3A_587] : memref<10000x96xbf16, #tpu.memory_space<hbm>> -> memref<10000x96xbf16, #tpu.memory_space<hbm>>
      tpu.enqueue_indirect_dma source(%dma_start3A_588 : memref<10000x96xbf16, #tpu.memory_space<hbm>>) target(%arg12 : memref<125x96xbf16, #tpu.memory_space<vmem>>) offsets(%dma_start3A_585 : memref<125xi32, #tpu.memory_space<vmem>>) semaphore(%arg23 : memref<!tpu.dma_semaphore, #tpu.memory_space<semaphore_mem>>)
      %mul3A_589 = arith.constant 8 : i32
      %mul3A_590 = arith.muli %scan3A_328, %mul3A_589 : i32
      %add3A_591 = arith.constant 6 : i32
      %add3A_592 = arith.addi %mul3A_590, %add3A_591 : i32
      %dma_wait3A_593 = arith.constant 0 : i32
      %dma_wait3A_594 = tpu.memref_slice %arg6[%add3A_592, %dma_wait3A_593] : memref<80x125xi32, #tpu.memory_space<vmem>> -> memref<1x125xi32, #tpu.memory_space<vmem>>
      %dma_wait3A_595 = tpu.memref_squeeze %dma_wait3A_594 : memref<1x125xi32, #tpu.memory_space<vmem>> -> memref<125xi32, #tpu.memory_space<vmem>>
      %dma_wait3A_596 = arith.constant 0 : i32
      %dma_wait3A_597 = arith.constant 0 : i32
      %dma_wait3A_598 = tpu.memref_slice %arg17[%dma_wait3A_596, %dma_wait3A_597] : memref<10000x96xbf16, #tpu.memory_space<vmem_shared>> -> memref<10000x96xbf16, #tpu.memory_space<vmem_shared>>
      tpu.wait_indirect_dma semaphore(%arg32 : memref<!tpu.dma_semaphore, #tpu.memory_space<semaphore_mem>>) src(%arg13 : memref<125x96xbf16, #tpu.memory_space<vmem>>) dst(%dma_wait3A_598 : memref<10000x96xbf16, #tpu.memory_space<vmem_shared>>)
      %add3A_599 = arith.constant 1 : i32
      %add3A_600 = arith.addi %scan3A_328, %add3A_599 : i32
      %mul3A_601 = arith.constant 8 : i32
      %mul3A_602 = arith.muli %add3A_600, %mul3A_601 : i32
      %add3A_603 = arith.constant 6 : i32
      %add3A_604 = arith.addi %mul3A_602, %add3A_603 : i32
      %dma_start3A_605 = arith.constant 0 : i32
      %dma_start3A_606 = tpu.memref_slice %arg5[%add3A_604, %dma_start3A_605] : memref<80x125xi32, #tpu.memory_space<vmem>> -> memref<1x125xi32, #tpu.memory_space<vmem>>
      %dma_start3A_607 = tpu.memref_squeeze %dma_start3A_606 : memref<1x125xi32, #tpu.memory_space<vmem>> -> memref<125xi32, #tpu.memory_space<vmem>>
      %dma_start3A_608 = arith.constant 0 : i32
      %dma_start3A_609 = arith.constant 0 : i32
      %dma_start3A_610 = tpu.memref_slice %arg2[%dma_start3A_608, %dma_start3A_609] : memref<10000x96xbf16, #tpu.memory_space<hbm>> -> memref<10000x96xbf16, #tpu.memory_space<hbm>>
      tpu.enqueue_indirect_dma source(%dma_start3A_610 : memref<10000x96xbf16, #tpu.memory_space<hbm>>) target(%arg13 : memref<125x96xbf16, #tpu.memory_space<vmem>>) offsets(%dma_start3A_607 : memref<125xi32, #tpu.memory_space<vmem>>) semaphore(%arg24 : memref<!tpu.dma_semaphore, #tpu.memory_space<semaphore_mem>>)
      %mul3A_611 = arith.constant 8 : i32
      %mul3A_612 = arith.muli %scan3A_328, %mul3A_611 : i32
      %add3A_613 = arith.constant 7 : i32
      %add3A_614 = arith.addi %mul3A_612, %add3A_613 : i32
      %dma_wait3A_615 = arith.constant 0 : i32
      %dma_wait3A_616 = tpu.memref_slice %arg6[%add3A_614, %dma_wait3A_615] : memref<80x125xi32, #tpu.memory_space<vmem>> -> memref<1x125xi32, #tpu.memory_space<vmem>>
      %dma_wait3A_617 = tpu.memref_squeeze %dma_wait3A_616 : memref<1x125xi32, #tpu.memory_space<vmem>> -> memref<125xi32, #tpu.memory_space<vmem>>
      %dma_wait3A_618 = arith.constant 0 : i32
      %dma_wait3A_619 = arith.constant 0 : i32
      %dma_wait3A_620 = tpu.memref_slice %arg17[%dma_wait3A_618, %dma_wait3A_619] : memref<10000x96xbf16, #tpu.memory_space<vmem_shared>> -> memref<10000x96xbf16, #tpu.memory_space<vmem_shared>>
      tpu.wait_indirect_dma semaphore(%arg33 : memref<!tpu.dma_semaphore, #tpu.memory_space<semaphore_mem>>) src(%arg14 : memref<125x96xbf16, #tpu.memory_space<vmem>>) dst(%dma_wait3A_620 : memref<10000x96xbf16, #tpu.memory_space<vmem_shared>>)
      %add3A_621 = arith.constant 1 : i32
      %add3A_622 = arith.addi %scan3A_328, %add3A_621 : i32
      %mul3A_623 = arith.constant 8 : i32
      %mul3A_624 = arith.muli %add3A_622, %mul3A_623 : i32
      %add3A_625 = arith.constant 7 : i32
      %add3A_626 = arith.addi %mul3A_624, %add3A_625 : i32
      %dma_start3A_627 = arith.constant 0 : i32
      %dma_start3A_628 = tpu.memref_slice %arg5[%add3A_626, %dma_start3A_627] : memref<80x125xi32, #tpu.memory_space<vmem>> -> memref<1x125xi32, #tpu.memory_space<vmem>>
      %dma_start3A_629 = tpu.memref_squeeze %dma_start3A_628 : memref<1x125xi32, #tpu.memory_space<vmem>> -> memref<125xi32, #tpu.memory_space<vmem>>
      %dma_start3A_630 = arith.constant 0 : i32
      %dma_start3A_631 = arith.constant 0 : i32
      %dma_start3A_632 = tpu.memref_slice %arg2[%dma_start3A_630, %dma_start3A_631] : memref<10000x96xbf16, #tpu.memory_space<hbm>> -> memref<10000x96xbf16, #tpu.memory_space<hbm>>
      tpu.enqueue_indirect_dma source(%dma_start3A_632 : memref<10000x96xbf16, #tpu.memory_space<hbm>>) target(%arg14 : memref<125x96xbf16, #tpu.memory_space<vmem>>) offsets(%dma_start3A_629 : memref<125xi32, #tpu.memory_space<vmem>>) semaphore(%arg25 : memref<!tpu.dma_semaphore, #tpu.memory_space<semaphore_mem>>)
    }
    %scan3A_80 = arith.constant 9 : i32
    %dma_wait3A = arith.constant 72 : i32
    %dma_wait3A_81 = arith.constant 0 : i32
    %dma_wait3A_82 = tpu.memref_slice %arg5[%dma_wait3A, %dma_wait3A_81] : memref<80x125xi32, #tpu.memory_space<vmem>> -> memref<1x125xi32, #tpu.memory_space<vmem>>
    %dma_wait3A_83 = tpu.memref_squeeze %dma_wait3A_82 : memref<1x125xi32, #tpu.memory_space<vmem>> -> memref<125xi32, #tpu.memory_space<vmem>>
    %dma_wait3A_84 = arith.constant 0 : i32
    %dma_wait3A_85 = arith.constant 0 : i32
    %dma_wait3A_86 = tpu.memref_slice %arg2[%dma_wait3A_84, %dma_wait3A_85] : memref<10000x96xbf16, #tpu.memory_space<hbm>> -> memref<10000x96xbf16, #tpu.memory_space<hbm>>
    tpu.wait_indirect_dma semaphore(%arg18 : memref<!tpu.dma_semaphore, #tpu.memory_space<semaphore_mem>>) src(%dma_wait3A_86 : memref<10000x96xbf16, #tpu.memory_space<hbm>>) dst(%arg7 : memref<125x96xbf16, #tpu.memory_space<vmem>>)
    %dma_start3A_87 = arith.constant 72 : i32
    %dma_start3A_88 = arith.constant 0 : i32
    %dma_start3A_89 = tpu.memref_slice %arg6[%dma_start3A_87, %dma_start3A_88] : memref<80x125xi32, #tpu.memory_space<vmem>> -> memref<1x125xi32, #tpu.memory_space<vmem>>
    %dma_start3A_90 = tpu.memref_squeeze %dma_start3A_89 : memref<1x125xi32, #tpu.memory_space<vmem>> -> memref<125xi32, #tpu.memory_space<vmem>>
    %dma_start3A_91 = arith.constant 0 : i32
    %dma_start3A_92 = arith.constant 0 : i32
    %dma_start3A_93 = tpu.memref_slice %arg17[%dma_start3A_91, %dma_start3A_92] : memref<10000x96xbf16, #tpu.memory_space<vmem_shared>> -> memref<10000x96xbf16, #tpu.memory_space<vmem_shared>>
    tpu.enqueue_indirect_dma source(%arg7 : memref<125x96xbf16, #tpu.memory_space<vmem>>) target(%dma_start3A_93 : memref<10000x96xbf16, #tpu.memory_space<vmem_shared>>) offsets(%dma_start3A_90 : memref<125xi32, #tpu.memory_space<vmem>>) semaphore(%arg26 : memref<!tpu.dma_semaphore, #tpu.memory_space<semaphore_mem>>) {add = true}
    %dma_wait3A_94 = arith.constant 73 : i32
    %dma_wait3A_95 = arith.constant 0 : i32
    %dma_wait3A_96 = tpu.memref_slice %arg5[%dma_wait3A_94, %dma_wait3A_95] : memref<80x125xi32, #tpu.memory_space<vmem>> -> memref<1x125xi32, #tpu.memory_space<vmem>>
    %dma_wait3A_97 = tpu.memref_squeeze %dma_wait3A_96 : memref<1x125xi32, #tpu.memory_space<vmem>> -> memref<125xi32, #tpu.memory_space<vmem>>
    %dma_wait3A_98 = arith.constant 0 : i32
    %dma_wait3A_99 = arith.constant 0 : i32
    %dma_wait3A_100 = tpu.memref_slice %arg2[%dma_wait3A_98, %dma_wait3A_99] : memref<10000x96xbf16, #tpu.memory_space<hbm>> -> memref<10000x96xbf16, #tpu.memory_space<hbm>>
    tpu.wait_indirect_dma semaphore(%arg19 : memref<!tpu.dma_semaphore, #tpu.memory_space<semaphore_mem>>) src(%dma_wait3A_100 : memref<10000x96xbf16, #tpu.memory_space<hbm>>) dst(%arg8 : memref<125x96xbf16, #tpu.memory_space<vmem>>)
    %dma_start3A_101 = arith.constant 73 : i32
    %dma_start3A_102 = arith.constant 0 : i32
    %dma_start3A_103 = tpu.memref_slice %arg6[%dma_start3A_101, %dma_start3A_102] : memref<80x125xi32, #tpu.memory_space<vmem>> -> memref<1x125xi32, #tpu.memory_space<vmem>>
    %dma_start3A_104 = tpu.memref_squeeze %dma_start3A_103 : memref<1x125xi32, #tpu.memory_space<vmem>> -> memref<125xi32, #tpu.memory_space<vmem>>
    %dma_start3A_105 = arith.constant 0 : i32
    %dma_start3A_106 = arith.constant 0 : i32
    %dma_start3A_107 = tpu.memref_slice %arg17[%dma_start3A_105, %dma_start3A_106] : memref<10000x96xbf16, #tpu.memory_space<vmem_shared>> -> memref<10000x96xbf16, #tpu.memory_space<vmem_shared>>
    tpu.enqueue_indirect_dma source(%arg8 : memref<125x96xbf16, #tpu.memory_space<vmem>>) target(%dma_start3A_107 : memref<10000x96xbf16, #tpu.memory_space<vmem_shared>>) offsets(%dma_start3A_104 : memref<125xi32, #tpu.memory_space<vmem>>) semaphore(%arg27 : memref<!tpu.dma_semaphore, #tpu.memory_space<semaphore_mem>>) {add = true}
    %dma_wait3A_108 = arith.constant 74 : i32
    %dma_wait3A_109 = arith.constant 0 : i32
    %dma_wait3A_110 = tpu.memref_slice %arg5[%dma_wait3A_108, %dma_wait3A_109] : memref<80x125xi32, #tpu.memory_space<vmem>> -> memref<1x125xi32, #tpu.memory_space<vmem>>
    %dma_wait3A_111 = tpu.memref_squeeze %dma_wait3A_110 : memref<1x125xi32, #tpu.memory_space<vmem>> -> memref<125xi32, #tpu.memory_space<vmem>>
    %dma_wait3A_112 = arith.constant 0 : i32
    %dma_wait3A_113 = arith.constant 0 : i32
    %dma_wait3A_114 = tpu.memref_slice %arg2[%dma_wait3A_112, %dma_wait3A_113] : memref<10000x96xbf16, #tpu.memory_space<hbm>> -> memref<10000x96xbf16, #tpu.memory_space<hbm>>
    tpu.wait_indirect_dma semaphore(%arg20 : memref<!tpu.dma_semaphore, #tpu.memory_space<semaphore_mem>>) src(%dma_wait3A_114 : memref<10000x96xbf16, #tpu.memory_space<hbm>>) dst(%arg9 : memref<125x96xbf16, #tpu.memory_space<vmem>>)
    %dma_start3A_115 = arith.constant 74 : i32
    %dma_start3A_116 = arith.constant 0 : i32
    %dma_start3A_117 = tpu.memref_slice %arg6[%dma_start3A_115, %dma_start3A_116] : memref<80x125xi32, #tpu.memory_space<vmem>> -> memref<1x125xi32, #tpu.memory_space<vmem>>
    %dma_start3A_118 = tpu.memref_squeeze %dma_start3A_117 : memref<1x125xi32, #tpu.memory_space<vmem>> -> memref<125xi32, #tpu.memory_space<vmem>>
    %dma_start3A_119 = arith.constant 0 : i32
    %dma_start3A_120 = arith.constant 0 : i32
    %dma_start3A_121 = tpu.memref_slice %arg17[%dma_start3A_119, %dma_start3A_120] : memref<10000x96xbf16, #tpu.memory_space<vmem_shared>> -> memref<10000x96xbf16, #tpu.memory_space<vmem_shared>>
    tpu.enqueue_indirect_dma source(%arg9 : memref<125x96xbf16, #tpu.memory_space<vmem>>) target(%dma_start3A_121 : memref<10000x96xbf16, #tpu.memory_space<vmem_shared>>) offsets(%dma_start3A_118 : memref<125xi32, #tpu.memory_space<vmem>>) semaphore(%arg28 : memref<!tpu.dma_semaphore, #tpu.memory_space<semaphore_mem>>) {add = true}
    %dma_wait3A_122 = arith.constant 75 : i32
    %dma_wait3A_123 = arith.constant 0 : i32
    %dma_wait3A_124 = tpu.memref_slice %arg5[%dma_wait3A_122, %dma_wait3A_123] : memref<80x125xi32, #tpu.memory_space<vmem>> -> memref<1x125xi32, #tpu.memory_space<vmem>>
    %dma_wait3A_125 = tpu.memref_squeeze %dma_wait3A_124 : memref<1x125xi32, #tpu.memory_space<vmem>> -> memref<125xi32, #tpu.memory_space<vmem>>
    %dma_wait3A_126 = arith.constant 0 : i32
    %dma_wait3A_127 = arith.constant 0 : i32
    %dma_wait3A_128 = tpu.memref_slice %arg2[%dma_wait3A_126, %dma_wait3A_127] : memref<10000x96xbf16, #tpu.memory_space<hbm>> -> memref<10000x96xbf16, #tpu.memory_space<hbm>>
    tpu.wait_indirect_dma semaphore(%arg21 : memref<!tpu.dma_semaphore, #tpu.memory_space<semaphore_mem>>) src(%dma_wait3A_128 : memref<10000x96xbf16, #tpu.memory_space<hbm>>) dst(%arg10 : memref<125x96xbf16, #tpu.memory_space<vmem>>)
    %dma_start3A_129 = arith.constant 75 : i32
    %dma_start3A_130 = arith.constant 0 : i32
    %dma_start3A_131 = tpu.memref_slice %arg6[%dma_start3A_129, %dma_start3A_130] : memref<80x125xi32, #tpu.memory_space<vmem>> -> memref<1x125xi32, #tpu.memory_space<vmem>>
    %dma_start3A_132 = tpu.memref_squeeze %dma_start3A_131 : memref<1x125xi32, #tpu.memory_space<vmem>> -> memref<125xi32, #tpu.memory_space<vmem>>
    %dma_start3A_133 = arith.constant 0 : i32
    %dma_start3A_134 = arith.constant 0 : i32
    %dma_start3A_135 = tpu.memref_slice %arg17[%dma_start3A_133, %dma_start3A_134] : memref<10000x96xbf16, #tpu.memory_space<vmem_shared>> -> memref<10000x96xbf16, #tpu.memory_space<vmem_shared>>
    tpu.enqueue_indirect_dma source(%arg10 : memref<125x96xbf16, #tpu.memory_space<vmem>>) target(%dma_start3A_135 : memref<10000x96xbf16, #tpu.memory_space<vmem_shared>>) offsets(%dma_start3A_132 : memref<125xi32, #tpu.memory_space<vmem>>) semaphore(%arg29 : memref<!tpu.dma_semaphore, #tpu.memory_space<semaphore_mem>>) {add = true}
    %dma_wait3A_136 = arith.constant 76 : i32
    %dma_wait3A_137 = arith.constant 0 : i32
    %dma_wait3A_138 = tpu.memref_slice %arg5[%dma_wait3A_136, %dma_wait3A_137] : memref<80x125xi32, #tpu.memory_space<vmem>> -> memref<1x125xi32, #tpu.memory_space<vmem>>
    %dma_wait3A_139 = tpu.memref_squeeze %dma_wait3A_138 : memref<1x125xi32, #tpu.memory_space<vmem>> -> memref<125xi32, #tpu.memory_space<vmem>>
    %dma_wait3A_140 = arith.constant 0 : i32
    %dma_wait3A_141 = arith.constant 0 : i32
    %dma_wait3A_142 = tpu.memref_slice %arg2[%dma_wait3A_140, %dma_wait3A_141] : memref<10000x96xbf16, #tpu.memory_space<hbm>> -> memref<10000x96xbf16, #tpu.memory_space<hbm>>
    tpu.wait_indirect_dma semaphore(%arg22 : memref<!tpu.dma_semaphore, #tpu.memory_space<semaphore_mem>>) src(%dma_wait3A_142 : memref<10000x96xbf16, #tpu.memory_space<hbm>>) dst(%arg11 : memref<125x96xbf16, #tpu.memory_space<vmem>>)
    %dma_start3A_143 = arith.constant 76 : i32
    %dma_start3A_144 = arith.constant 0 : i32
    %dma_start3A_145 = tpu.memref_slice %arg6[%dma_start3A_143, %dma_start3A_144] : memref<80x125xi32, #tpu.memory_space<vmem>> -> memref<1x125xi32, #tpu.memory_space<vmem>>
    %dma_start3A_146 = tpu.memref_squeeze %dma_start3A_145 : memref<1x125xi32, #tpu.memory_space<vmem>> -> memref<125xi32, #tpu.memory_space<vmem>>
    %dma_start3A_147 = arith.constant 0 : i32
    %dma_start3A_148 = arith.constant 0 : i32
    %dma_start3A_149 = tpu.memref_slice %arg17[%dma_start3A_147, %dma_start3A_148] : memref<10000x96xbf16, #tpu.memory_space<vmem_shared>> -> memref<10000x96xbf16, #tpu.memory_space<vmem_shared>>
    tpu.enqueue_indirect_dma source(%arg11 : memref<125x96xbf16, #tpu.memory_space<vmem>>) target(%dma_start3A_149 : memref<10000x96xbf16, #tpu.memory_space<vmem_shared>>) offsets(%dma_start3A_146 : memref<125xi32, #tpu.memory_space<vmem>>) semaphore(%arg30 : memref<!tpu.dma_semaphore, #tpu.memory_space<semaphore_mem>>) {add = true}
    %dma_wait3A_150 = arith.constant 77 : i32
    %dma_wait3A_151 = arith.constant 0 : i32
    %dma_wait3A_152 = tpu.memref_slice %arg5[%dma_wait3A_150, %dma_wait3A_151] : memref<80x125xi32, #tpu.memory_space<vmem>> -> memref<1x125xi32, #tpu.memory_space<vmem>>
    %dma_wait3A_153 = tpu.memref_squeeze %dma_wait3A_152 : memref<1x125xi32, #tpu.memory_space<vmem>> -> memref<125xi32, #tpu.memory_space<vmem>>
    %dma_wait3A_154 = arith.constant 0 : i32
    %dma_wait3A_155 = arith.constant 0 : i32
    %dma_wait3A_156 = tpu.memref_slice %arg2[%dma_wait3A_154, %dma_wait3A_155] : memref<10000x96xbf16, #tpu.memory_space<hbm>> -> memref<10000x96xbf16, #tpu.memory_space<hbm>>
    tpu.wait_indirect_dma semaphore(%arg23 : memref<!tpu.dma_semaphore, #tpu.memory_space<semaphore_mem>>) src(%dma_wait3A_156 : memref<10000x96xbf16, #tpu.memory_space<hbm>>) dst(%arg12 : memref<125x96xbf16, #tpu.memory_space<vmem>>)
    %dma_start3A_157 = arith.constant 77 : i32
    %dma_start3A_158 = arith.constant 0 : i32
    %dma_start3A_159 = tpu.memref_slice %arg6[%dma_start3A_157, %dma_start3A_158] : memref<80x125xi32, #tpu.memory_space<vmem>> -> memref<1x125xi32, #tpu.memory_space<vmem>>
    %dma_start3A_160 = tpu.memref_squeeze %dma_start3A_159 : memref<1x125xi32, #tpu.memory_space<vmem>> -> memref<125xi32, #tpu.memory_space<vmem>>
    %dma_start3A_161 = arith.constant 0 : i32
    %dma_start3A_162 = arith.constant 0 : i32
    %dma_start3A_163 = tpu.memref_slice %arg17[%dma_start3A_161, %dma_start3A_162] : memref<10000x96xbf16, #tpu.memory_space<vmem_shared>> -> memref<10000x96xbf16, #tpu.memory_space<vmem_shared>>
    tpu.enqueue_indirect_dma source(%arg12 : memref<125x96xbf16, #tpu.memory_space<vmem>>) target(%dma_start3A_163 : memref<10000x96xbf16, #tpu.memory_space<vmem_shared>>) offsets(%dma_start3A_160 : memref<125xi32, #tpu.memory_space<vmem>>) semaphore(%arg31 : memref<!tpu.dma_semaphore, #tpu.memory_space<semaphore_mem>>) {add = true}
    %dma_wait3A_164 = arith.constant 78 : i32
    %dma_wait3A_165 = arith.constant 0 : i32
    %dma_wait3A_166 = tpu.memref_slice %arg5[%dma_wait3A_164, %dma_wait3A_165] : memref<80x125xi32, #tpu.memory_space<vmem>> -> memref<1x125xi32, #tpu.memory_space<vmem>>
    %dma_wait3A_167 = tpu.memref_squeeze %dma_wait3A_166 : memref<1x125xi32, #tpu.memory_space<vmem>> -> memref<125xi32, #tpu.memory_space<vmem>>
    %dma_wait3A_168 = arith.constant 0 : i32
    %dma_wait3A_169 = arith.constant 0 : i32
    %dma_wait3A_170 = tpu.memref_slice %arg2[%dma_wait3A_168, %dma_wait3A_169] : memref<10000x96xbf16, #tpu.memory_space<hbm>> -> memref<10000x96xbf16, #tpu.memory_space<hbm>>
    tpu.wait_indirect_dma semaphore(%arg24 : memref<!tpu.dma_semaphore, #tpu.memory_space<semaphore_mem>>) src(%dma_wait3A_170 : memref<10000x96xbf16, #tpu.memory_space<hbm>>) dst(%arg13 : memref<125x96xbf16, #tpu.memory_space<vmem>>)
    %dma_start3A_171 = arith.constant 78 : i32
    %dma_start3A_172 = arith.constant 0 : i32
    %dma_start3A_173 = tpu.memref_slice %arg6[%dma_start3A_171, %dma_start3A_172] : memref<80x125xi32, #tpu.memory_space<vmem>> -> memref<1x125xi32, #tpu.memory_space<vmem>>
    %dma_start3A_174 = tpu.memref_squeeze %dma_start3A_173 : memref<1x125xi32, #tpu.memory_space<vmem>> -> memref<125xi32, #tpu.memory_space<vmem>>
    %dma_start3A_175 = arith.constant 0 : i32
    %dma_start3A_176 = arith.constant 0 : i32
    %dma_start3A_177 = tpu.memref_slice %arg17[%dma_start3A_175, %dma_start3A_176] : memref<10000x96xbf16, #tpu.memory_space<vmem_shared>> -> memref<10000x96xbf16, #tpu.memory_space<vmem_shared>>
    tpu.enqueue_indirect_dma source(%arg13 : memref<125x96xbf16, #tpu.memory_space<vmem>>) target(%dma_start3A_177 : memref<10000x96xbf16, #tpu.memory_space<vmem_shared>>) offsets(%dma_start3A_174 : memref<125xi32, #tpu.memory_space<vmem>>) semaphore(%arg32 : memref<!tpu.dma_semaphore, #tpu.memory_space<semaphore_mem>>) {add = true}
    %dma_wait3A_178 = arith.constant 79 : i32
    %dma_wait3A_179 = arith.constant 0 : i32
    %dma_wait3A_180 = tpu.memref_slice %arg5[%dma_wait3A_178, %dma_wait3A_179] : memref<80x125xi32, #tpu.memory_space<vmem>> -> memref<1x125xi32, #tpu.memory_space<vmem>>
    %dma_wait3A_181 = tpu.memref_squeeze %dma_wait3A_180 : memref<1x125xi32, #tpu.memory_space<vmem>> -> memref<125xi32, #tpu.memory_space<vmem>>
    %dma_wait3A_182 = arith.constant 0 : i32
    %dma_wait3A_183 = arith.constant 0 : i32
    %dma_wait3A_184 = tpu.memref_slice %arg2[%dma_wait3A_182, %dma_wait3A_183] : memref<10000x96xbf16, #tpu.memory_space<hbm>> -> memref<10000x96xbf16, #tpu.memory_space<hbm>>
    tpu.wait_indirect_dma semaphore(%arg25 : memref<!tpu.dma_semaphore, #tpu.memory_space<semaphore_mem>>) src(%dma_wait3A_184 : memref<10000x96xbf16, #tpu.memory_space<hbm>>) dst(%arg14 : memref<125x96xbf16, #tpu.memory_space<vmem>>)
    %dma_start3A_185 = arith.constant 79 : i32
    %dma_start3A_186 = arith.constant 0 : i32
    %dma_start3A_187 = tpu.memref_slice %arg6[%dma_start3A_185, %dma_start3A_186] : memref<80x125xi32, #tpu.memory_space<vmem>> -> memref<1x125xi32, #tpu.memory_space<vmem>>
    %dma_start3A_188 = tpu.memref_squeeze %dma_start3A_187 : memref<1x125xi32, #tpu.memory_space<vmem>> -> memref<125xi32, #tpu.memory_space<vmem>>
    %dma_start3A_189 = arith.constant 0 : i32
    %dma_start3A_190 = arith.constant 0 : i32
    %dma_start3A_191 = tpu.memref_slice %arg17[%dma_start3A_189, %dma_start3A_190] : memref<10000x96xbf16, #tpu.memory_space<vmem_shared>> -> memref<10000x96xbf16, #tpu.memory_space<vmem_shared>>
    tpu.enqueue_indirect_dma source(%arg14 : memref<125x96xbf16, #tpu.memory_space<vmem>>) target(%dma_start3A_191 : memref<10000x96xbf16, #tpu.memory_space<vmem_shared>>) offsets(%dma_start3A_188 : memref<125xi32, #tpu.memory_space<vmem>>) semaphore(%arg33 : memref<!tpu.dma_semaphore, #tpu.memory_space<semaphore_mem>>) {add = true}
    %dma_wait3A_192 = arith.constant 72 : i32
    %dma_wait3A_193 = arith.constant 0 : i32
    %dma_wait3A_194 = tpu.memref_slice %arg6[%dma_wait3A_192, %dma_wait3A_193] : memref<80x125xi32, #tpu.memory_space<vmem>> -> memref<1x125xi32, #tpu.memory_space<vmem>>
    %dma_wait3A_195 = tpu.memref_squeeze %dma_wait3A_194 : memref<1x125xi32, #tpu.memory_space<vmem>> -> memref<125xi32, #tpu.memory_space<vmem>>
    %dma_wait3A_196 = arith.constant 0 : i32
    %dma_wait3A_197 = arith.constant 0 : i32
    %dma_wait3A_198 = tpu.memref_slice %arg17[%dma_wait3A_196, %dma_wait3A_197] : memref<10000x96xbf16, #tpu.memory_space<vmem_shared>> -> memref<10000x96xbf16, #tpu.memory_space<vmem_shared>>
    tpu.wait_indirect_dma semaphore(%arg26 : memref<!tpu.dma_semaphore, #tpu.memory_space<semaphore_mem>>) src(%arg7 : memref<125x96xbf16, #tpu.memory_space<vmem>>) dst(%dma_wait3A_198 : memref<10000x96xbf16, #tpu.memory_space<vmem_shared>>)
    %dma_wait3A_199 = arith.constant 73 : i32
    %dma_wait3A_200 = arith.constant 0 : i32
    %dma_wait3A_201 = tpu.memref_slice %arg6[%dma_wait3A_199, %dma_wait3A_200] : memref<80x125xi32, #tpu.memory_space<vmem>> -> memref<1x125xi32, #tpu.memory_space<vmem>>
    %dma_wait3A_202 = tpu.memref_squeeze %dma_wait3A_201 : memref<1x125xi32, #tpu.memory_space<vmem>> -> memref<125xi32, #tpu.memory_space<vmem>>
    %dma_wait3A_203 = arith.constant 0 : i32
    %dma_wait3A_204 = arith.constant 0 : i32
    %dma_wait3A_205 = tpu.memref_slice %arg17[%dma_wait3A_203, %dma_wait3A_204] : memref<10000x96xbf16, #tpu.memory_space<vmem_shared>> -> memref<10000x96xbf16, #tpu.memory_space<vmem_shared>>
    tpu.wait_indirect_dma semaphore(%arg27 : memref<!tpu.dma_semaphore, #tpu.memory_space<semaphore_mem>>) src(%arg8 : memref<125x96xbf16, #tpu.memory_space<vmem>>) dst(%dma_wait3A_205 : memref<10000x96xbf16, #tpu.memory_space<vmem_shared>>)
    %dma_wait3A_206 = arith.constant 74 : i32
    %dma_wait3A_207 = arith.constant 0 : i32
    %dma_wait3A_208 = tpu.memref_slice %arg6[%dma_wait3A_206, %dma_wait3A_207] : memref<80x125xi32, #tpu.memory_space<vmem>> -> memref<1x125xi32, #tpu.memory_space<vmem>>
    %dma_wait3A_209 = tpu.memref_squeeze %dma_wait3A_208 : memref<1x125xi32, #tpu.memory_space<vmem>> -> memref<125xi32, #tpu.memory_space<vmem>>
    %dma_wait3A_210 = arith.constant 0 : i32
    %dma_wait3A_211 = arith.constant 0 : i32
    %dma_wait3A_212 = tpu.memref_slice %arg17[%dma_wait3A_210, %dma_wait3A_211] : memref<10000x96xbf16, #tpu.memory_space<vmem_shared>> -> memref<10000x96xbf16, #tpu.memory_space<vmem_shared>>
    tpu.wait_indirect_dma semaphore(%arg28 : memref<!tpu.dma_semaphore, #tpu.memory_space<semaphore_mem>>) src(%arg9 : memref<125x96xbf16, #tpu.memory_space<vmem>>) dst(%dma_wait3A_212 : memref<10000x96xbf16, #tpu.memory_space<vmem_shared>>)
    %dma_wait3A_213 = arith.constant 75 : i32
    %dma_wait3A_214 = arith.constant 0 : i32
    %dma_wait3A_215 = tpu.memref_slice %arg6[%dma_wait3A_213, %dma_wait3A_214] : memref<80x125xi32, #tpu.memory_space<vmem>> -> memref<1x125xi32, #tpu.memory_space<vmem>>
    %dma_wait3A_216 = tpu.memref_squeeze %dma_wait3A_215 : memref<1x125xi32, #tpu.memory_space<vmem>> -> memref<125xi32, #tpu.memory_space<vmem>>
    %dma_wait3A_217 = arith.constant 0 : i32
    %dma_wait3A_218 = arith.constant 0 : i32
    %dma_wait3A_219 = tpu.memref_slice %arg17[%dma_wait3A_217, %dma_wait3A_218] : memref<10000x96xbf16, #tpu.memory_space<vmem_shared>> -> memref<10000x96xbf16, #tpu.memory_space<vmem_shared>>
    tpu.wait_indirect_dma semaphore(%arg29 : memref<!tpu.dma_semaphore, #tpu.memory_space<semaphore_mem>>) src(%arg10 : memref<125x96xbf16, #tpu.memory_space<vmem>>) dst(%dma_wait3A_219 : memref<10000x96xbf16, #tpu.memory_space<vmem_shared>>)
    %dma_wait3A_220 = arith.constant 76 : i32
    %dma_wait3A_221 = arith.constant 0 : i32
    %dma_wait3A_222 = tpu.memref_slice %arg6[%dma_wait3A_220, %dma_wait3A_221] : memref<80x125xi32, #tpu.memory_space<vmem>> -> memref<1x125xi32, #tpu.memory_space<vmem>>
    %dma_wait3A_223 = tpu.memref_squeeze %dma_wait3A_222 : memref<1x125xi32, #tpu.memory_space<vmem>> -> memref<125xi32, #tpu.memory_space<vmem>>
    %dma_wait3A_224 = arith.constant 0 : i32
    %dma_wait3A_225 = arith.constant 0 : i32
    %dma_wait3A_226 = tpu.memref_slice %arg17[%dma_wait3A_224, %dma_wait3A_225] : memref<10000x96xbf16, #tpu.memory_space<vmem_shared>> -> memref<10000x96xbf16, #tpu.memory_space<vmem_shared>>
    tpu.wait_indirect_dma semaphore(%arg30 : memref<!tpu.dma_semaphore, #tpu.memory_space<semaphore_mem>>) src(%arg11 : memref<125x96xbf16, #tpu.memory_space<vmem>>) dst(%dma_wait3A_226 : memref<10000x96xbf16, #tpu.memory_space<vmem_shared>>)
    %dma_wait3A_227 = arith.constant 77 : i32
    %dma_wait3A_228 = arith.constant 0 : i32
    %dma_wait3A_229 = tpu.memref_slice %arg6[%dma_wait3A_227, %dma_wait3A_228] : memref<80x125xi32, #tpu.memory_space<vmem>> -> memref<1x125xi32, #tpu.memory_space<vmem>>
    %dma_wait3A_230 = tpu.memref_squeeze %dma_wait3A_229 : memref<1x125xi32, #tpu.memory_space<vmem>> -> memref<125xi32, #tpu.memory_space<vmem>>
    %dma_wait3A_231 = arith.constant 0 : i32
    %dma_wait3A_232 = arith.constant 0 : i32
    %dma_wait3A_233 = tpu.memref_slice %arg17[%dma_wait3A_231, %dma_wait3A_232] : memref<10000x96xbf16, #tpu.memory_space<vmem_shared>> -> memref<10000x96xbf16, #tpu.memory_space<vmem_shared>>
    tpu.wait_indirect_dma semaphore(%arg31 : memref<!tpu.dma_semaphore, #tpu.memory_space<semaphore_mem>>) src(%arg12 : memref<125x96xbf16, #tpu.memory_space<vmem>>) dst(%dma_wait3A_233 : memref<10000x96xbf16, #tpu.memory_space<vmem_shared>>)
    %dma_wait3A_234 = arith.constant 78 : i32
    %dma_wait3A_235 = arith.constant 0 : i32
    %dma_wait3A_236 = tpu.memref_slice %arg6[%dma_wait3A_234, %dma_wait3A_235] : memref<80x125xi32, #tpu.memory_space<vmem>> -> memref<1x125xi32, #tpu.memory_space<vmem>>
    %dma_wait3A_237 = tpu.memref_squeeze %dma_wait3A_236 : memref<1x125xi32, #tpu.memory_space<vmem>> -> memref<125xi32, #tpu.memory_space<vmem>>
    %dma_wait3A_238 = arith.constant 0 : i32
    %dma_wait3A_239 = arith.constant 0 : i32
    %dma_wait3A_240 = tpu.memref_slice %arg17[%dma_wait3A_238, %dma_wait3A_239] : memref<10000x96xbf16, #tpu.memory_space<vmem_shared>> -> memref<10000x96xbf16, #tpu.memory_space<vmem_shared>>
    tpu.wait_indirect_dma semaphore(%arg32 : memref<!tpu.dma_semaphore, #tpu.memory_space<semaphore_mem>>) src(%arg13 : memref<125x96xbf16, #tpu.memory_space<vmem>>) dst(%dma_wait3A_240 : memref<10000x96xbf16, #tpu.memory_space<vmem_shared>>)
    %dma_wait3A_241 = arith.constant 79 : i32
    %dma_wait3A_242 = arith.constant 0 : i32
    %dma_wait3A_243 = tpu.memref_slice %arg6[%dma_wait3A_241, %dma_wait3A_242] : memref<80x125xi32, #tpu.memory_space<vmem>> -> memref<1x125xi32, #tpu.memory_space<vmem>>
    %dma_wait3A_244 = tpu.memref_squeeze %dma_wait3A_243 : memref<1x125xi32, #tpu.memory_space<vmem>> -> memref<125xi32, #tpu.memory_space<vmem>>
    %dma_wait3A_245 = arith.constant 0 : i32
    %dma_wait3A_246 = arith.constant 0 : i32
    %dma_wait3A_247 = tpu.memref_slice %arg17[%dma_wait3A_245, %dma_wait3A_246] : memref<10000x96xbf16, #tpu.memory_space<vmem_shared>> -> memref<10000x96xbf16, #tpu.memory_space<vmem_shared>>
    tpu.wait_indirect_dma semaphore(%arg33 : memref<!tpu.dma_semaphore, #tpu.memory_space<semaphore_mem>>) src(%arg14 : memref<125x96xbf16, #tpu.memory_space<vmem>>) dst(%dma_wait3A_247 : memref<10000x96xbf16, #tpu.memory_space<vmem_shared>>)
    %barrier3A_248 = arith.constant 0 : index
    tpu.barrier barrier_id(%barrier3A_248)
    %add3A_249 = arith.constant 0 : i32
    %add3A_250 = arith.addi %mul3A_64, %add3A_249 : i32
    "tpu.region"() ({
      %run_scoped3A_328 = tpu.sem_alloc : memref<!tpu.dma_semaphore, #tpu.memory_space<semaphore_mem>>
      %dma_start3A_329 = arith.constant 0 : i32
      %dma_start3A_330 = tpu.memref_slice %arg17[%add3A_250, %dma_start3A_329] : memref<10000x96xbf16, #tpu.memory_space<vmem_shared>> -> memref<125x96xbf16, #tpu.memory_space<vmem_shared>>
      %dma_start3A_331 = arith.constant 0 : i32
      %dma_start3A_332 = tpu.memref_slice %arg17[%add3A_250, %dma_start3A_331] : memref<10000x96xbf16, #tpu.memory_space<vmem_shared>> -> memref<125x96xbf16, #tpu.memory_space<vmem_shared>>
      tpu.enqueue_dma source(%dma_start3A_332 : memref<125x96xbf16, #tpu.memory_space<vmem_shared>>) target(%arg15 : memref<125x96xbf16, #tpu.memory_space<vmem>>) target_semaphore(%run_scoped3A_328 : memref<!tpu.dma_semaphore, #tpu.memory_space<semaphore_mem>>)
      %dma_wait3A_333 = arith.constant 0 : i32
      %dma_wait3A_334 = tpu.memref_slice %arg17[%add3A_250, %dma_wait3A_333] : memref<10000x96xbf16, #tpu.memory_space<vmem_shared>> -> memref<125x96xbf16, #tpu.memory_space<vmem_shared>>
      %dma_wait3A_335 = arith.constant 0 : i32
      %dma_wait3A_336 = tpu.memref_slice %arg17[%add3A_250, %dma_wait3A_335] : memref<10000x96xbf16, #tpu.memory_space<vmem_shared>> -> memref<125x96xbf16, #tpu.memory_space<vmem_shared>>
      tpu.wait_dma2 semaphore(%run_scoped3A_328 : memref<!tpu.dma_semaphore, #tpu.memory_space<semaphore_mem>>) src(%dma_wait3A_336 : memref<125x96xbf16, #tpu.memory_space<vmem_shared>>) dst(%arg15 : memref<125x96xbf16, #tpu.memory_space<vmem>>)
      tpu.yield
    }) : () -> ()
    %dma_start3A_251 = arith.constant 0 : i32
    %dma_start3A_252 = tpu.memref_slice %arg4[%arg0, %add3A_250, %dma_start3A_251] : memref<2x10000x96xbf16, #tpu.memory_space<hbm>> -> memref<1x125x96xbf16, #tpu.memory_space<hbm>>
    %dma_start3A_253 = tpu.memref_squeeze %dma_start3A_252 : memref<1x125x96xbf16, #tpu.memory_space<hbm>> -> memref<125x96xbf16, #tpu.memory_space<hbm>>
    %dma_start3A_254 = arith.constant 0 : i32
    %dma_start3A_255 = tpu.memref_slice %arg4[%arg0, %add3A_250, %dma_start3A_254] : memref<2x10000x96xbf16, #tpu.memory_space<hbm>> -> memref<1x125x96xbf16, #tpu.memory_space<hbm>>
    %dma_start3A_256 = tpu.memref_squeeze %dma_start3A_255 : memref<1x125x96xbf16, #tpu.memory_space<hbm>> -> memref<125x96xbf16, #tpu.memory_space<hbm>>
    tpu.enqueue_dma source(%arg15 : memref<125x96xbf16, #tpu.memory_space<vmem>>) target(%dma_start3A_256 : memref<125x96xbf16, #tpu.memory_space<hbm>>) target_semaphore(%arg18 : memref<!tpu.dma_semaphore, #tpu.memory_space<semaphore_mem>>)
    %add3A_257 = arith.constant 125 : i32
    %add3A_258 = arith.addi %mul3A_64, %add3A_257 : i32
    "tpu.region"() ({
      %run_scoped3A_328 = tpu.sem_alloc : memref<!tpu.dma_semaphore, #tpu.memory_space<semaphore_mem>>
      %dma_start3A_329 = arith.constant 0 : i32
      %dma_start3A_330 = tpu.memref_slice %arg17[%add3A_258, %dma_start3A_329] : memref<10000x96xbf16, #tpu.memory_space<vmem_shared>> -> memref<125x96xbf16, #tpu.memory_space<vmem_shared>>
      %dma_start3A_331 = arith.constant 0 : i32
      %dma_start3A_332 = tpu.memref_slice %arg17[%add3A_258, %dma_start3A_331] : memref<10000x96xbf16, #tpu.memory_space<vmem_shared>> -> memref<125x96xbf16, #tpu.memory_space<vmem_shared>>
      tpu.enqueue_dma source(%dma_start3A_332 : memref<125x96xbf16, #tpu.memory_space<vmem_shared>>) target(%arg16 : memref<125x96xbf16, #tpu.memory_space<vmem>>) target_semaphore(%run_scoped3A_328 : memref<!tpu.dma_semaphore, #tpu.memory_space<semaphore_mem>>)
      %dma_wait3A_333 = arith.constant 0 : i32
      %dma_wait3A_334 = tpu.memref_slice %arg17[%add3A_258, %dma_wait3A_333] : memref<10000x96xbf16, #tpu.memory_space<vmem_shared>> -> memref<125x96xbf16, #tpu.memory_space<vmem_shared>>
      %dma_wait3A_335 = arith.constant 0 : i32
      %dma_wait3A_336 = tpu.memref_slice %arg17[%add3A_258, %dma_wait3A_335] : memref<10000x96xbf16, #tpu.memory_space<vmem_shared>> -> memref<125x96xbf16, #tpu.memory_space<vmem_shared>>
      tpu.wait_dma2 semaphore(%run_scoped3A_328 : memref<!tpu.dma_semaphore, #tpu.memory_space<semaphore_mem>>) src(%dma_wait3A_336 : memref<125x96xbf16, #tpu.memory_space<vmem_shared>>) dst(%arg16 : memref<125x96xbf16, #tpu.memory_space<vmem>>)
      tpu.yield
    }) : () -> ()
    %dma_start3A_259 = arith.constant 0 : i32
    %dma_start3A_260 = tpu.memref_slice %arg4[%arg0, %add3A_258, %dma_start3A_259] : memref<2x10000x96xbf16, #tpu.memory_space<hbm>> -> memref<1x125x96xbf16, #tpu.memory_space<hbm>>
    %dma_start3A_261 = tpu.memref_squeeze %dma_start3A_260 : memref<1x125x96xbf16, #tpu.memory_space<hbm>> -> memref<125x96xbf16, #tpu.memory_space<hbm>>
    %dma_start3A_262 = arith.constant 0 : i32
    %dma_start3A_263 = tpu.memref_slice %arg4[%arg0, %add3A_258, %dma_start3A_262] : memref<2x10000x96xbf16, #tpu.memory_space<hbm>> -> memref<1x125x96xbf16, #tpu.memory_space<hbm>>
    %dma_start3A_264 = tpu.memref_squeeze %dma_start3A_263 : memref<1x125x96xbf16, #tpu.memory_space<hbm>> -> memref<125x96xbf16, #tpu.memory_space<hbm>>
    tpu.enqueue_dma source(%arg16 : memref<125x96xbf16, #tpu.memory_space<vmem>>) target(%dma_start3A_264 : memref<125x96xbf16, #tpu.memory_space<hbm>>) target_semaphore(%arg19 : memref<!tpu.dma_semaphore, #tpu.memory_space<semaphore_mem>>)
    %add3A_265 = arith.constant 250 : i32
    %add3A_266 = arith.addi %mul3A_64, %add3A_265 : i32
    %sub3A = arith.constant 250 : i32
    %sub3A_267 = arith.subi %add3A_266, %sub3A : i32
    %dma_wait3A_268 = arith.constant 0 : i32
    %dma_wait3A_269 = tpu.memref_slice %arg4[%arg0, %sub3A_267, %dma_wait3A_268] : memref<2x10000x96xbf16, #tpu.memory_space<hbm>> -> memref<1x125x96xbf16, #tpu.memory_space<hbm>>
    %dma_wait3A_270 = tpu.memref_squeeze %dma_wait3A_269 : memref<1x125x96xbf16, #tpu.memory_space<hbm>> -> memref<125x96xbf16, #tpu.memory_space<hbm>>
    %dma_wait3A_271 = arith.constant 0 : i32
    %dma_wait3A_272 = tpu.memref_slice %arg4[%arg0, %sub3A_267, %dma_wait3A_271] : memref<2x10000x96xbf16, #tpu.memory_space<hbm>> -> memref<1x125x96xbf16, #tpu.memory_space<hbm>>
    %dma_wait3A_273 = tpu.memref_squeeze %dma_wait3A_272 : memref<1x125x96xbf16, #tpu.memory_space<hbm>> -> memref<125x96xbf16, #tpu.memory_space<hbm>>
    tpu.wait_dma2 semaphore(%arg18 : memref<!tpu.dma_semaphore, #tpu.memory_space<semaphore_mem>>) src(%arg15 : memref<125x96xbf16, #tpu.memory_space<vmem>>) dst(%dma_wait3A_273 : memref<125x96xbf16, #tpu.memory_space<hbm>>)
    "tpu.region"() ({
      %run_scoped3A_328 = tpu.sem_alloc : memref<!tpu.dma_semaphore, #tpu.memory_space<semaphore_mem>>
      %dma_start3A_329 = arith.constant 0 : i32
      %dma_start3A_330 = tpu.memref_slice %arg17[%add3A_266, %dma_start3A_329] : memref<10000x96xbf16, #tpu.memory_space<vmem_shared>> -> memref<125x96xbf16, #tpu.memory_space<vmem_shared>>
      %dma_start3A_331 = arith.constant 0 : i32
      %dma_start3A_332 = tpu.memref_slice %arg17[%add3A_266, %dma_start3A_331] : memref<10000x96xbf16, #tpu.memory_space<vmem_shared>> -> memref<125x96xbf16, #tpu.memory_space<vmem_shared>>
      tpu.enqueue_dma source(%dma_start3A_332 : memref<125x96xbf16, #tpu.memory_space<vmem_shared>>) target(%arg15 : memref<125x96xbf16, #tpu.memory_space<vmem>>) target_semaphore(%run_scoped3A_328 : memref<!tpu.dma_semaphore, #tpu.memory_space<semaphore_mem>>)
      %dma_wait3A_333 = arith.constant 0 : i32
      %dma_wait3A_334 = tpu.memref_slice %arg17[%add3A_266, %dma_wait3A_333] : memref<10000x96xbf16, #tpu.memory_space<vmem_shared>> -> memref<125x96xbf16, #tpu.memory_space<vmem_shared>>
      %dma_wait3A_335 = arith.constant 0 : i32
      %dma_wait3A_336 = tpu.memref_slice %arg17[%add3A_266, %dma_wait3A_335] : memref<10000x96xbf16, #tpu.memory_space<vmem_shared>> -> memref<125x96xbf16, #tpu.memory_space<vmem_shared>>
      tpu.wait_dma2 semaphore(%run_scoped3A_328 : memref<!tpu.dma_semaphore, #tpu.memory_space<semaphore_mem>>) src(%dma_wait3A_336 : memref<125x96xbf16, #tpu.memory_space<vmem_shared>>) dst(%arg15 : memref<125x96xbf16, #tpu.memory_space<vmem>>)
      tpu.yield
    }) : () -> ()
    %dma_start3A_274 = arith.constant 0 : i32
    %dma_start3A_275 = tpu.memref_slice %arg4[%arg0, %add3A_266, %dma_start3A_274] : memref<2x10000x96xbf16, #tpu.memory_space<hbm>> -> memref<1x125x96xbf16, #tpu.memory_space<hbm>>
    %dma_start3A_276 = tpu.memref_squeeze %dma_start3A_275 : memref<1x125x96xbf16, #tpu.memory_space<hbm>> -> memref<125x96xbf16, #tpu.memory_space<hbm>>
    %dma_start3A_277 = arith.constant 0 : i32
    %dma_start3A_278 = tpu.memref_slice %arg4[%arg0, %add3A_266, %dma_start3A_277] : memref<2x10000x96xbf16, #tpu.memory_space<hbm>> -> memref<1x125x96xbf16, #tpu.memory_space<hbm>>
    %dma_start3A_279 = tpu.memref_squeeze %dma_start3A_278 : memref<1x125x96xbf16, #tpu.memory_space<hbm>> -> memref<125x96xbf16, #tpu.memory_space<hbm>>
    tpu.enqueue_dma source(%arg15 : memref<125x96xbf16, #tpu.memory_space<vmem>>) target(%dma_start3A_279 : memref<125x96xbf16, #tpu.memory_space<hbm>>) target_semaphore(%arg18 : memref<!tpu.dma_semaphore, #tpu.memory_space<semaphore_mem>>)
    %add3A_280 = arith.constant 375 : i32
    %add3A_281 = arith.addi %mul3A_64, %add3A_280 : i32
    %sub3A_282 = arith.constant 250 : i32
    %sub3A_283 = arith.subi %add3A_281, %sub3A_282 : i32
    %dma_wait3A_284 = arith.constant 0 : i32
    %dma_wait3A_285 = tpu.memref_slice %arg4[%arg0, %sub3A_283, %dma_wait3A_284] : memref<2x10000x96xbf16, #tpu.memory_space<hbm>> -> memref<1x125x96xbf16, #tpu.memory_space<hbm>>
    %dma_wait3A_286 = tpu.memref_squeeze %dma_wait3A_285 : memref<1x125x96xbf16, #tpu.memory_space<hbm>> -> memref<125x96xbf16, #tpu.memory_space<hbm>>
    %dma_wait3A_287 = arith.constant 0 : i32
    %dma_wait3A_288 = tpu.memref_slice %arg4[%arg0, %sub3A_283, %dma_wait3A_287] : memref<2x10000x96xbf16, #tpu.memory_space<hbm>> -> memref<1x125x96xbf16, #tpu.memory_space<hbm>>
    %dma_wait3A_289 = tpu.memref_squeeze %dma_wait3A_288 : memref<1x125x96xbf16, #tpu.memory_space<hbm>> -> memref<125x96xbf16, #tpu.memory_space<hbm>>
    tpu.wait_dma2 semaphore(%arg19 : memref<!tpu.dma_semaphore, #tpu.memory_space<semaphore_mem>>) src(%arg16 : memref<125x96xbf16, #tpu.memory_space<vmem>>) dst(%dma_wait3A_289 : memref<125x96xbf16, #tpu.memory_space<hbm>>)
    "tpu.region"() ({
      %run_scoped3A_328 = tpu.sem_alloc : memref<!tpu.dma_semaphore, #tpu.memory_space<semaphore_mem>>
      %dma_start3A_329 = arith.constant 0 : i32
      %dma_start3A_330 = tpu.memref_slice %arg17[%add3A_281, %dma_start3A_329] : memref<10000x96xbf16, #tpu.memory_space<vmem_shared>> -> memref<125x96xbf16, #tpu.memory_space<vmem_shared>>
      %dma_start3A_331 = arith.constant 0 : i32
      %dma_start3A_332 = tpu.memref_slice %arg17[%add3A_281, %dma_start3A_331] : memref<10000x96xbf16, #tpu.memory_space<vmem_shared>> -> memref<125x96xbf16, #tpu.memory_space<vmem_shared>>
      tpu.enqueue_dma source(%dma_start3A_332 : memref<125x96xbf16, #tpu.memory_space<vmem_shared>>) target(%arg16 : memref<125x96xbf16, #tpu.memory_space<vmem>>) target_semaphore(%run_scoped3A_328 : memref<!tpu.dma_semaphore, #tpu.memory_space<semaphore_mem>>)
      %dma_wait3A_333 = arith.constant 0 : i32
      %dma_wait3A_334 = tpu.memref_slice %arg17[%add3A_281, %dma_wait3A_333] : memref<10000x96xbf16, #tpu.memory_space<vmem_shared>> -> memref<125x96xbf16, #tpu.memory_space<vmem_shared>>
      %dma_wait3A_335 = arith.constant 0 : i32
      %dma_wait3A_336 = tpu.memref_slice %arg17[%add3A_281, %dma_wait3A_335] : memref<10000x96xbf16, #tpu.memory_space<vmem_shared>> -> memref<125x96xbf16, #tpu.memory_space<vmem_shared>>
      tpu.wait_dma2 semaphore(%run_scoped3A_328 : memref<!tpu.dma_semaphore, #tpu.memory_space<semaphore_mem>>) src(%dma_wait3A_336 : memref<125x96xbf16, #tpu.memory_space<vmem_shared>>) dst(%arg16 : memref<125x96xbf16, #tpu.memory_space<vmem>>)
      tpu.yield
    }) : () -> ()
    %dma_start3A_290 = arith.constant 0 : i32
    %dma_start3A_291 = tpu.memref_slice %arg4[%arg0, %add3A_281, %dma_start3A_290] : memref<2x10000x96xbf16, #tpu.memory_space<hbm>> -> memref<1x125x96xbf16, #tpu.memory_space<hbm>>
    %dma_start3A_292 = tpu.memref_squeeze %dma_start3A_291 : memref<1x125x96xbf16, #tpu.memory_space<hbm>> -> memref<125x96xbf16, #tpu.memory_space<hbm>>
    %dma_start3A_293 = arith.constant 0 : i32
    %dma_start3A_294 = tpu.memref_slice %arg4[%arg0, %add3A_281, %dma_start3A_293] : memref<2x10000x96xbf16, #tpu.memory_space<hbm>> -> memref<1x125x96xbf16, #tpu.memory_space<hbm>>
    %dma_start3A_295 = tpu.memref_squeeze %dma_start3A_294 : memref<1x125x96xbf16, #tpu.memory_space<hbm>> -> memref<125x96xbf16, #tpu.memory_space<hbm>>
    tpu.enqueue_dma source(%arg16 : memref<125x96xbf16, #tpu.memory_space<vmem>>) target(%dma_start3A_295 : memref<125x96xbf16, #tpu.memory_space<hbm>>) target_semaphore(%arg19 : memref<!tpu.dma_semaphore, #tpu.memory_space<semaphore_mem>>)
    %add3A_296 = arith.constant 500 : i32
    %add3A_297 = arith.addi %mul3A_64, %add3A_296 : i32
    %sub3A_298 = arith.constant 250 : i32
    %sub3A_299 = arith.subi %add3A_297, %sub3A_298 : i32
    %dma_wait3A_300 = arith.constant 0 : i32
    %dma_wait3A_301 = tpu.memref_slice %arg4[%arg0, %sub3A_299, %dma_wait3A_300] : memref<2x10000x96xbf16, #tpu.memory_space<hbm>> -> memref<1x125x96xbf16, #tpu.memory_space<hbm>>
    %dma_wait3A_302 = tpu.memref_squeeze %dma_wait3A_301 : memref<1x125x96xbf16, #tpu.memory_space<hbm>> -> memref<125x96xbf16, #tpu.memory_space<hbm>>
    %dma_wait3A_303 = arith.constant 0 : i32
    %dma_wait3A_304 = tpu.memref_slice %arg4[%arg0, %sub3A_299, %dma_wait3A_303] : memref<2x10000x96xbf16, #tpu.memory_space<hbm>> -> memref<1x125x96xbf16, #tpu.memory_space<hbm>>
    %dma_wait3A_305 = tpu.memref_squeeze %dma_wait3A_304 : memref<1x125x96xbf16, #tpu.memory_space<hbm>> -> memref<125x96xbf16, #tpu.memory_space<hbm>>
    tpu.wait_dma2 semaphore(%arg18 : memref<!tpu.dma_semaphore, #tpu.memory_space<semaphore_mem>>) src(%arg15 : memref<125x96xbf16, #tpu.memory_space<vmem>>) dst(%dma_wait3A_305 : memref<125x96xbf16, #tpu.memory_space<hbm>>)
    "tpu.region"() ({
      %run_scoped3A_328 = tpu.sem_alloc : memref<!tpu.dma_semaphore, #tpu.memory_space<semaphore_mem>>
      %dma_start3A_329 = arith.constant 0 : i32
      %dma_start3A_330 = tpu.memref_slice %arg17[%add3A_297, %dma_start3A_329] : memref<10000x96xbf16, #tpu.memory_space<vmem_shared>> -> memref<125x96xbf16, #tpu.memory_space<vmem_shared>>
      %dma_start3A_331 = arith.constant 0 : i32
      %dma_start3A_332 = tpu.memref_slice %arg17[%add3A_297, %dma_start3A_331] : memref<10000x96xbf16, #tpu.memory_space<vmem_shared>> -> memref<125x96xbf16, #tpu.memory_space<vmem_shared>>
      tpu.enqueue_dma source(%dma_start3A_332 : memref<125x96xbf16, #tpu.memory_space<vmem_shared>>) target(%arg15 : memref<125x96xbf16, #tpu.memory_space<vmem>>) target_semaphore(%run_scoped3A_328 : memref<!tpu.dma_semaphore, #tpu.memory_space<semaphore_mem>>)
      %dma_wait3A_333 = arith.constant 0 : i32
      %dma_wait3A_334 = tpu.memref_slice %arg17[%add3A_297, %dma_wait3A_333] : memref<10000x96xbf16, #tpu.memory_space<vmem_shared>> -> memref<125x96xbf16, #tpu.memory_space<vmem_shared>>
      %dma_wait3A_335 = arith.constant 0 : i32
      %dma_wait3A_336 = tpu.memref_slice %arg17[%add3A_297, %dma_wait3A_335] : memref<10000x96xbf16, #tpu.memory_space<vmem_shared>> -> memref<125x96xbf16, #tpu.memory_space<vmem_shared>>
      tpu.wait_dma2 semaphore(%run_scoped3A_328 : memref<!tpu.dma_semaphore, #tpu.memory_space<semaphore_mem>>) src(%dma_wait3A_336 : memref<125x96xbf16, #tpu.memory_space<vmem_shared>>) dst(%arg15 : memref<125x96xbf16, #tpu.memory_space<vmem>>)
      tpu.yield
    }) : () -> ()
    %dma_start3A_306 = arith.constant 0 : i32
    %dma_start3A_307 = tpu.memref_slice %arg4[%arg0, %add3A_297, %dma_start3A_306] : memref<2x10000x96xbf16, #tpu.memory_space<hbm>> -> memref<1x125x96xbf16, #tpu.memory_space<hbm>>
    %dma_start3A_308 = tpu.memref_squeeze %dma_start3A_307 : memref<1x125x96xbf16, #tpu.memory_space<hbm>> -> memref<125x96xbf16, #tpu.memory_space<hbm>>
    %dma_start3A_309 = arith.constant 0 : i32
    %dma_start3A_310 = tpu.memref_slice %arg4[%arg0, %add3A_297, %dma_start3A_309] : memref<2x10000x96xbf16, #tpu.memory_space<hbm>> -> memref<1x125x96xbf16, #tpu.memory_space<hbm>>
    %dma_start3A_311 = tpu.memref_squeeze %dma_start3A_310 : memref<1x125x96xbf16, #tpu.memory_space<hbm>> -> memref<125x96xbf16, #tpu.memory_space<hbm>>
    tpu.enqueue_dma source(%arg15 : memref<125x96xbf16, #tpu.memory_space<vmem>>) target(%dma_start3A_311 : memref<125x96xbf16, #tpu.memory_space<hbm>>) target_semaphore(%arg18 : memref<!tpu.dma_semaphore, #tpu.memory_space<semaphore_mem>>)
    %add3A_312 = arith.constant 375 : i32
    %add3A_313 = arith.addi %mul3A_64, %add3A_312 : i32
    %dma_wait3A_314 = arith.constant 0 : i32
    %dma_wait3A_315 = tpu.memref_slice %arg4[%arg0, %add3A_313, %dma_wait3A_314] : memref<2x10000x96xbf16, #tpu.memory_space<hbm>> -> memref<1x125x96xbf16, #tpu.memory_space<hbm>>
    %dma_wait3A_316 = tpu.memref_squeeze %dma_wait3A_315 : memref<1x125x96xbf16, #tpu.memory_space<hbm>> -> memref<125x96xbf16, #tpu.memory_space<hbm>>
    %dma_wait3A_317 = arith.constant 0 : i32
    %dma_wait3A_318 = tpu.memref_slice %arg4[%arg0, %add3A_313, %dma_wait3A_317] : memref<2x10000x96xbf16, #tpu.memory_space<hbm>> -> memref<1x125x96xbf16, #tpu.memory_space<hbm>>
    %dma_wait3A_319 = tpu.memref_squeeze %dma_wait3A_318 : memref<1x125x96xbf16, #tpu.memory_space<hbm>> -> memref<125x96xbf16, #tpu.memory_space<hbm>>
    tpu.wait_dma2 semaphore(%arg19 : memref<!tpu.dma_semaphore, #tpu.memory_space<semaphore_mem>>) src(%arg16 : memref<125x96xbf16, #tpu.memory_space<vmem>>) dst(%dma_wait3A_319 : memref<125x96xbf16, #tpu.memory_space<hbm>>)
    %add3A_320 = arith.constant 500 : i32
    %add3A_321 = arith.addi %mul3A_64, %add3A_320 : i32
    %dma_wait3A_322 = arith.constant 0 : i32
    %dma_wait3A_323 = tpu.memref_slice %arg4[%arg0, %add3A_321, %dma_wait3A_322] : memref<2x10000x96xbf16, #tpu.memory_space<hbm>> -> memref<1x125x96xbf16, #tpu.memory_space<hbm>>
    %dma_wait3A_324 = tpu.memref_squeeze %dma_wait3A_323 : memref<1x125x96xbf16, #tpu.memory_space<hbm>> -> memref<125x96xbf16, #tpu.memory_space<hbm>>
    %dma_wait3A_325 = arith.constant 0 : i32
    %dma_wait3A_326 = tpu.memref_slice %arg4[%arg0, %add3A_321, %dma_wait3A_325] : memref<2x10000x96xbf16, #tpu.memory_space<hbm>> -> memref<1x125x96xbf16, #tpu.memory_space<hbm>>
    %dma_wait3A_327 = tpu.memref_squeeze %dma_wait3A_326 : memref<1x125x96xbf16, #tpu.memory_space<hbm>> -> memref<125x96xbf16, #tpu.memory_space<hbm>>
    tpu.wait_dma2 semaphore(%arg18 : memref<!tpu.dma_semaphore, #tpu.memory_space<semaphore_mem>>) src(%arg15 : memref<125x96xbf16, #tpu.memory_space<vmem>>) dst(%dma_wait3A_327 : memref<125x96xbf16, #tpu.memory_space<hbm>>)
    return
  }
}

#map = affine_map<(d0, d1) -> (0, 0)>
#map1 = affine_map<(d0, d1) -> (0, 0, 0, 0)>
#map2 = affine_map<(d0, d1) -> (0, 0, 0)>
module attributes {stable_mosaic.version = 14 : i64} {
  func.func @sc(%arg0: i32, %arg1: i32, %arg2: memref<10000x64xbf16, #tpu.memory_space<hbm>>, %arg3: memref<2x32x80x125xi32, #tpu.memory_space<hbm>>, %arg4: memref<2x10000x64xbf16, #tpu.memory_space<hbm>>, %arg5: memref<80x125xi32, #tpu.memory_space<vmem>>, %arg6: memref<80x125xi32, #tpu.memory_space<vmem>>, %arg7: memref<125x64xbf16, #tpu.memory_space<vmem>>, %arg8: memref<125x64xbf16, #tpu.memory_space<vmem>>, %arg9: memref<125x64xbf16, #tpu.memory_space<vmem>>, %arg10: memref<125x64xbf16, #tpu.memory_space<vmem>>, %arg11: memref<125x64xbf16, #tpu.memory_space<vmem>>, %arg12: memref<125x64xbf16, #tpu.memory_space<vmem>>, %arg13: memref<125x64xbf16, #tpu.memory_space<vmem>>, %arg14: memref<125x64xbf16, #tpu.memory_space<vmem>>, %arg15: memref<125x64xbf16, #tpu.memory_space<vmem>>, %arg16: memref<125x64xbf16, #tpu.memory_space<vmem>>, %arg17: memref<10000x64xbf16, #tpu.memory_space<vmem_shared>>, %arg18: memref<!tpu.dma_semaphore, #tpu.memory_space<semaphore_mem>>, %arg19: memref<!tpu.dma_semaphore, #tpu.memory_space<semaphore_mem>>, %arg20: memref<!tpu.dma_semaphore, #tpu.memory_space<semaphore_mem>>, %arg21: memref<!tpu.dma_semaphore, #tpu.memory_space<semaphore_mem>>, %arg22: memref<!tpu.dma_semaphore, #tpu.memory_space<semaphore_mem>>, %arg23: memref<!tpu.dma_semaphore, #tpu.memory_space<semaphore_mem>>, %arg24: memref<!tpu.dma_semaphore, #tpu.memory_space<semaphore_mem>>, %arg25: memref<!tpu.dma_semaphore, #tpu.memory_space<semaphore_mem>>, %arg26: memref<!tpu.dma_semaphore, #tpu.memory_space<semaphore_mem>>, %arg27: memref<!tpu.dma_semaphore, #tpu.memory_space<semaphore_mem>>, %arg28: memref<!tpu.dma_semaphore, #tpu.memory_space<semaphore_mem>>, %arg29: memref<!tpu.dma_semaphore, #tpu.memory_space<semaphore_mem>>, %arg30: memref<!tpu.dma_semaphore, #tpu.memory_space<semaphore_mem>>, %arg31: memref<!tpu.dma_semaphore, #tpu.memory_space<semaphore_mem>>, %arg32: memref<!tpu.dma_semaphore, #tpu.memory_space<semaphore_mem>>, %arg33: memref<!tpu.dma_semaphore, #tpu.memory_space<semaphore_mem>>) attributes {dimension_semantics = [#tpu.dimension_semantics<core_parallel>, #tpu.dimension_semantics<subcore_parallel>], iteration_bounds = array<i64: 2, 16>, scalar_prefetch = 0 : i64, scratch_operands = 29 : i64, tpu.core_type = #tpu.core_type<sc_vector_subcore>, window_params = [{transform_indices = #map}, {transform_indices = #map1}, {transform_indices = #map2}]} {
    %mul3A = arith.constant 2 : i32
    %mul3A_0 = arith.muli %arg1, %mul3A : i32
    %add3A = arith.addi %mul3A_0, %arg0 : i32
    %run_scoped3A = arith.constant 0 : i32
    "tpu.region"() ({
      %run_scoped3A_328 = tpu.sem_alloc : memref<!tpu.dma_semaphore, #tpu.memory_space<semaphore_mem>>
      %dma_start3A_329 = arith.constant 0 : i32
      %dma_start3A_330 = arith.constant 0 : i32
      %dma_start3A_331 = tpu.memref_slice %arg3[%run_scoped3A, %add3A, %dma_start3A_329, %dma_start3A_330] : memref<2x32x80x125xi32, #tpu.memory_space<hbm>> -> memref<1x1x80x125xi32, #tpu.memory_space<hbm>>
      %dma_start3A_332 = tpu.memref_squeeze %dma_start3A_331 : memref<1x1x80x125xi32, #tpu.memory_space<hbm>> -> memref<80x125xi32, #tpu.memory_space<hbm>>
      %dma_start3A_333 = arith.constant 0 : i32
      %dma_start3A_334 = arith.constant 0 : i32
      %dma_start3A_335 = tpu.memref_slice %arg3[%run_scoped3A, %add3A, %dma_start3A_333, %dma_start3A_334] : memref<2x32x80x125xi32, #tpu.memory_space<hbm>> -> memref<1x1x80x125xi32, #tpu.memory_space<hbm>>
      %dma_start3A_336 = tpu.memref_squeeze %dma_start3A_335 : memref<1x1x80x125xi32, #tpu.memory_space<hbm>> -> memref<80x125xi32, #tpu.memory_space<hbm>>
      tpu.enqueue_dma source(%dma_start3A_336 : memref<80x125xi32, #tpu.memory_space<hbm>>) target(%arg5 : memref<80x125xi32, #tpu.memory_space<vmem>>) target_semaphore(%run_scoped3A_328 : memref<!tpu.dma_semaphore, #tpu.memory_space<semaphore_mem>>)
      %dma_wait3A_337 = arith.constant 0 : i32
      %dma_wait3A_338 = arith.constant 0 : i32
      %dma_wait3A_339 = tpu.memref_slice %arg3[%run_scoped3A, %add3A, %dma_wait3A_337, %dma_wait3A_338] : memref<2x32x80x125xi32, #tpu.memory_space<hbm>> -> memref<1x1x80x125xi32, #tpu.memory_space<hbm>>
      %dma_wait3A_340 = tpu.memref_squeeze %dma_wait3A_339 : memref<1x1x80x125xi32, #tpu.memory_space<hbm>> -> memref<80x125xi32, #tpu.memory_space<hbm>>
      %dma_wait3A_341 = arith.constant 0 : i32
      %dma_wait3A_342 = arith.constant 0 : i32
      %dma_wait3A_343 = tpu.memref_slice %arg3[%run_scoped3A, %add3A, %dma_wait3A_341, %dma_wait3A_342] : memref<2x32x80x125xi32, #tpu.memory_space<hbm>> -> memref<1x1x80x125xi32, #tpu.memory_space<hbm>>
      %dma_wait3A_344 = tpu.memref_squeeze %dma_wait3A_343 : memref<1x1x80x125xi32, #tpu.memory_space<hbm>> -> memref<80x125xi32, #tpu.memory_space<hbm>>
      tpu.wait_dma2 semaphore(%run_scoped3A_328 : memref<!tpu.dma_semaphore, #tpu.memory_space<semaphore_mem>>) src(%dma_wait3A_344 : memref<80x125xi32, #tpu.memory_space<hbm>>) dst(%arg5 : memref<80x125xi32, #tpu.memory_space<vmem>>)
      tpu.yield
    }) : () -> ()
    %run_scoped3A_1 = arith.constant 1 : i32
    "tpu.region"() ({
      %run_scoped3A_328 = tpu.sem_alloc : memref<!tpu.dma_semaphore, #tpu.memory_space<semaphore_mem>>
      %dma_start3A_329 = arith.constant 0 : i32
      %dma_start3A_330 = arith.constant 0 : i32
      %dma_start3A_331 = tpu.memref_slice %arg3[%run_scoped3A_1, %add3A, %dma_start3A_329, %dma_start3A_330] : memref<2x32x80x125xi32, #tpu.memory_space<hbm>> -> memref<1x1x80x125xi32, #tpu.memory_space<hbm>>
      %dma_start3A_332 = tpu.memref_squeeze %dma_start3A_331 : memref<1x1x80x125xi32, #tpu.memory_space<hbm>> -> memref<80x125xi32, #tpu.memory_space<hbm>>
      %dma_start3A_333 = arith.constant 0 : i32
      %dma_start3A_334 = arith.constant 0 : i32
      %dma_start3A_335 = tpu.memref_slice %arg3[%run_scoped3A_1, %add3A, %dma_start3A_333, %dma_start3A_334] : memref<2x32x80x125xi32, #tpu.memory_space<hbm>> -> memref<1x1x80x125xi32, #tpu.memory_space<hbm>>
      %dma_start3A_336 = tpu.memref_squeeze %dma_start3A_335 : memref<1x1x80x125xi32, #tpu.memory_space<hbm>> -> memref<80x125xi32, #tpu.memory_space<hbm>>
      tpu.enqueue_dma source(%dma_start3A_336 : memref<80x125xi32, #tpu.memory_space<hbm>>) target(%arg6 : memref<80x125xi32, #tpu.memory_space<vmem>>) target_semaphore(%run_scoped3A_328 : memref<!tpu.dma_semaphore, #tpu.memory_space<semaphore_mem>>)
      %dma_wait3A_337 = arith.constant 0 : i32
      %dma_wait3A_338 = arith.constant 0 : i32
      %dma_wait3A_339 = tpu.memref_slice %arg3[%run_scoped3A_1, %add3A, %dma_wait3A_337, %dma_wait3A_338] : memref<2x32x80x125xi32, #tpu.memory_space<hbm>> -> memref<1x1x80x125xi32, #tpu.memory_space<hbm>>
      %dma_wait3A_340 = tpu.memref_squeeze %dma_wait3A_339 : memref<1x1x80x125xi32, #tpu.memory_space<hbm>> -> memref<80x125xi32, #tpu.memory_space<hbm>>
      %dma_wait3A_341 = arith.constant 0 : i32
      %dma_wait3A_342 = arith.constant 0 : i32
      %dma_wait3A_343 = tpu.memref_slice %arg3[%run_scoped3A_1, %add3A, %dma_wait3A_341, %dma_wait3A_342] : memref<2x32x80x125xi32, #tpu.memory_space<hbm>> -> memref<1x1x80x125xi32, #tpu.memory_space<hbm>>
      %dma_wait3A_344 = tpu.memref_squeeze %dma_wait3A_343 : memref<1x1x80x125xi32, #tpu.memory_space<hbm>> -> memref<80x125xi32, #tpu.memory_space<hbm>>
      tpu.wait_dma2 semaphore(%run_scoped3A_328 : memref<!tpu.dma_semaphore, #tpu.memory_space<semaphore_mem>>) src(%dma_wait3A_344 : memref<80x125xi32, #tpu.memory_space<hbm>>) dst(%arg6 : memref<80x125xi32, #tpu.memory_space<vmem>>)
      tpu.yield
    }) : () -> ()
    %dma_start3A = arith.constant 0 : i32
    %dma_start3A_2 = arith.constant 0 : i32
    %dma_start3A_3 = tpu.memref_slice %arg5[%dma_start3A, %dma_start3A_2] : memref<80x125xi32, #tpu.memory_space<vmem>> -> memref<1x125xi32, #tpu.memory_space<vmem>>
    %dma_start3A_4 = tpu.memref_squeeze %dma_start3A_3 : memref<1x125xi32, #tpu.memory_space<vmem>> -> memref<125xi32, #tpu.memory_space<vmem>>
    %dma_start3A_5 = arith.constant 0 : i32
    %dma_start3A_6 = arith.constant 0 : i32
    %dma_start3A_7 = tpu.memref_slice %arg2[%dma_start3A_5, %dma_start3A_6] : memref<10000x64xbf16, #tpu.memory_space<hbm>> -> memref<10000x64xbf16, #tpu.memory_space<hbm>>
    tpu.enqueue_indirect_dma source(%dma_start3A_7 : memref<10000x64xbf16, #tpu.memory_space<hbm>>) target(%arg7 : memref<125x64xbf16, #tpu.memory_space<vmem>>) offsets(%dma_start3A_4 : memref<125xi32, #tpu.memory_space<vmem>>) semaphore(%arg18 : memref<!tpu.dma_semaphore, #tpu.memory_space<semaphore_mem>>)
    %dma_start3A_8 = arith.constant 1 : i32
    %dma_start3A_9 = arith.constant 0 : i32
    %dma_start3A_10 = tpu.memref_slice %arg5[%dma_start3A_8, %dma_start3A_9] : memref<80x125xi32, #tpu.memory_space<vmem>> -> memref<1x125xi32, #tpu.memory_space<vmem>>
    %dma_start3A_11 = tpu.memref_squeeze %dma_start3A_10 : memref<1x125xi32, #tpu.memory_space<vmem>> -> memref<125xi32, #tpu.memory_space<vmem>>
    %dma_start3A_12 = arith.constant 0 : i32
    %dma_start3A_13 = arith.constant 0 : i32
    %dma_start3A_14 = tpu.memref_slice %arg2[%dma_start3A_12, %dma_start3A_13] : memref<10000x64xbf16, #tpu.memory_space<hbm>> -> memref<10000x64xbf16, #tpu.memory_space<hbm>>
    tpu.enqueue_indirect_dma source(%dma_start3A_14 : memref<10000x64xbf16, #tpu.memory_space<hbm>>) target(%arg8 : memref<125x64xbf16, #tpu.memory_space<vmem>>) offsets(%dma_start3A_11 : memref<125xi32, #tpu.memory_space<vmem>>) semaphore(%arg19 : memref<!tpu.dma_semaphore, #tpu.memory_space<semaphore_mem>>)
    %dma_start3A_15 = arith.constant 2 : i32
    %dma_start3A_16 = arith.constant 0 : i32
    %dma_start3A_17 = tpu.memref_slice %arg5[%dma_start3A_15, %dma_start3A_16] : memref<80x125xi32, #tpu.memory_space<vmem>> -> memref<1x125xi32, #tpu.memory_space<vmem>>
    %dma_start3A_18 = tpu.memref_squeeze %dma_start3A_17 : memref<1x125xi32, #tpu.memory_space<vmem>> -> memref<125xi32, #tpu.memory_space<vmem>>
    %dma_start3A_19 = arith.constant 0 : i32
    %dma_start3A_20 = arith.constant 0 : i32
    %dma_start3A_21 = tpu.memref_slice %arg2[%dma_start3A_19, %dma_start3A_20] : memref<10000x64xbf16, #tpu.memory_space<hbm>> -> memref<10000x64xbf16, #tpu.memory_space<hbm>>
    tpu.enqueue_indirect_dma source(%dma_start3A_21 : memref<10000x64xbf16, #tpu.memory_space<hbm>>) target(%arg9 : memref<125x64xbf16, #tpu.memory_space<vmem>>) offsets(%dma_start3A_18 : memref<125xi32, #tpu.memory_space<vmem>>) semaphore(%arg20 : memref<!tpu.dma_semaphore, #tpu.memory_space<semaphore_mem>>)
    %dma_start3A_22 = arith.constant 3 : i32
    %dma_start3A_23 = arith.constant 0 : i32
    %dma_start3A_24 = tpu.memref_slice %arg5[%dma_start3A_22, %dma_start3A_23] : memref<80x125xi32, #tpu.memory_space<vmem>> -> memref<1x125xi32, #tpu.memory_space<vmem>>
    %dma_start3A_25 = tpu.memref_squeeze %dma_start3A_24 : memref<1x125xi32, #tpu.memory_space<vmem>> -> memref<125xi32, #tpu.memory_space<vmem>>
    %dma_start3A_26 = arith.constant 0 : i32
    %dma_start3A_27 = arith.constant 0 : i32
    %dma_start3A_28 = tpu.memref_slice %arg2[%dma_start3A_26, %dma_start3A_27] : memref<10000x64xbf16, #tpu.memory_space<hbm>> -> memref<10000x64xbf16, #tpu.memory_space<hbm>>
    tpu.enqueue_indirect_dma source(%dma_start3A_28 : memref<10000x64xbf16, #tpu.memory_space<hbm>>) target(%arg10 : memref<125x64xbf16, #tpu.memory_space<vmem>>) offsets(%dma_start3A_25 : memref<125xi32, #tpu.memory_space<vmem>>) semaphore(%arg21 : memref<!tpu.dma_semaphore, #tpu.memory_space<semaphore_mem>>)
    %dma_start3A_29 = arith.constant 4 : i32
    %dma_start3A_30 = arith.constant 0 : i32
    %dma_start3A_31 = tpu.memref_slice %arg5[%dma_start3A_29, %dma_start3A_30] : memref<80x125xi32, #tpu.memory_space<vmem>> -> memref<1x125xi32, #tpu.memory_space<vmem>>
    %dma_start3A_32 = tpu.memref_squeeze %dma_start3A_31 : memref<1x125xi32, #tpu.memory_space<vmem>> -> memref<125xi32, #tpu.memory_space<vmem>>
    %dma_start3A_33 = arith.constant 0 : i32
    %dma_start3A_34 = arith.constant 0 : i32
    %dma_start3A_35 = tpu.memref_slice %arg2[%dma_start3A_33, %dma_start3A_34] : memref<10000x64xbf16, #tpu.memory_space<hbm>> -> memref<10000x64xbf16, #tpu.memory_space<hbm>>
    tpu.enqueue_indirect_dma source(%dma_start3A_35 : memref<10000x64xbf16, #tpu.memory_space<hbm>>) target(%arg11 : memref<125x64xbf16, #tpu.memory_space<vmem>>) offsets(%dma_start3A_32 : memref<125xi32, #tpu.memory_space<vmem>>) semaphore(%arg22 : memref<!tpu.dma_semaphore, #tpu.memory_space<semaphore_mem>>)
    %dma_start3A_36 = arith.constant 5 : i32
    %dma_start3A_37 = arith.constant 0 : i32
    %dma_start3A_38 = tpu.memref_slice %arg5[%dma_start3A_36, %dma_start3A_37] : memref<80x125xi32, #tpu.memory_space<vmem>> -> memref<1x125xi32, #tpu.memory_space<vmem>>
    %dma_start3A_39 = tpu.memref_squeeze %dma_start3A_38 : memref<1x125xi32, #tpu.memory_space<vmem>> -> memref<125xi32, #tpu.memory_space<vmem>>
    %dma_start3A_40 = arith.constant 0 : i32
    %dma_start3A_41 = arith.constant 0 : i32
    %dma_start3A_42 = tpu.memref_slice %arg2[%dma_start3A_40, %dma_start3A_41] : memref<10000x64xbf16, #tpu.memory_space<hbm>> -> memref<10000x64xbf16, #tpu.memory_space<hbm>>
    tpu.enqueue_indirect_dma source(%dma_start3A_42 : memref<10000x64xbf16, #tpu.memory_space<hbm>>) target(%arg12 : memref<125x64xbf16, #tpu.memory_space<vmem>>) offsets(%dma_start3A_39 : memref<125xi32, #tpu.memory_space<vmem>>) semaphore(%arg23 : memref<!tpu.dma_semaphore, #tpu.memory_space<semaphore_mem>>)
    %dma_start3A_43 = arith.constant 6 : i32
    %dma_start3A_44 = arith.constant 0 : i32
    %dma_start3A_45 = tpu.memref_slice %arg5[%dma_start3A_43, %dma_start3A_44] : memref<80x125xi32, #tpu.memory_space<vmem>> -> memref<1x125xi32, #tpu.memory_space<vmem>>
    %dma_start3A_46 = tpu.memref_squeeze %dma_start3A_45 : memref<1x125xi32, #tpu.memory_space<vmem>> -> memref<125xi32, #tpu.memory_space<vmem>>
    %dma_start3A_47 = arith.constant 0 : i32
    %dma_start3A_48 = arith.constant 0 : i32
    %dma_start3A_49 = tpu.memref_slice %arg2[%dma_start3A_47, %dma_start3A_48] : memref<10000x64xbf16, #tpu.memory_space<hbm>> -> memref<10000x64xbf16, #tpu.memory_space<hbm>>
    tpu.enqueue_indirect_dma source(%dma_start3A_49 : memref<10000x64xbf16, #tpu.memory_space<hbm>>) target(%arg13 : memref<125x64xbf16, #tpu.memory_space<vmem>>) offsets(%dma_start3A_46 : memref<125xi32, #tpu.memory_space<vmem>>) semaphore(%arg24 : memref<!tpu.dma_semaphore, #tpu.memory_space<semaphore_mem>>)
    %dma_start3A_50 = arith.constant 7 : i32
    %dma_start3A_51 = arith.constant 0 : i32
    %dma_start3A_52 = tpu.memref_slice %arg5[%dma_start3A_50, %dma_start3A_51] : memref<80x125xi32, #tpu.memory_space<vmem>> -> memref<1x125xi32, #tpu.memory_space<vmem>>
    %dma_start3A_53 = tpu.memref_squeeze %dma_start3A_52 : memref<1x125xi32, #tpu.memory_space<vmem>> -> memref<125xi32, #tpu.memory_space<vmem>>
    %dma_start3A_54 = arith.constant 0 : i32
    %dma_start3A_55 = arith.constant 0 : i32
    %dma_start3A_56 = tpu.memref_slice %arg2[%dma_start3A_54, %dma_start3A_55] : memref<10000x64xbf16, #tpu.memory_space<hbm>> -> memref<10000x64xbf16, #tpu.memory_space<hbm>>
    tpu.enqueue_indirect_dma source(%dma_start3A_56 : memref<10000x64xbf16, #tpu.memory_space<hbm>>) target(%arg14 : memref<125x64xbf16, #tpu.memory_space<vmem>>) offsets(%dma_start3A_53 : memref<125xi32, #tpu.memory_space<vmem>>) semaphore(%arg25 : memref<!tpu.dma_semaphore, #tpu.memory_space<semaphore_mem>>)
    %broadcast_in_dim3A = arith.constant 0.000000e+00 : bf16
    %broadcast_in_dim3A_57 = vector.broadcast %broadcast_in_dim3A : bf16 to vector<32xbf16>
    %scan3A = arith.constant 0 : i32
    %scan3A_58 = arith.constant 0 : i32
    %scan3A_59 = arith.constant 125 : i32
    %scan3A_60 = arith.addi %scan3A_58, %scan3A_59 : i32
    %scan3A_61 = arith.constant 1 : i32
    scf.for %scan3A_328 = %scan3A_58 to %scan3A_60 step %scan3A_61  : i32 {
      %swap3A = arith.index_cast %scan3A_328 : i32 to index
      %swap3A_329 = arith.constant 0 : index
      %swap3A_330 = tpu.vector_load %arg15[%swap3A, %swap3A_329] {strides = array<i32>} : memref<125x64xbf16, #tpu.memory_space<vmem>>, vector<1x32xbf16>,
      %swap3A_331 = vector.shape_cast %swap3A_330 : vector<1x32xbf16> to vector<32xbf16>
      %swap3A_332 = vector.shape_cast %broadcast_in_dim3A_57 : vector<32xbf16> to vector<1x32xbf16>
      tpu.vector_store %arg15[%swap3A, %swap3A_329], %swap3A_332 {strides = array<i32>} : memref<125x64xbf16, #tpu.memory_space<vmem>>, vector<1x32xbf16>,
      %swap3A_333 = arith.index_cast %scan3A_328 : i32 to index
      %swap3A_334 = arith.constant 32 : index
      %swap3A_335 = tpu.vector_load %arg15[%swap3A_333, %swap3A_334] {strides = array<i32>} : memref<125x64xbf16, #tpu.memory_space<vmem>>, vector<1x32xbf16>,
      %swap3A_336 = vector.shape_cast %swap3A_335 : vector<1x32xbf16> to vector<32xbf16>
      %swap3A_337 = vector.shape_cast %broadcast_in_dim3A_57 : vector<32xbf16> to vector<1x32xbf16>
      tpu.vector_store %arg15[%swap3A_333, %swap3A_334], %swap3A_337 {strides = array<i32>} : memref<125x64xbf16, #tpu.memory_space<vmem>>, vector<1x32xbf16>,
    }
    %scan3A_62 = arith.constant 125 : i32
    %mul3A_63 = arith.constant 625 : i32
    %mul3A_64 = arith.muli %arg1, %mul3A_63 : i32
    %add3A_65 = arith.constant 0 : i32
    %add3A_66 = arith.addi %mul3A_64, %add3A_65 : i32
    "tpu.region"() ({
      %run_scoped3A_328 = tpu.sem_alloc : memref<!tpu.dma_semaphore, #tpu.memory_space<semaphore_mem>>
      %dma_start3A_329 = arith.constant 0 : i32
      %dma_start3A_330 = tpu.memref_slice %arg17[%add3A_66, %dma_start3A_329] : memref<10000x64xbf16, #tpu.memory_space<vmem_shared>> -> memref<125x64xbf16, #tpu.memory_space<vmem_shared>>
      %dma_start3A_331 = arith.constant 0 : i32
      %dma_start3A_332 = tpu.memref_slice %arg17[%add3A_66, %dma_start3A_331] : memref<10000x64xbf16, #tpu.memory_space<vmem_shared>> -> memref<125x64xbf16, #tpu.memory_space<vmem_shared>>
      tpu.enqueue_dma source(%arg15 : memref<125x64xbf16, #tpu.memory_space<vmem>>) target(%dma_start3A_332 : memref<125x64xbf16, #tpu.memory_space<vmem_shared>>) target_semaphore(%run_scoped3A_328 : memref<!tpu.dma_semaphore, #tpu.memory_space<semaphore_mem>>)
      %dma_wait3A_333 = arith.constant 0 : i32
      %dma_wait3A_334 = tpu.memref_slice %arg17[%add3A_66, %dma_wait3A_333] : memref<10000x64xbf16, #tpu.memory_space<vmem_shared>> -> memref<125x64xbf16, #tpu.memory_space<vmem_shared>>
      %dma_wait3A_335 = arith.constant 0 : i32
      %dma_wait3A_336 = tpu.memref_slice %arg17[%add3A_66, %dma_wait3A_335] : memref<10000x64xbf16, #tpu.memory_space<vmem_shared>> -> memref<125x64xbf16, #tpu.memory_space<vmem_shared>>
      tpu.wait_dma2 semaphore(%run_scoped3A_328 : memref<!tpu.dma_semaphore, #tpu.memory_space<semaphore_mem>>) src(%arg15 : memref<125x64xbf16, #tpu.memory_space<vmem>>) dst(%dma_wait3A_336 : memref<125x64xbf16, #tpu.memory_space<vmem_shared>>)
      tpu.yield
    }) : () -> ()
    %add3A_67 = arith.constant 125 : i32
    %add3A_68 = arith.addi %mul3A_64, %add3A_67 : i32
    "tpu.region"() ({
      %run_scoped3A_328 = tpu.sem_alloc : memref<!tpu.dma_semaphore, #tpu.memory_space<semaphore_mem>>
      %dma_start3A_329 = arith.constant 0 : i32
      %dma_start3A_330 = tpu.memref_slice %arg17[%add3A_68, %dma_start3A_329] : memref<10000x64xbf16, #tpu.memory_space<vmem_shared>> -> memref<125x64xbf16, #tpu.memory_space<vmem_shared>>
      %dma_start3A_331 = arith.constant 0 : i32
      %dma_start3A_332 = tpu.memref_slice %arg17[%add3A_68, %dma_start3A_331] : memref<10000x64xbf16, #tpu.memory_space<vmem_shared>> -> memref<125x64xbf16, #tpu.memory_space<vmem_shared>>
      tpu.enqueue_dma source(%arg15 : memref<125x64xbf16, #tpu.memory_space<vmem>>) target(%dma_start3A_332 : memref<125x64xbf16, #tpu.memory_space<vmem_shared>>) target_semaphore(%run_scoped3A_328 : memref<!tpu.dma_semaphore, #tpu.memory_space<semaphore_mem>>)
      %dma_wait3A_333 = arith.constant 0 : i32
      %dma_wait3A_334 = tpu.memref_slice %arg17[%add3A_68, %dma_wait3A_333] : memref<10000x64xbf16, #tpu.memory_space<vmem_shared>> -> memref<125x64xbf16, #tpu.memory_space<vmem_shared>>
      %dma_wait3A_335 = arith.constant 0 : i32
      %dma_wait3A_336 = tpu.memref_slice %arg17[%add3A_68, %dma_wait3A_335] : memref<10000x64xbf16, #tpu.memory_space<vmem_shared>> -> memref<125x64xbf16, #tpu.memory_space<vmem_shared>>
      tpu.wait_dma2 semaphore(%run_scoped3A_328 : memref<!tpu.dma_semaphore, #tpu.memory_space<semaphore_mem>>) src(%arg15 : memref<125x64xbf16, #tpu.memory_space<vmem>>) dst(%dma_wait3A_336 : memref<125x64xbf16, #tpu.memory_space<vmem_shared>>)
      tpu.yield
    }) : () -> ()
    %add3A_69 = arith.constant 250 : i32
    %add3A_70 = arith.addi %mul3A_64, %add3A_69 : i32
    "tpu.region"() ({
      %run_scoped3A_328 = tpu.sem_alloc : memref<!tpu.dma_semaphore, #tpu.memory_space<semaphore_mem>>
      %dma_start3A_329 = arith.constant 0 : i32
      %dma_start3A_330 = tpu.memref_slice %arg17[%add3A_70, %dma_start3A_329] : memref<10000x64xbf16, #tpu.memory_space<vmem_shared>> -> memref<125x64xbf16, #tpu.memory_space<vmem_shared>>
      %dma_start3A_331 = arith.constant 0 : i32
      %dma_start3A_332 = tpu.memref_slice %arg17[%add3A_70, %dma_start3A_331] : memref<10000x64xbf16, #tpu.memory_space<vmem_shared>> -> memref<125x64xbf16, #tpu.memory_space<vmem_shared>>
      tpu.enqueue_dma source(%arg15 : memref<125x64xbf16, #tpu.memory_space<vmem>>) target(%dma_start3A_332 : memref<125x64xbf16, #tpu.memory_space<vmem_shared>>) target_semaphore(%run_scoped3A_328 : memref<!tpu.dma_semaphore, #tpu.memory_space<semaphore_mem>>)
      %dma_wait3A_333 = arith.constant 0 : i32
      %dma_wait3A_334 = tpu.memref_slice %arg17[%add3A_70, %dma_wait3A_333] : memref<10000x64xbf16, #tpu.memory_space<vmem_shared>> -> memref<125x64xbf16, #tpu.memory_space<vmem_shared>>
      %dma_wait3A_335 = arith.constant 0 : i32
      %dma_wait3A_336 = tpu.memref_slice %arg17[%add3A_70, %dma_wait3A_335] : memref<10000x64xbf16, #tpu.memory_space<vmem_shared>> -> memref<125x64xbf16, #tpu.memory_space<vmem_shared>>
      tpu.wait_dma2 semaphore(%run_scoped3A_328 : memref<!tpu.dma_semaphore, #tpu.memory_space<semaphore_mem>>) src(%arg15 : memref<125x64xbf16, #tpu.memory_space<vmem>>) dst(%dma_wait3A_336 : memref<125x64xbf16, #tpu.memory_space<vmem_shared>>)
      tpu.yield
    }) : () -> ()
    %add3A_71 = arith.constant 375 : i32
    %add3A_72 = arith.addi %mul3A_64, %add3A_71 : i32
    "tpu.region"() ({
      %run_scoped3A_328 = tpu.sem_alloc : memref<!tpu.dma_semaphore, #tpu.memory_space<semaphore_mem>>
      %dma_start3A_329 = arith.constant 0 : i32
      %dma_start3A_330 = tpu.memref_slice %arg17[%add3A_72, %dma_start3A_329] : memref<10000x64xbf16, #tpu.memory_space<vmem_shared>> -> memref<125x64xbf16, #tpu.memory_space<vmem_shared>>
      %dma_start3A_331 = arith.constant 0 : i32
      %dma_start3A_332 = tpu.memref_slice %arg17[%add3A_72, %dma_start3A_331] : memref<10000x64xbf16, #tpu.memory_space<vmem_shared>> -> memref<125x64xbf16, #tpu.memory_space<vmem_shared>>
      tpu.enqueue_dma source(%arg15 : memref<125x64xbf16, #tpu.memory_space<vmem>>) target(%dma_start3A_332 : memref<125x64xbf16, #tpu.memory_space<vmem_shared>>) target_semaphore(%run_scoped3A_328 : memref<!tpu.dma_semaphore, #tpu.memory_space<semaphore_mem>>)
      %dma_wait3A_333 = arith.constant 0 : i32
      %dma_wait3A_334 = tpu.memref_slice %arg17[%add3A_72, %dma_wait3A_333] : memref<10000x64xbf16, #tpu.memory_space<vmem_shared>> -> memref<125x64xbf16, #tpu.memory_space<vmem_shared>>
      %dma_wait3A_335 = arith.constant 0 : i32
      %dma_wait3A_336 = tpu.memref_slice %arg17[%add3A_72, %dma_wait3A_335] : memref<10000x64xbf16, #tpu.memory_space<vmem_shared>> -> memref<125x64xbf16, #tpu.memory_space<vmem_shared>>
      tpu.wait_dma2 semaphore(%run_scoped3A_328 : memref<!tpu.dma_semaphore, #tpu.memory_space<semaphore_mem>>) src(%arg15 : memref<125x64xbf16, #tpu.memory_space<vmem>>) dst(%dma_wait3A_336 : memref<125x64xbf16, #tpu.memory_space<vmem_shared>>)
      tpu.yield
    }) : () -> ()
    %add3A_73 = arith.constant 500 : i32
    %add3A_74 = arith.addi %mul3A_64, %add3A_73 : i32
    "tpu.region"() ({
      %run_scoped3A_328 = tpu.sem_alloc : memref<!tpu.dma_semaphore, #tpu.memory_space<semaphore_mem>>
      %dma_start3A_329 = arith.constant 0 : i32
      %dma_start3A_330 = tpu.memref_slice %arg17[%add3A_74, %dma_start3A_329] : memref<10000x64xbf16, #tpu.memory_space<vmem_shared>> -> memref<125x64xbf16, #tpu.memory_space<vmem_shared>>
      %dma_start3A_331 = arith.constant 0 : i32
      %dma_start3A_332 = tpu.memref_slice %arg17[%add3A_74, %dma_start3A_331] : memref<10000x64xbf16, #tpu.memory_space<vmem_shared>> -> memref<125x64xbf16, #tpu.memory_space<vmem_shared>>
      tpu.enqueue_dma source(%arg15 : memref<125x64xbf16, #tpu.memory_space<vmem>>) target(%dma_start3A_332 : memref<125x64xbf16, #tpu.memory_space<vmem_shared>>) target_semaphore(%run_scoped3A_328 : memref<!tpu.dma_semaphore, #tpu.memory_space<semaphore_mem>>)
      %dma_wait3A_333 = arith.constant 0 : i32
      %dma_wait3A_334 = tpu.memref_slice %arg17[%add3A_74, %dma_wait3A_333] : memref<10000x64xbf16, #tpu.memory_space<vmem_shared>> -> memref<125x64xbf16, #tpu.memory_space<vmem_shared>>
      %dma_wait3A_335 = arith.constant 0 : i32
      %dma_wait3A_336 = tpu.memref_slice %arg17[%add3A_74, %dma_wait3A_335] : memref<10000x64xbf16, #tpu.memory_space<vmem_shared>> -> memref<125x64xbf16, #tpu.memory_space<vmem_shared>>
      tpu.wait_dma2 semaphore(%run_scoped3A_328 : memref<!tpu.dma_semaphore, #tpu.memory_space<semaphore_mem>>) src(%arg15 : memref<125x64xbf16, #tpu.memory_space<vmem>>) dst(%dma_wait3A_336 : memref<125x64xbf16, #tpu.memory_space<vmem_shared>>)
      tpu.yield
    }) : () -> ()
    %barrier3A = arith.constant 0 : index
    tpu.barrier barrier_id(%barrier3A)
    %scan3A_75 = arith.constant 0 : i32
    %scan3A_76 = arith.constant 0 : i32
    %scan3A_77 = arith.constant 9 : i32
    %scan3A_78 = arith.addi %scan3A_76, %scan3A_77 : i32
    %scan3A_79 = arith.constant 1 : i32
    scf.for %scan3A_328 = %scan3A_76 to %scan3A_78 step %scan3A_79  : i32 {
      %mul3A_329 = arith.constant 8 : i32
      %mul3A_330 = arith.muli %scan3A_328, %mul3A_329 : i32
      %add3A_331 = arith.constant 0 : i32
      %add3A_332 = arith.addi %mul3A_330, %add3A_331 : i32
      %dma_wait3A_333 = arith.constant 0 : i32
      %dma_wait3A_334 = tpu.memref_slice %arg5[%add3A_332, %dma_wait3A_333] : memref<80x125xi32, #tpu.memory_space<vmem>> -> memref<1x125xi32, #tpu.memory_space<vmem>>
      %dma_wait3A_335 = tpu.memref_squeeze %dma_wait3A_334 : memref<1x125xi32, #tpu.memory_space<vmem>> -> memref<125xi32, #tpu.memory_space<vmem>>
      %dma_wait3A_336 = arith.constant 0 : i32
      %dma_wait3A_337 = arith.constant 0 : i32
      %dma_wait3A_338 = tpu.memref_slice %arg2[%dma_wait3A_336, %dma_wait3A_337] : memref<10000x64xbf16, #tpu.memory_space<hbm>> -> memref<10000x64xbf16, #tpu.memory_space<hbm>>
      tpu.wait_indirect_dma semaphore(%arg18 : memref<!tpu.dma_semaphore, #tpu.memory_space<semaphore_mem>>) src(%dma_wait3A_338 : memref<10000x64xbf16, #tpu.memory_space<hbm>>) dst(%arg7 : memref<125x64xbf16, #tpu.memory_space<vmem>>)
      %dma_start3A_339 = arith.constant 0 : i32
      %dma_start3A_340 = tpu.memref_slice %arg6[%add3A_332, %dma_start3A_339] : memref<80x125xi32, #tpu.memory_space<vmem>> -> memref<1x125xi32, #tpu.memory_space<vmem>>
      %dma_start3A_341 = tpu.memref_squeeze %dma_start3A_340 : memref<1x125xi32, #tpu.memory_space<vmem>> -> memref<125xi32, #tpu.memory_space<vmem>>
      %dma_start3A_342 = arith.constant 0 : i32
      %dma_start3A_343 = arith.constant 0 : i32
      %dma_start3A_344 = tpu.memref_slice %arg17[%dma_start3A_342, %dma_start3A_343] : memref<10000x64xbf16, #tpu.memory_space<vmem_shared>> -> memref<10000x64xbf16, #tpu.memory_space<vmem_shared>>
      tpu.enqueue_indirect_dma source(%arg7 : memref<125x64xbf16, #tpu.memory_space<vmem>>) target(%dma_start3A_344 : memref<10000x64xbf16, #tpu.memory_space<vmem_shared>>) offsets(%dma_start3A_341 : memref<125xi32, #tpu.memory_space<vmem>>) semaphore(%arg26 : memref<!tpu.dma_semaphore, #tpu.memory_space<semaphore_mem>>) {add = true}
      %mul3A_345 = arith.constant 8 : i32
      %mul3A_346 = arith.muli %scan3A_328, %mul3A_345 : i32
      %add3A_347 = arith.constant 1 : i32
      %add3A_348 = arith.addi %mul3A_346, %add3A_347 : i32
      %dma_wait3A_349 = arith.constant 0 : i32
      %dma_wait3A_350 = tpu.memref_slice %arg5[%add3A_348, %dma_wait3A_349] : memref<80x125xi32, #tpu.memory_space<vmem>> -> memref<1x125xi32, #tpu.memory_space<vmem>>
      %dma_wait3A_351 = tpu.memref_squeeze %dma_wait3A_350 : memref<1x125xi32, #tpu.memory_space<vmem>> -> memref<125xi32, #tpu.memory_space<vmem>>
      %dma_wait3A_352 = arith.constant 0 : i32
      %dma_wait3A_353 = arith.constant 0 : i32
      %dma_wait3A_354 = tpu.memref_slice %arg2[%dma_wait3A_352, %dma_wait3A_353] : memref<10000x64xbf16, #tpu.memory_space<hbm>> -> memref<10000x64xbf16, #tpu.memory_space<hbm>>
      tpu.wait_indirect_dma semaphore(%arg19 : memref<!tpu.dma_semaphore, #tpu.memory_space<semaphore_mem>>) src(%dma_wait3A_354 : memref<10000x64xbf16, #tpu.memory_space<hbm>>) dst(%arg8 : memref<125x64xbf16, #tpu.memory_space<vmem>>)
      %dma_start3A_355 = arith.constant 0 : i32
      %dma_start3A_356 = tpu.memref_slice %arg6[%add3A_348, %dma_start3A_355] : memref<80x125xi32, #tpu.memory_space<vmem>> -> memref<1x125xi32, #tpu.memory_space<vmem>>
      %dma_start3A_357 = tpu.memref_squeeze %dma_start3A_356 : memref<1x125xi32, #tpu.memory_space<vmem>> -> memref<125xi32, #tpu.memory_space<vmem>>
      %dma_start3A_358 = arith.constant 0 : i32
      %dma_start3A_359 = arith.constant 0 : i32
      %dma_start3A_360 = tpu.memref_slice %arg17[%dma_start3A_358, %dma_start3A_359] : memref<10000x64xbf16, #tpu.memory_space<vmem_shared>> -> memref<10000x64xbf16, #tpu.memory_space<vmem_shared>>
      tpu.enqueue_indirect_dma source(%arg8 : memref<125x64xbf16, #tpu.memory_space<vmem>>) target(%dma_start3A_360 : memref<10000x64xbf16, #tpu.memory_space<vmem_shared>>) offsets(%dma_start3A_357 : memref<125xi32, #tpu.memory_space<vmem>>) semaphore(%arg27 : memref<!tpu.dma_semaphore, #tpu.memory_space<semaphore_mem>>) {add = true}
      %mul3A_361 = arith.constant 8 : i32
      %mul3A_362 = arith.muli %scan3A_328, %mul3A_361 : i32
      %add3A_363 = arith.constant 2 : i32
      %add3A_364 = arith.addi %mul3A_362, %add3A_363 : i32
      %dma_wait3A_365 = arith.constant 0 : i32
      %dma_wait3A_366 = tpu.memref_slice %arg5[%add3A_364, %dma_wait3A_365] : memref<80x125xi32, #tpu.memory_space<vmem>> -> memref<1x125xi32, #tpu.memory_space<vmem>>
      %dma_wait3A_367 = tpu.memref_squeeze %dma_wait3A_366 : memref<1x125xi32, #tpu.memory_space<vmem>> -> memref<125xi32, #tpu.memory_space<vmem>>
      %dma_wait3A_368 = arith.constant 0 : i32
      %dma_wait3A_369 = arith.constant 0 : i32
      %dma_wait3A_370 = tpu.memref_slice %arg2[%dma_wait3A_368, %dma_wait3A_369] : memref<10000x64xbf16, #tpu.memory_space<hbm>> -> memref<10000x64xbf16, #tpu.memory_space<hbm>>
      tpu.wait_indirect_dma semaphore(%arg20 : memref<!tpu.dma_semaphore, #tpu.memory_space<semaphore_mem>>) src(%dma_wait3A_370 : memref<10000x64xbf16, #tpu.memory_space<hbm>>) dst(%arg9 : memref<125x64xbf16, #tpu.memory_space<vmem>>)
      %dma_start3A_371 = arith.constant 0 : i32
      %dma_start3A_372 = tpu.memref_slice %arg6[%add3A_364, %dma_start3A_371] : memref<80x125xi32, #tpu.memory_space<vmem>> -> memref<1x125xi32, #tpu.memory_space<vmem>>
      %dma_start3A_373 = tpu.memref_squeeze %dma_start3A_372 : memref<1x125xi32, #tpu.memory_space<vmem>> -> memref<125xi32, #tpu.memory_space<vmem>>
      %dma_start3A_374 = arith.constant 0 : i32
      %dma_start3A_375 = arith.constant 0 : i32
      %dma_start3A_376 = tpu.memref_slice %arg17[%dma_start3A_374, %dma_start3A_375] : memref<10000x64xbf16, #tpu.memory_space<vmem_shared>> -> memref<10000x64xbf16, #tpu.memory_space<vmem_shared>>
      tpu.enqueue_indirect_dma source(%arg9 : memref<125x64xbf16, #tpu.memory_space<vmem>>) target(%dma_start3A_376 : memref<10000x64xbf16, #tpu.memory_space<vmem_shared>>) offsets(%dma_start3A_373 : memref<125xi32, #tpu.memory_space<vmem>>) semaphore(%arg28 : memref<!tpu.dma_semaphore, #tpu.memory_space<semaphore_mem>>) {add = true}
      %mul3A_377 = arith.constant 8 : i32
      %mul3A_378 = arith.muli %scan3A_328, %mul3A_377 : i32
      %add3A_379 = arith.constant 3 : i32
      %add3A_380 = arith.addi %mul3A_378, %add3A_379 : i32
      %dma_wait3A_381 = arith.constant 0 : i32
      %dma_wait3A_382 = tpu.memref_slice %arg5[%add3A_380, %dma_wait3A_381] : memref<80x125xi32, #tpu.memory_space<vmem>> -> memref<1x125xi32, #tpu.memory_space<vmem>>
      %dma_wait3A_383 = tpu.memref_squeeze %dma_wait3A_382 : memref<1x125xi32, #tpu.memory_space<vmem>> -> memref<125xi32, #tpu.memory_space<vmem>>
      %dma_wait3A_384 = arith.constant 0 : i32
      %dma_wait3A_385 = arith.constant 0 : i32
      %dma_wait3A_386 = tpu.memref_slice %arg2[%dma_wait3A_384, %dma_wait3A_385] : memref<10000x64xbf16, #tpu.memory_space<hbm>> -> memref<10000x64xbf16, #tpu.memory_space<hbm>>
      tpu.wait_indirect_dma semaphore(%arg21 : memref<!tpu.dma_semaphore, #tpu.memory_space<semaphore_mem>>) src(%dma_wait3A_386 : memref<10000x64xbf16, #tpu.memory_space<hbm>>) dst(%arg10 : memref<125x64xbf16, #tpu.memory_space<vmem>>)
      %dma_start3A_387 = arith.constant 0 : i32
      %dma_start3A_388 = tpu.memref_slice %arg6[%add3A_380, %dma_start3A_387] : memref<80x125xi32, #tpu.memory_space<vmem>> -> memref<1x125xi32, #tpu.memory_space<vmem>>
      %dma_start3A_389 = tpu.memref_squeeze %dma_start3A_388 : memref<1x125xi32, #tpu.memory_space<vmem>> -> memref<125xi32, #tpu.memory_space<vmem>>
      %dma_start3A_390 = arith.constant 0 : i32
      %dma_start3A_391 = arith.constant 0 : i32
      %dma_start3A_392 = tpu.memref_slice %arg17[%dma_start3A_390, %dma_start3A_391] : memref<10000x64xbf16, #tpu.memory_space<vmem_shared>> -> memref<10000x64xbf16, #tpu.memory_space<vmem_shared>>
      tpu.enqueue_indirect_dma source(%arg10 : memref<125x64xbf16, #tpu.memory_space<vmem>>) target(%dma_start3A_392 : memref<10000x64xbf16, #tpu.memory_space<vmem_shared>>) offsets(%dma_start3A_389 : memref<125xi32, #tpu.memory_space<vmem>>) semaphore(%arg29 : memref<!tpu.dma_semaphore, #tpu.memory_space<semaphore_mem>>) {add = true}
      %mul3A_393 = arith.constant 8 : i32
      %mul3A_394 = arith.muli %scan3A_328, %mul3A_393 : i32
      %add3A_395 = arith.constant 4 : i32
      %add3A_396 = arith.addi %mul3A_394, %add3A_395 : i32
      %dma_wait3A_397 = arith.constant 0 : i32
      %dma_wait3A_398 = tpu.memref_slice %arg5[%add3A_396, %dma_wait3A_397] : memref<80x125xi32, #tpu.memory_space<vmem>> -> memref<1x125xi32, #tpu.memory_space<vmem>>
      %dma_wait3A_399 = tpu.memref_squeeze %dma_wait3A_398 : memref<1x125xi32, #tpu.memory_space<vmem>> -> memref<125xi32, #tpu.memory_space<vmem>>
      %dma_wait3A_400 = arith.constant 0 : i32
      %dma_wait3A_401 = arith.constant 0 : i32
      %dma_wait3A_402 = tpu.memref_slice %arg2[%dma_wait3A_400, %dma_wait3A_401] : memref<10000x64xbf16, #tpu.memory_space<hbm>> -> memref<10000x64xbf16, #tpu.memory_space<hbm>>
      tpu.wait_indirect_dma semaphore(%arg22 : memref<!tpu.dma_semaphore, #tpu.memory_space<semaphore_mem>>) src(%dma_wait3A_402 : memref<10000x64xbf16, #tpu.memory_space<hbm>>) dst(%arg11 : memref<125x64xbf16, #tpu.memory_space<vmem>>)
      %dma_start3A_403 = arith.constant 0 : i32
      %dma_start3A_404 = tpu.memref_slice %arg6[%add3A_396, %dma_start3A_403] : memref<80x125xi32, #tpu.memory_space<vmem>> -> memref<1x125xi32, #tpu.memory_space<vmem>>
      %dma_start3A_405 = tpu.memref_squeeze %dma_start3A_404 : memref<1x125xi32, #tpu.memory_space<vmem>> -> memref<125xi32, #tpu.memory_space<vmem>>
      %dma_start3A_406 = arith.constant 0 : i32
      %dma_start3A_407 = arith.constant 0 : i32
      %dma_start3A_408 = tpu.memref_slice %arg17[%dma_start3A_406, %dma_start3A_407] : memref<10000x64xbf16, #tpu.memory_space<vmem_shared>> -> memref<10000x64xbf16, #tpu.memory_space<vmem_shared>>
      tpu.enqueue_indirect_dma source(%arg11 : memref<125x64xbf16, #tpu.memory_space<vmem>>) target(%dma_start3A_408 : memref<10000x64xbf16, #tpu.memory_space<vmem_shared>>) offsets(%dma_start3A_405 : memref<125xi32, #tpu.memory_space<vmem>>) semaphore(%arg30 : memref<!tpu.dma_semaphore, #tpu.memory_space<semaphore_mem>>) {add = true}
      %mul3A_409 = arith.constant 8 : i32
      %mul3A_410 = arith.muli %scan3A_328, %mul3A_409 : i32
      %add3A_411 = arith.constant 5 : i32
      %add3A_412 = arith.addi %mul3A_410, %add3A_411 : i32
      %dma_wait3A_413 = arith.constant 0 : i32
      %dma_wait3A_414 = tpu.memref_slice %arg5[%add3A_412, %dma_wait3A_413] : memref<80x125xi32, #tpu.memory_space<vmem>> -> memref<1x125xi32, #tpu.memory_space<vmem>>
      %dma_wait3A_415 = tpu.memref_squeeze %dma_wait3A_414 : memref<1x125xi32, #tpu.memory_space<vmem>> -> memref<125xi32, #tpu.memory_space<vmem>>
      %dma_wait3A_416 = arith.constant 0 : i32
      %dma_wait3A_417 = arith.constant 0 : i32
      %dma_wait3A_418 = tpu.memref_slice %arg2[%dma_wait3A_416, %dma_wait3A_417] : memref<10000x64xbf16, #tpu.memory_space<hbm>> -> memref<10000x64xbf16, #tpu.memory_space<hbm>>
      tpu.wait_indirect_dma semaphore(%arg23 : memref<!tpu.dma_semaphore, #tpu.memory_space<semaphore_mem>>) src(%dma_wait3A_418 : memref<10000x64xbf16, #tpu.memory_space<hbm>>) dst(%arg12 : memref<125x64xbf16, #tpu.memory_space<vmem>>)
      %dma_start3A_419 = arith.constant 0 : i32
      %dma_start3A_420 = tpu.memref_slice %arg6[%add3A_412, %dma_start3A_419] : memref<80x125xi32, #tpu.memory_space<vmem>> -> memref<1x125xi32, #tpu.memory_space<vmem>>
      %dma_start3A_421 = tpu.memref_squeeze %dma_start3A_420 : memref<1x125xi32, #tpu.memory_space<vmem>> -> memref<125xi32, #tpu.memory_space<vmem>>
      %dma_start3A_422 = arith.constant 0 : i32
      %dma_start3A_423 = arith.constant 0 : i32
      %dma_start3A_424 = tpu.memref_slice %arg17[%dma_start3A_422, %dma_start3A_423] : memref<10000x64xbf16, #tpu.memory_space<vmem_shared>> -> memref<10000x64xbf16, #tpu.memory_space<vmem_shared>>
      tpu.enqueue_indirect_dma source(%arg12 : memref<125x64xbf16, #tpu.memory_space<vmem>>) target(%dma_start3A_424 : memref<10000x64xbf16, #tpu.memory_space<vmem_shared>>) offsets(%dma_start3A_421 : memref<125xi32, #tpu.memory_space<vmem>>) semaphore(%arg31 : memref<!tpu.dma_semaphore, #tpu.memory_space<semaphore_mem>>) {add = true}
      %mul3A_425 = arith.constant 8 : i32
      %mul3A_426 = arith.muli %scan3A_328, %mul3A_425 : i32
      %add3A_427 = arith.constant 6 : i32
      %add3A_428 = arith.addi %mul3A_426, %add3A_427 : i32
      %dma_wait3A_429 = arith.constant 0 : i32
      %dma_wait3A_430 = tpu.memref_slice %arg5[%add3A_428, %dma_wait3A_429] : memref<80x125xi32, #tpu.memory_space<vmem>> -> memref<1x125xi32, #tpu.memory_space<vmem>>
      %dma_wait3A_431 = tpu.memref_squeeze %dma_wait3A_430 : memref<1x125xi32, #tpu.memory_space<vmem>> -> memref<125xi32, #tpu.memory_space<vmem>>
      %dma_wait3A_432 = arith.constant 0 : i32
      %dma_wait3A_433 = arith.constant 0 : i32
      %dma_wait3A_434 = tpu.memref_slice %arg2[%dma_wait3A_432, %dma_wait3A_433] : memref<10000x64xbf16, #tpu.memory_space<hbm>> -> memref<10000x64xbf16, #tpu.memory_space<hbm>>
      tpu.wait_indirect_dma semaphore(%arg24 : memref<!tpu.dma_semaphore, #tpu.memory_space<semaphore_mem>>) src(%dma_wait3A_434 : memref<10000x64xbf16, #tpu.memory_space<hbm>>) dst(%arg13 : memref<125x64xbf16, #tpu.memory_space<vmem>>)
      %dma_start3A_435 = arith.constant 0 : i32
      %dma_start3A_436 = tpu.memref_slice %arg6[%add3A_428, %dma_start3A_435] : memref<80x125xi32, #tpu.memory_space<vmem>> -> memref<1x125xi32, #tpu.memory_space<vmem>>
      %dma_start3A_437 = tpu.memref_squeeze %dma_start3A_436 : memref<1x125xi32, #tpu.memory_space<vmem>> -> memref<125xi32, #tpu.memory_space<vmem>>
      %dma_start3A_438 = arith.constant 0 : i32
      %dma_start3A_439 = arith.constant 0 : i32
      %dma_start3A_440 = tpu.memref_slice %arg17[%dma_start3A_438, %dma_start3A_439] : memref<10000x64xbf16, #tpu.memory_space<vmem_shared>> -> memref<10000x64xbf16, #tpu.memory_space<vmem_shared>>
      tpu.enqueue_indirect_dma source(%arg13 : memref<125x64xbf16, #tpu.memory_space<vmem>>) target(%dma_start3A_440 : memref<10000x64xbf16, #tpu.memory_space<vmem_shared>>) offsets(%dma_start3A_437 : memref<125xi32, #tpu.memory_space<vmem>>) semaphore(%arg32 : memref<!tpu.dma_semaphore, #tpu.memory_space<semaphore_mem>>) {add = true}
      %mul3A_441 = arith.constant 8 : i32
      %mul3A_442 = arith.muli %scan3A_328, %mul3A_441 : i32
      %add3A_443 = arith.constant 7 : i32
      %add3A_444 = arith.addi %mul3A_442, %add3A_443 : i32
      %dma_wait3A_445 = arith.constant 0 : i32
      %dma_wait3A_446 = tpu.memref_slice %arg5[%add3A_444, %dma_wait3A_445] : memref<80x125xi32, #tpu.memory_space<vmem>> -> memref<1x125xi32, #tpu.memory_space<vmem>>
      %dma_wait3A_447 = tpu.memref_squeeze %dma_wait3A_446 : memref<1x125xi32, #tpu.memory_space<vmem>> -> memref<125xi32, #tpu.memory_space<vmem>>
      %dma_wait3A_448 = arith.constant 0 : i32
      %dma_wait3A_449 = arith.constant 0 : i32
      %dma_wait3A_450 = tpu.memref_slice %arg2[%dma_wait3A_448, %dma_wait3A_449] : memref<10000x64xbf16, #tpu.memory_space<hbm>> -> memref<10000x64xbf16, #tpu.memory_space<hbm>>
      tpu.wait_indirect_dma semaphore(%arg25 : memref<!tpu.dma_semaphore, #tpu.memory_space<semaphore_mem>>) src(%dma_wait3A_450 : memref<10000x64xbf16, #tpu.memory_space<hbm>>) dst(%arg14 : memref<125x64xbf16, #tpu.memory_space<vmem>>)
      %dma_start3A_451 = arith.constant 0 : i32
      %dma_start3A_452 = tpu.memref_slice %arg6[%add3A_444, %dma_start3A_451] : memref<80x125xi32, #tpu.memory_space<vmem>> -> memref<1x125xi32, #tpu.memory_space<vmem>>
      %dma_start3A_453 = tpu.memref_squeeze %dma_start3A_452 : memref<1x125xi32, #tpu.memory_space<vmem>> -> memref<125xi32, #tpu.memory_space<vmem>>
      %dma_start3A_454 = arith.constant 0 : i32
      %dma_start3A_455 = arith.constant 0 : i32
      %dma_start3A_456 = tpu.memref_slice %arg17[%dma_start3A_454, %dma_start3A_455] : memref<10000x64xbf16, #tpu.memory_space<vmem_shared>> -> memref<10000x64xbf16, #tpu.memory_space<vmem_shared>>
      tpu.enqueue_indirect_dma source(%arg14 : memref<125x64xbf16, #tpu.memory_space<vmem>>) target(%dma_start3A_456 : memref<10000x64xbf16, #tpu.memory_space<vmem_shared>>) offsets(%dma_start3A_453 : memref<125xi32, #tpu.memory_space<vmem>>) semaphore(%arg33 : memref<!tpu.dma_semaphore, #tpu.memory_space<semaphore_mem>>) {add = true}
      %mul3A_457 = arith.constant 8 : i32
      %mul3A_458 = arith.muli %scan3A_328, %mul3A_457 : i32
      %add3A_459 = arith.constant 0 : i32
      %add3A_460 = arith.addi %mul3A_458, %add3A_459 : i32
      %dma_wait3A_461 = arith.constant 0 : i32
      %dma_wait3A_462 = tpu.memref_slice %arg6[%add3A_460, %dma_wait3A_461] : memref<80x125xi32, #tpu.memory_space<vmem>> -> memref<1x125xi32, #tpu.memory_space<vmem>>
      %dma_wait3A_463 = tpu.memref_squeeze %dma_wait3A_462 : memref<1x125xi32, #tpu.memory_space<vmem>> -> memref<125xi32, #tpu.memory_space<vmem>>
      %dma_wait3A_464 = arith.constant 0 : i32
      %dma_wait3A_465 = arith.constant 0 : i32
      %dma_wait3A_466 = tpu.memref_slice %arg17[%dma_wait3A_464, %dma_wait3A_465] : memref<10000x64xbf16, #tpu.memory_space<vmem_shared>> -> memref<10000x64xbf16, #tpu.memory_space<vmem_shared>>
      tpu.wait_indirect_dma semaphore(%arg26 : memref<!tpu.dma_semaphore, #tpu.memory_space<semaphore_mem>>) src(%arg7 : memref<125x64xbf16, #tpu.memory_space<vmem>>) dst(%dma_wait3A_466 : memref<10000x64xbf16, #tpu.memory_space<vmem_shared>>)
      %add3A_467 = arith.constant 1 : i32
      %add3A_468 = arith.addi %scan3A_328, %add3A_467 : i32
      %mul3A_469 = arith.constant 8 : i32
      %mul3A_470 = arith.muli %add3A_468, %mul3A_469 : i32
      %add3A_471 = arith.constant 0 : i32
      %add3A_472 = arith.addi %mul3A_470, %add3A_471 : i32
      %dma_start3A_473 = arith.constant 0 : i32
      %dma_start3A_474 = tpu.memref_slice %arg5[%add3A_472, %dma_start3A_473] : memref<80x125xi32, #tpu.memory_space<vmem>> -> memref<1x125xi32, #tpu.memory_space<vmem>>
      %dma_start3A_475 = tpu.memref_squeeze %dma_start3A_474 : memref<1x125xi32, #tpu.memory_space<vmem>> -> memref<125xi32, #tpu.memory_space<vmem>>
      %dma_start3A_476 = arith.constant 0 : i32
      %dma_start3A_477 = arith.constant 0 : i32
      %dma_start3A_478 = tpu.memref_slice %arg2[%dma_start3A_476, %dma_start3A_477] : memref<10000x64xbf16, #tpu.memory_space<hbm>> -> memref<10000x64xbf16, #tpu.memory_space<hbm>>
      tpu.enqueue_indirect_dma source(%dma_start3A_478 : memref<10000x64xbf16, #tpu.memory_space<hbm>>) target(%arg7 : memref<125x64xbf16, #tpu.memory_space<vmem>>) offsets(%dma_start3A_475 : memref<125xi32, #tpu.memory_space<vmem>>) semaphore(%arg18 : memref<!tpu.dma_semaphore, #tpu.memory_space<semaphore_mem>>)
      %mul3A_479 = arith.constant 8 : i32
      %mul3A_480 = arith.muli %scan3A_328, %mul3A_479 : i32
      %add3A_481 = arith.constant 1 : i32
      %add3A_482 = arith.addi %mul3A_480, %add3A_481 : i32
      %dma_wait3A_483 = arith.constant 0 : i32
      %dma_wait3A_484 = tpu.memref_slice %arg6[%add3A_482, %dma_wait3A_483] : memref<80x125xi32, #tpu.memory_space<vmem>> -> memref<1x125xi32, #tpu.memory_space<vmem>>
      %dma_wait3A_485 = tpu.memref_squeeze %dma_wait3A_484 : memref<1x125xi32, #tpu.memory_space<vmem>> -> memref<125xi32, #tpu.memory_space<vmem>>
      %dma_wait3A_486 = arith.constant 0 : i32
      %dma_wait3A_487 = arith.constant 0 : i32
      %dma_wait3A_488 = tpu.memref_slice %arg17[%dma_wait3A_486, %dma_wait3A_487] : memref<10000x64xbf16, #tpu.memory_space<vmem_shared>> -> memref<10000x64xbf16, #tpu.memory_space<vmem_shared>>
      tpu.wait_indirect_dma semaphore(%arg27 : memref<!tpu.dma_semaphore, #tpu.memory_space<semaphore_mem>>) src(%arg8 : memref<125x64xbf16, #tpu.memory_space<vmem>>) dst(%dma_wait3A_488 : memref<10000x64xbf16, #tpu.memory_space<vmem_shared>>)
      %add3A_489 = arith.constant 1 : i32
      %add3A_490 = arith.addi %scan3A_328, %add3A_489 : i32
      %mul3A_491 = arith.constant 8 : i32
      %mul3A_492 = arith.muli %add3A_490, %mul3A_491 : i32
      %add3A_493 = arith.constant 1 : i32
      %add3A_494 = arith.addi %mul3A_492, %add3A_493 : i32
      %dma_start3A_495 = arith.constant 0 : i32
      %dma_start3A_496 = tpu.memref_slice %arg5[%add3A_494, %dma_start3A_495] : memref<80x125xi32, #tpu.memory_space<vmem>> -> memref<1x125xi32, #tpu.memory_space<vmem>>
      %dma_start3A_497 = tpu.memref_squeeze %dma_start3A_496 : memref<1x125xi32, #tpu.memory_space<vmem>> -> memref<125xi32, #tpu.memory_space<vmem>>
      %dma_start3A_498 = arith.constant 0 : i32
      %dma_start3A_499 = arith.constant 0 : i32
      %dma_start3A_500 = tpu.memref_slice %arg2[%dma_start3A_498, %dma_start3A_499] : memref<10000x64xbf16, #tpu.memory_space<hbm>> -> memref<10000x64xbf16, #tpu.memory_space<hbm>>
      tpu.enqueue_indirect_dma source(%dma_start3A_500 : memref<10000x64xbf16, #tpu.memory_space<hbm>>) target(%arg8 : memref<125x64xbf16, #tpu.memory_space<vmem>>) offsets(%dma_start3A_497 : memref<125xi32, #tpu.memory_space<vmem>>) semaphore(%arg19 : memref<!tpu.dma_semaphore, #tpu.memory_space<semaphore_mem>>)
      %mul3A_501 = arith.constant 8 : i32
      %mul3A_502 = arith.muli %scan3A_328, %mul3A_501 : i32
      %add3A_503 = arith.constant 2 : i32
      %add3A_504 = arith.addi %mul3A_502, %add3A_503 : i32
      %dma_wait3A_505 = arith.constant 0 : i32
      %dma_wait3A_506 = tpu.memref_slice %arg6[%add3A_504, %dma_wait3A_505] : memref<80x125xi32, #tpu.memory_space<vmem>> -> memref<1x125xi32, #tpu.memory_space<vmem>>
      %dma_wait3A_507 = tpu.memref_squeeze %dma_wait3A_506 : memref<1x125xi32, #tpu.memory_space<vmem>> -> memref<125xi32, #tpu.memory_space<vmem>>
      %dma_wait3A_508 = arith.constant 0 : i32
      %dma_wait3A_509 = arith.constant 0 : i32
      %dma_wait3A_510 = tpu.memref_slice %arg17[%dma_wait3A_508, %dma_wait3A_509] : memref<10000x64xbf16, #tpu.memory_space<vmem_shared>> -> memref<10000x64xbf16, #tpu.memory_space<vmem_shared>>
      tpu.wait_indirect_dma semaphore(%arg28 : memref<!tpu.dma_semaphore, #tpu.memory_space<semaphore_mem>>) src(%arg9 : memref<125x64xbf16, #tpu.memory_space<vmem>>) dst(%dma_wait3A_510 : memref<10000x64xbf16, #tpu.memory_space<vmem_shared>>)
      %add3A_511 = arith.constant 1 : i32
      %add3A_512 = arith.addi %scan3A_328, %add3A_511 : i32
      %mul3A_513 = arith.constant 8 : i32
      %mul3A_514 = arith.muli %add3A_512, %mul3A_513 : i32
      %add3A_515 = arith.constant 2 : i32
      %add3A_516 = arith.addi %mul3A_514, %add3A_515 : i32
      %dma_start3A_517 = arith.constant 0 : i32
      %dma_start3A_518 = tpu.memref_slice %arg5[%add3A_516, %dma_start3A_517] : memref<80x125xi32, #tpu.memory_space<vmem>> -> memref<1x125xi32, #tpu.memory_space<vmem>>
      %dma_start3A_519 = tpu.memref_squeeze %dma_start3A_518 : memref<1x125xi32, #tpu.memory_space<vmem>> -> memref<125xi32, #tpu.memory_space<vmem>>
      %dma_start3A_520 = arith.constant 0 : i32
      %dma_start3A_521 = arith.constant 0 : i32
      %dma_start3A_522 = tpu.memref_slice %arg2[%dma_start3A_520, %dma_start3A_521] : memref<10000x64xbf16, #tpu.memory_space<hbm>> -> memref<10000x64xbf16, #tpu.memory_space<hbm>>
      tpu.enqueue_indirect_dma source(%dma_start3A_522 : memref<10000x64xbf16, #tpu.memory_space<hbm>>) target(%arg9 : memref<125x64xbf16, #tpu.memory_space<vmem>>) offsets(%dma_start3A_519 : memref<125xi32, #tpu.memory_space<vmem>>) semaphore(%arg20 : memref<!tpu.dma_semaphore, #tpu.memory_space<semaphore_mem>>)
      %mul3A_523 = arith.constant 8 : i32
      %mul3A_524 = arith.muli %scan3A_328, %mul3A_523 : i32
      %add3A_525 = arith.constant 3 : i32
      %add3A_526 = arith.addi %mul3A_524, %add3A_525 : i32
      %dma_wait3A_527 = arith.constant 0 : i32
      %dma_wait3A_528 = tpu.memref_slice %arg6[%add3A_526, %dma_wait3A_527] : memref<80x125xi32, #tpu.memory_space<vmem>> -> memref<1x125xi32, #tpu.memory_space<vmem>>
      %dma_wait3A_529 = tpu.memref_squeeze %dma_wait3A_528 : memref<1x125xi32, #tpu.memory_space<vmem>> -> memref<125xi32, #tpu.memory_space<vmem>>
      %dma_wait3A_530 = arith.constant 0 : i32
      %dma_wait3A_531 = arith.constant 0 : i32
      %dma_wait3A_532 = tpu.memref_slice %arg17[%dma_wait3A_530, %dma_wait3A_531] : memref<10000x64xbf16, #tpu.memory_space<vmem_shared>> -> memref<10000x64xbf16, #tpu.memory_space<vmem_shared>>
      tpu.wait_indirect_dma semaphore(%arg29 : memref<!tpu.dma_semaphore, #tpu.memory_space<semaphore_mem>>) src(%arg10 : memref<125x64xbf16, #tpu.memory_space<vmem>>) dst(%dma_wait3A_532 : memref<10000x64xbf16, #tpu.memory_space<vmem_shared>>)
      %add3A_533 = arith.constant 1 : i32
      %add3A_534 = arith.addi %scan3A_328, %add3A_533 : i32
      %mul3A_535 = arith.constant 8 : i32
      %mul3A_536 = arith.muli %add3A_534, %mul3A_535 : i32
      %add3A_537 = arith.constant 3 : i32
      %add3A_538 = arith.addi %mul3A_536, %add3A_537 : i32
      %dma_start3A_539 = arith.constant 0 : i32
      %dma_start3A_540 = tpu.memref_slice %arg5[%add3A_538, %dma_start3A_539] : memref<80x125xi32, #tpu.memory_space<vmem>> -> memref<1x125xi32, #tpu.memory_space<vmem>>
      %dma_start3A_541 = tpu.memref_squeeze %dma_start3A_540 : memref<1x125xi32, #tpu.memory_space<vmem>> -> memref<125xi32, #tpu.memory_space<vmem>>
      %dma_start3A_542 = arith.constant 0 : i32
      %dma_start3A_543 = arith.constant 0 : i32
      %dma_start3A_544 = tpu.memref_slice %arg2[%dma_start3A_542, %dma_start3A_543] : memref<10000x64xbf16, #tpu.memory_space<hbm>> -> memref<10000x64xbf16, #tpu.memory_space<hbm>>
      tpu.enqueue_indirect_dma source(%dma_start3A_544 : memref<10000x64xbf16, #tpu.memory_space<hbm>>) target(%arg10 : memref<125x64xbf16, #tpu.memory_space<vmem>>) offsets(%dma_start3A_541 : memref<125xi32, #tpu.memory_space<vmem>>) semaphore(%arg21 : memref<!tpu.dma_semaphore, #tpu.memory_space<semaphore_mem>>)
      %mul3A_545 = arith.constant 8 : i32
      %mul3A_546 = arith.muli %scan3A_328, %mul3A_545 : i32
      %add3A_547 = arith.constant 4 : i32
      %add3A_548 = arith.addi %mul3A_546, %add3A_547 : i32
      %dma_wait3A_549 = arith.constant 0 : i32
      %dma_wait3A_550 = tpu.memref_slice %arg6[%add3A_548, %dma_wait3A_549] : memref<80x125xi32, #tpu.memory_space<vmem>> -> memref<1x125xi32, #tpu.memory_space<vmem>>
      %dma_wait3A_551 = tpu.memref_squeeze %dma_wait3A_550 : memref<1x125xi32, #tpu.memory_space<vmem>> -> memref<125xi32, #tpu.memory_space<vmem>>
      %dma_wait3A_552 = arith.constant 0 : i32
      %dma_wait3A_553 = arith.constant 0 : i32
      %dma_wait3A_554 = tpu.memref_slice %arg17[%dma_wait3A_552, %dma_wait3A_553] : memref<10000x64xbf16, #tpu.memory_space<vmem_shared>> -> memref<10000x64xbf16, #tpu.memory_space<vmem_shared>>
      tpu.wait_indirect_dma semaphore(%arg30 : memref<!tpu.dma_semaphore, #tpu.memory_space<semaphore_mem>>) src(%arg11 : memref<125x64xbf16, #tpu.memory_space<vmem>>) dst(%dma_wait3A_554 : memref<10000x64xbf16, #tpu.memory_space<vmem_shared>>)
      %add3A_555 = arith.constant 1 : i32
      %add3A_556 = arith.addi %scan3A_328, %add3A_555 : i32
      %mul3A_557 = arith.constant 8 : i32
      %mul3A_558 = arith.muli %add3A_556, %mul3A_557 : i32
      %add3A_559 = arith.constant 4 : i32
      %add3A_560 = arith.addi %mul3A_558, %add3A_559 : i32
      %dma_start3A_561 = arith.constant 0 : i32
      %dma_start3A_562 = tpu.memref_slice %arg5[%add3A_560, %dma_start3A_561] : memref<80x125xi32, #tpu.memory_space<vmem>> -> memref<1x125xi32, #tpu.memory_space<vmem>>
      %dma_start3A_563 = tpu.memref_squeeze %dma_start3A_562 : memref<1x125xi32, #tpu.memory_space<vmem>> -> memref<125xi32, #tpu.memory_space<vmem>>
      %dma_start3A_564 = arith.constant 0 : i32
      %dma_start3A_565 = arith.constant 0 : i32
      %dma_start3A_566 = tpu.memref_slice %arg2[%dma_start3A_564, %dma_start3A_565] : memref<10000x64xbf16, #tpu.memory_space<hbm>> -> memref<10000x64xbf16, #tpu.memory_space<hbm>>
      tpu.enqueue_indirect_dma source(%dma_start3A_566 : memref<10000x64xbf16, #tpu.memory_space<hbm>>) target(%arg11 : memref<125x64xbf16, #tpu.memory_space<vmem>>) offsets(%dma_start3A_563 : memref<125xi32, #tpu.memory_space<vmem>>) semaphore(%arg22 : memref<!tpu.dma_semaphore, #tpu.memory_space<semaphore_mem>>)
      %mul3A_567 = arith.constant 8 : i32
      %mul3A_568 = arith.muli %scan3A_328, %mul3A_567 : i32
      %add3A_569 = arith.constant 5 : i32
      %add3A_570 = arith.addi %mul3A_568, %add3A_569 : i32
      %dma_wait3A_571 = arith.constant 0 : i32
      %dma_wait3A_572 = tpu.memref_slice %arg6[%add3A_570, %dma_wait3A_571] : memref<80x125xi32, #tpu.memory_space<vmem>> -> memref<1x125xi32, #tpu.memory_space<vmem>>
      %dma_wait3A_573 = tpu.memref_squeeze %dma_wait3A_572 : memref<1x125xi32, #tpu.memory_space<vmem>> -> memref<125xi32, #tpu.memory_space<vmem>>
      %dma_wait3A_574 = arith.constant 0 : i32
      %dma_wait3A_575 = arith.constant 0 : i32
      %dma_wait3A_576 = tpu.memref_slice %arg17[%dma_wait3A_574, %dma_wait3A_575] : memref<10000x64xbf16, #tpu.memory_space<vmem_shared>> -> memref<10000x64xbf16, #tpu.memory_space<vmem_shared>>
      tpu.wait_indirect_dma semaphore(%arg31 : memref<!tpu.dma_semaphore, #tpu.memory_space<semaphore_mem>>) src(%arg12 : memref<125x64xbf16, #tpu.memory_space<vmem>>) dst(%dma_wait3A_576 : memref<10000x64xbf16, #tpu.memory_space<vmem_shared>>)
      %add3A_577 = arith.constant 1 : i32
      %add3A_578 = arith.addi %scan3A_328, %add3A_577 : i32
      %mul3A_579 = arith.constant 8 : i32
      %mul3A_580 = arith.muli %add3A_578, %mul3A_579 : i32
      %add3A_581 = arith.constant 5 : i32
      %add3A_582 = arith.addi %mul3A_580, %add3A_581 : i32
      %dma_start3A_583 = arith.constant 0 : i32
      %dma_start3A_584 = tpu.memref_slice %arg5[%add3A_582, %dma_start3A_583] : memref<80x125xi32, #tpu.memory_space<vmem>> -> memref<1x125xi32, #tpu.memory_space<vmem>>
      %dma_start3A_585 = tpu.memref_squeeze %dma_start3A_584 : memref<1x125xi32, #tpu.memory_space<vmem>> -> memref<125xi32, #tpu.memory_space<vmem>>
      %dma_start3A_586 = arith.constant 0 : i32
      %dma_start3A_587 = arith.constant 0 : i32
      %dma_start3A_588 = tpu.memref_slice %arg2[%dma_start3A_586, %dma_start3A_587] : memref<10000x64xbf16, #tpu.memory_space<hbm>> -> memref<10000x64xbf16, #tpu.memory_space<hbm>>
      tpu.enqueue_indirect_dma source(%dma_start3A_588 : memref<10000x64xbf16, #tpu.memory_space<hbm>>) target(%arg12 : memref<125x64xbf16, #tpu.memory_space<vmem>>) offsets(%dma_start3A_585 : memref<125xi32, #tpu.memory_space<vmem>>) semaphore(%arg23 : memref<!tpu.dma_semaphore, #tpu.memory_space<semaphore_mem>>)
      %mul3A_589 = arith.constant 8 : i32
      %mul3A_590 = arith.muli %scan3A_328, %mul3A_589 : i32
      %add3A_591 = arith.constant 6 : i32
      %add3A_592 = arith.addi %mul3A_590, %add3A_591 : i32
      %dma_wait3A_593 = arith.constant 0 : i32
      %dma_wait3A_594 = tpu.memref_slice %arg6[%add3A_592, %dma_wait3A_593] : memref<80x125xi32, #tpu.memory_space<vmem>> -> memref<1x125xi32, #tpu.memory_space<vmem>>
      %dma_wait3A_595 = tpu.memref_squeeze %dma_wait3A_594 : memref<1x125xi32, #tpu.memory_space<vmem>> -> memref<125xi32, #tpu.memory_space<vmem>>
      %dma_wait3A_596 = arith.constant 0 : i32
      %dma_wait3A_597 = arith.constant 0 : i32
      %dma_wait3A_598 = tpu.memref_slice %arg17[%dma_wait3A_596, %dma_wait3A_597] : memref<10000x64xbf16, #tpu.memory_space<vmem_shared>> -> memref<10000x64xbf16, #tpu.memory_space<vmem_shared>>
      tpu.wait_indirect_dma semaphore(%arg32 : memref<!tpu.dma_semaphore, #tpu.memory_space<semaphore_mem>>) src(%arg13 : memref<125x64xbf16, #tpu.memory_space<vmem>>) dst(%dma_wait3A_598 : memref<10000x64xbf16, #tpu.memory_space<vmem_shared>>)
      %add3A_599 = arith.constant 1 : i32
      %add3A_600 = arith.addi %scan3A_328, %add3A_599 : i32
      %mul3A_601 = arith.constant 8 : i32
      %mul3A_602 = arith.muli %add3A_600, %mul3A_601 : i32
      %add3A_603 = arith.constant 6 : i32
      %add3A_604 = arith.addi %mul3A_602, %add3A_603 : i32
      %dma_start3A_605 = arith.constant 0 : i32
      %dma_start3A_606 = tpu.memref_slice %arg5[%add3A_604, %dma_start3A_605] : memref<80x125xi32, #tpu.memory_space<vmem>> -> memref<1x125xi32, #tpu.memory_space<vmem>>
      %dma_start3A_607 = tpu.memref_squeeze %dma_start3A_606 : memref<1x125xi32, #tpu.memory_space<vmem>> -> memref<125xi32, #tpu.memory_space<vmem>>
      %dma_start3A_608 = arith.constant 0 : i32
      %dma_start3A_609 = arith.constant 0 : i32
      %dma_start3A_610 = tpu.memref_slice %arg2[%dma_start3A_608, %dma_start3A_609] : memref<10000x64xbf16, #tpu.memory_space<hbm>> -> memref<10000x64xbf16, #tpu.memory_space<hbm>>
      tpu.enqueue_indirect_dma source(%dma_start3A_610 : memref<10000x64xbf16, #tpu.memory_space<hbm>>) target(%arg13 : memref<125x64xbf16, #tpu.memory_space<vmem>>) offsets(%dma_start3A_607 : memref<125xi32, #tpu.memory_space<vmem>>) semaphore(%arg24 : memref<!tpu.dma_semaphore, #tpu.memory_space<semaphore_mem>>)
      %mul3A_611 = arith.constant 8 : i32
      %mul3A_612 = arith.muli %scan3A_328, %mul3A_611 : i32
      %add3A_613 = arith.constant 7 : i32
      %add3A_614 = arith.addi %mul3A_612, %add3A_613 : i32
      %dma_wait3A_615 = arith.constant 0 : i32
      %dma_wait3A_616 = tpu.memref_slice %arg6[%add3A_614, %dma_wait3A_615] : memref<80x125xi32, #tpu.memory_space<vmem>> -> memref<1x125xi32, #tpu.memory_space<vmem>>
      %dma_wait3A_617 = tpu.memref_squeeze %dma_wait3A_616 : memref<1x125xi32, #tpu.memory_space<vmem>> -> memref<125xi32, #tpu.memory_space<vmem>>
      %dma_wait3A_618 = arith.constant 0 : i32
      %dma_wait3A_619 = arith.constant 0 : i32
      %dma_wait3A_620 = tpu.memref_slice %arg17[%dma_wait3A_618, %dma_wait3A_619] : memref<10000x64xbf16, #tpu.memory_space<vmem_shared>> -> memref<10000x64xbf16, #tpu.memory_space<vmem_shared>>
      tpu.wait_indirect_dma semaphore(%arg33 : memref<!tpu.dma_semaphore, #tpu.memory_space<semaphore_mem>>) src(%arg14 : memref<125x64xbf16, #tpu.memory_space<vmem>>) dst(%dma_wait3A_620 : memref<10000x64xbf16, #tpu.memory_space<vmem_shared>>)
      %add3A_621 = arith.constant 1 : i32
      %add3A_622 = arith.addi %scan3A_328, %add3A_621 : i32
      %mul3A_623 = arith.constant 8 : i32
      %mul3A_624 = arith.muli %add3A_622, %mul3A_623 : i32
      %add3A_625 = arith.constant 7 : i32
      %add3A_626 = arith.addi %mul3A_624, %add3A_625 : i32
      %dma_start3A_627 = arith.constant 0 : i32
      %dma_start3A_628 = tpu.memref_slice %arg5[%add3A_626, %dma_start3A_627] : memref<80x125xi32, #tpu.memory_space<vmem>> -> memref<1x125xi32, #tpu.memory_space<vmem>>
      %dma_start3A_629 = tpu.memref_squeeze %dma_start3A_628 : memref<1x125xi32, #tpu.memory_space<vmem>> -> memref<125xi32, #tpu.memory_space<vmem>>
      %dma_start3A_630 = arith.constant 0 : i32
      %dma_start3A_631 = arith.constant 0 : i32
      %dma_start3A_632 = tpu.memref_slice %arg2[%dma_start3A_630, %dma_start3A_631] : memref<10000x64xbf16, #tpu.memory_space<hbm>> -> memref<10000x64xbf16, #tpu.memory_space<hbm>>
      tpu.enqueue_indirect_dma source(%dma_start3A_632 : memref<10000x64xbf16, #tpu.memory_space<hbm>>) target(%arg14 : memref<125x64xbf16, #tpu.memory_space<vmem>>) offsets(%dma_start3A_629 : memref<125xi32, #tpu.memory_space<vmem>>) semaphore(%arg25 : memref<!tpu.dma_semaphore, #tpu.memory_space<semaphore_mem>>)
    }
    %scan3A_80 = arith.constant 9 : i32
    %dma_wait3A = arith.constant 72 : i32
    %dma_wait3A_81 = arith.constant 0 : i32
    %dma_wait3A_82 = tpu.memref_slice %arg5[%dma_wait3A, %dma_wait3A_81] : memref<80x125xi32, #tpu.memory_space<vmem>> -> memref<1x125xi32, #tpu.memory_space<vmem>>
    %dma_wait3A_83 = tpu.memref_squeeze %dma_wait3A_82 : memref<1x125xi32, #tpu.memory_space<vmem>> -> memref<125xi32, #tpu.memory_space<vmem>>
    %dma_wait3A_84 = arith.constant 0 : i32
    %dma_wait3A_85 = arith.constant 0 : i32
    %dma_wait3A_86 = tpu.memref_slice %arg2[%dma_wait3A_84, %dma_wait3A_85] : memref<10000x64xbf16, #tpu.memory_space<hbm>> -> memref<10000x64xbf16, #tpu.memory_space<hbm>>
    tpu.wait_indirect_dma semaphore(%arg18 : memref<!tpu.dma_semaphore, #tpu.memory_space<semaphore_mem>>) src(%dma_wait3A_86 : memref<10000x64xbf16, #tpu.memory_space<hbm>>) dst(%arg7 : memref<125x64xbf16, #tpu.memory_space<vmem>>)
    %dma_start3A_87 = arith.constant 72 : i32
    %dma_start3A_88 = arith.constant 0 : i32
    %dma_start3A_89 = tpu.memref_slice %arg6[%dma_start3A_87, %dma_start3A_88] : memref<80x125xi32, #tpu.memory_space<vmem>> -> memref<1x125xi32, #tpu.memory_space<vmem>>
    %dma_start3A_90 = tpu.memref_squeeze %dma_start3A_89 : memref<1x125xi32, #tpu.memory_space<vmem>> -> memref<125xi32, #tpu.memory_space<vmem>>
    %dma_start3A_91 = arith.constant 0 : i32
    %dma_start3A_92 = arith.constant 0 : i32
    %dma_start3A_93 = tpu.memref_slice %arg17[%dma_start3A_91, %dma_start3A_92] : memref<10000x64xbf16, #tpu.memory_space<vmem_shared>> -> memref<10000x64xbf16, #tpu.memory_space<vmem_shared>>
    tpu.enqueue_indirect_dma source(%arg7 : memref<125x64xbf16, #tpu.memory_space<vmem>>) target(%dma_start3A_93 : memref<10000x64xbf16, #tpu.memory_space<vmem_shared>>) offsets(%dma_start3A_90 : memref<125xi32, #tpu.memory_space<vmem>>) semaphore(%arg26 : memref<!tpu.dma_semaphore, #tpu.memory_space<semaphore_mem>>) {add = true}
    %dma_wait3A_94 = arith.constant 73 : i32
    %dma_wait3A_95 = arith.constant 0 : i32
    %dma_wait3A_96 = tpu.memref_slice %arg5[%dma_wait3A_94, %dma_wait3A_95] : memref<80x125xi32, #tpu.memory_space<vmem>> -> memref<1x125xi32, #tpu.memory_space<vmem>>
    %dma_wait3A_97 = tpu.memref_squeeze %dma_wait3A_96 : memref<1x125xi32, #tpu.memory_space<vmem>> -> memref<125xi32, #tpu.memory_space<vmem>>
    %dma_wait3A_98 = arith.constant 0 : i32
    %dma_wait3A_99 = arith.constant 0 : i32
    %dma_wait3A_100 = tpu.memref_slice %arg2[%dma_wait3A_98, %dma_wait3A_99] : memref<10000x64xbf16, #tpu.memory_space<hbm>> -> memref<10000x64xbf16, #tpu.memory_space<hbm>>
    tpu.wait_indirect_dma semaphore(%arg19 : memref<!tpu.dma_semaphore, #tpu.memory_space<semaphore_mem>>) src(%dma_wait3A_100 : memref<10000x64xbf16, #tpu.memory_space<hbm>>) dst(%arg8 : memref<125x64xbf16, #tpu.memory_space<vmem>>)
    %dma_start3A_101 = arith.constant 73 : i32
    %dma_start3A_102 = arith.constant 0 : i32
    %dma_start3A_103 = tpu.memref_slice %arg6[%dma_start3A_101, %dma_start3A_102] : memref<80x125xi32, #tpu.memory_space<vmem>> -> memref<1x125xi32, #tpu.memory_space<vmem>>
    %dma_start3A_104 = tpu.memref_squeeze %dma_start3A_103 : memref<1x125xi32, #tpu.memory_space<vmem>> -> memref<125xi32, #tpu.memory_space<vmem>>
    %dma_start3A_105 = arith.constant 0 : i32
    %dma_start3A_106 = arith.constant 0 : i32
    %dma_start3A_107 = tpu.memref_slice %arg17[%dma_start3A_105, %dma_start3A_106] : memref<10000x64xbf16, #tpu.memory_space<vmem_shared>> -> memref<10000x64xbf16, #tpu.memory_space<vmem_shared>>
    tpu.enqueue_indirect_dma source(%arg8 : memref<125x64xbf16, #tpu.memory_space<vmem>>) target(%dma_start3A_107 : memref<10000x64xbf16, #tpu.memory_space<vmem_shared>>) offsets(%dma_start3A_104 : memref<125xi32, #tpu.memory_space<vmem>>) semaphore(%arg27 : memref<!tpu.dma_semaphore, #tpu.memory_space<semaphore_mem>>) {add = true}
    %dma_wait3A_108 = arith.constant 74 : i32
    %dma_wait3A_109 = arith.constant 0 : i32
    %dma_wait3A_110 = tpu.memref_slice %arg5[%dma_wait3A_108, %dma_wait3A_109] : memref<80x125xi32, #tpu.memory_space<vmem>> -> memref<1x125xi32, #tpu.memory_space<vmem>>
    %dma_wait3A_111 = tpu.memref_squeeze %dma_wait3A_110 : memref<1x125xi32, #tpu.memory_space<vmem>> -> memref<125xi32, #tpu.memory_space<vmem>>
    %dma_wait3A_112 = arith.constant 0 : i32
    %dma_wait3A_113 = arith.constant 0 : i32
    %dma_wait3A_114 = tpu.memref_slice %arg2[%dma_wait3A_112, %dma_wait3A_113] : memref<10000x64xbf16, #tpu.memory_space<hbm>> -> memref<10000x64xbf16, #tpu.memory_space<hbm>>
    tpu.wait_indirect_dma semaphore(%arg20 : memref<!tpu.dma_semaphore, #tpu.memory_space<semaphore_mem>>) src(%dma_wait3A_114 : memref<10000x64xbf16, #tpu.memory_space<hbm>>) dst(%arg9 : memref<125x64xbf16, #tpu.memory_space<vmem>>)
    %dma_start3A_115 = arith.constant 74 : i32
    %dma_start3A_116 = arith.constant 0 : i32
    %dma_start3A_117 = tpu.memref_slice %arg6[%dma_start3A_115, %dma_start3A_116] : memref<80x125xi32, #tpu.memory_space<vmem>> -> memref<1x125xi32, #tpu.memory_space<vmem>>
    %dma_start3A_118 = tpu.memref_squeeze %dma_start3A_117 : memref<1x125xi32, #tpu.memory_space<vmem>> -> memref<125xi32, #tpu.memory_space<vmem>>
    %dma_start3A_119 = arith.constant 0 : i32
    %dma_start3A_120 = arith.constant 0 : i32
    %dma_start3A_121 = tpu.memref_slice %arg17[%dma_start3A_119, %dma_start3A_120] : memref<10000x64xbf16, #tpu.memory_space<vmem_shared>> -> memref<10000x64xbf16, #tpu.memory_space<vmem_shared>>
    tpu.enqueue_indirect_dma source(%arg9 : memref<125x64xbf16, #tpu.memory_space<vmem>>) target(%dma_start3A_121 : memref<10000x64xbf16, #tpu.memory_space<vmem_shared>>) offsets(%dma_start3A_118 : memref<125xi32, #tpu.memory_space<vmem>>) semaphore(%arg28 : memref<!tpu.dma_semaphore, #tpu.memory_space<semaphore_mem>>) {add = true}
    %dma_wait3A_122 = arith.constant 75 : i32
    %dma_wait3A_123 = arith.constant 0 : i32
    %dma_wait3A_124 = tpu.memref_slice %arg5[%dma_wait3A_122, %dma_wait3A_123] : memref<80x125xi32, #tpu.memory_space<vmem>> -> memref<1x125xi32, #tpu.memory_space<vmem>>
    %dma_wait3A_125 = tpu.memref_squeeze %dma_wait3A_124 : memref<1x125xi32, #tpu.memory_space<vmem>> -> memref<125xi32, #tpu.memory_space<vmem>>
    %dma_wait3A_126 = arith.constant 0 : i32
    %dma_wait3A_127 = arith.constant 0 : i32
    %dma_wait3A_128 = tpu.memref_slice %arg2[%dma_wait3A_126, %dma_wait3A_127] : memref<10000x64xbf16, #tpu.memory_space<hbm>> -> memref<10000x64xbf16, #tpu.memory_space<hbm>>
    tpu.wait_indirect_dma semaphore(%arg21 : memref<!tpu.dma_semaphore, #tpu.memory_space<semaphore_mem>>) src(%dma_wait3A_128 : memref<10000x64xbf16, #tpu.memory_space<hbm>>) dst(%arg10 : memref<125x64xbf16, #tpu.memory_space<vmem>>)
    %dma_start3A_129 = arith.constant 75 : i32
    %dma_start3A_130 = arith.constant 0 : i32
    %dma_start3A_131 = tpu.memref_slice %arg6[%dma_start3A_129, %dma_start3A_130] : memref<80x125xi32, #tpu.memory_space<vmem>> -> memref<1x125xi32, #tpu.memory_space<vmem>>
    %dma_start3A_132 = tpu.memref_squeeze %dma_start3A_131 : memref<1x125xi32, #tpu.memory_space<vmem>> -> memref<125xi32, #tpu.memory_space<vmem>>
    %dma_start3A_133 = arith.constant 0 : i32
    %dma_start3A_134 = arith.constant 0 : i32
    %dma_start3A_135 = tpu.memref_slice %arg17[%dma_start3A_133, %dma_start3A_134] : memref<10000x64xbf16, #tpu.memory_space<vmem_shared>> -> memref<10000x64xbf16, #tpu.memory_space<vmem_shared>>
    tpu.enqueue_indirect_dma source(%arg10 : memref<125x64xbf16, #tpu.memory_space<vmem>>) target(%dma_start3A_135 : memref<10000x64xbf16, #tpu.memory_space<vmem_shared>>) offsets(%dma_start3A_132 : memref<125xi32, #tpu.memory_space<vmem>>) semaphore(%arg29 : memref<!tpu.dma_semaphore, #tpu.memory_space<semaphore_mem>>) {add = true}
    %dma_wait3A_136 = arith.constant 76 : i32
    %dma_wait3A_137 = arith.constant 0 : i32
    %dma_wait3A_138 = tpu.memref_slice %arg5[%dma_wait3A_136, %dma_wait3A_137] : memref<80x125xi32, #tpu.memory_space<vmem>> -> memref<1x125xi32, #tpu.memory_space<vmem>>
    %dma_wait3A_139 = tpu.memref_squeeze %dma_wait3A_138 : memref<1x125xi32, #tpu.memory_space<vmem>> -> memref<125xi32, #tpu.memory_space<vmem>>
    %dma_wait3A_140 = arith.constant 0 : i32
    %dma_wait3A_141 = arith.constant 0 : i32
    %dma_wait3A_142 = tpu.memref_slice %arg2[%dma_wait3A_140, %dma_wait3A_141] : memref<10000x64xbf16, #tpu.memory_space<hbm>> -> memref<10000x64xbf16, #tpu.memory_space<hbm>>
    tpu.wait_indirect_dma semaphore(%arg22 : memref<!tpu.dma_semaphore, #tpu.memory_space<semaphore_mem>>) src(%dma_wait3A_142 : memref<10000x64xbf16, #tpu.memory_space<hbm>>) dst(%arg11 : memref<125x64xbf16, #tpu.memory_space<vmem>>)
    %dma_start3A_143 = arith.constant 76 : i32
    %dma_start3A_144 = arith.constant 0 : i32
    %dma_start3A_145 = tpu.memref_slice %arg6[%dma_start3A_143, %dma_start3A_144] : memref<80x125xi32, #tpu.memory_space<vmem>> -> memref<1x125xi32, #tpu.memory_space<vmem>>
    %dma_start3A_146 = tpu.memref_squeeze %dma_start3A_145 : memref<1x125xi32, #tpu.memory_space<vmem>> -> memref<125xi32, #tpu.memory_space<vmem>>
    %dma_start3A_147 = arith.constant 0 : i32
    %dma_start3A_148 = arith.constant 0 : i32
    %dma_start3A_149 = tpu.memref_slice %arg17[%dma_start3A_147, %dma_start3A_148] : memref<10000x64xbf16, #tpu.memory_space<vmem_shared>> -> memref<10000x64xbf16, #tpu.memory_space<vmem_shared>>
    tpu.enqueue_indirect_dma source(%arg11 : memref<125x64xbf16, #tpu.memory_space<vmem>>) target(%dma_start3A_149 : memref<10000x64xbf16, #tpu.memory_space<vmem_shared>>) offsets(%dma_start3A_146 : memref<125xi32, #tpu.memory_space<vmem>>) semaphore(%arg30 : memref<!tpu.dma_semaphore, #tpu.memory_space<semaphore_mem>>) {add = true}
    %dma_wait3A_150 = arith.constant 77 : i32
    %dma_wait3A_151 = arith.constant 0 : i32
    %dma_wait3A_152 = tpu.memref_slice %arg5[%dma_wait3A_150, %dma_wait3A_151] : memref<80x125xi32, #tpu.memory_space<vmem>> -> memref<1x125xi32, #tpu.memory_space<vmem>>
    %dma_wait3A_153 = tpu.memref_squeeze %dma_wait3A_152 : memref<1x125xi32, #tpu.memory_space<vmem>> -> memref<125xi32, #tpu.memory_space<vmem>>
    %dma_wait3A_154 = arith.constant 0 : i32
    %dma_wait3A_155 = arith.constant 0 : i32
    %dma_wait3A_156 = tpu.memref_slice %arg2[%dma_wait3A_154, %dma_wait3A_155] : memref<10000x64xbf16, #tpu.memory_space<hbm>> -> memref<10000x64xbf16, #tpu.memory_space<hbm>>
    tpu.wait_indirect_dma semaphore(%arg23 : memref<!tpu.dma_semaphore, #tpu.memory_space<semaphore_mem>>) src(%dma_wait3A_156 : memref<10000x64xbf16, #tpu.memory_space<hbm>>) dst(%arg12 : memref<125x64xbf16, #tpu.memory_space<vmem>>)
    %dma_start3A_157 = arith.constant 77 : i32
    %dma_start3A_158 = arith.constant 0 : i32
    %dma_start3A_159 = tpu.memref_slice %arg6[%dma_start3A_157, %dma_start3A_158] : memref<80x125xi32, #tpu.memory_space<vmem>> -> memref<1x125xi32, #tpu.memory_space<vmem>>
    %dma_start3A_160 = tpu.memref_squeeze %dma_start3A_159 : memref<1x125xi32, #tpu.memory_space<vmem>> -> memref<125xi32, #tpu.memory_space<vmem>>
    %dma_start3A_161 = arith.constant 0 : i32
    %dma_start3A_162 = arith.constant 0 : i32
    %dma_start3A_163 = tpu.memref_slice %arg17[%dma_start3A_161, %dma_start3A_162] : memref<10000x64xbf16, #tpu.memory_space<vmem_shared>> -> memref<10000x64xbf16, #tpu.memory_space<vmem_shared>>
    tpu.enqueue_indirect_dma source(%arg12 : memref<125x64xbf16, #tpu.memory_space<vmem>>) target(%dma_start3A_163 : memref<10000x64xbf16, #tpu.memory_space<vmem_shared>>) offsets(%dma_start3A_160 : memref<125xi32, #tpu.memory_space<vmem>>) semaphore(%arg31 : memref<!tpu.dma_semaphore, #tpu.memory_space<semaphore_mem>>) {add = true}
    %dma_wait3A_164 = arith.constant 78 : i32
    %dma_wait3A_165 = arith.constant 0 : i32
    %dma_wait3A_166 = tpu.memref_slice %arg5[%dma_wait3A_164, %dma_wait3A_165] : memref<80x125xi32, #tpu.memory_space<vmem>> -> memref<1x125xi32, #tpu.memory_space<vmem>>
    %dma_wait3A_167 = tpu.memref_squeeze %dma_wait3A_166 : memref<1x125xi32, #tpu.memory_space<vmem>> -> memref<125xi32, #tpu.memory_space<vmem>>
    %dma_wait3A_168 = arith.constant 0 : i32
    %dma_wait3A_169 = arith.constant 0 : i32
    %dma_wait3A_170 = tpu.memref_slice %arg2[%dma_wait3A_168, %dma_wait3A_169] : memref<10000x64xbf16, #tpu.memory_space<hbm>> -> memref<10000x64xbf16, #tpu.memory_space<hbm>>
    tpu.wait_indirect_dma semaphore(%arg24 : memref<!tpu.dma_semaphore, #tpu.memory_space<semaphore_mem>>) src(%dma_wait3A_170 : memref<10000x64xbf16, #tpu.memory_space<hbm>>) dst(%arg13 : memref<125x64xbf16, #tpu.memory_space<vmem>>)
    %dma_start3A_171 = arith.constant 78 : i32
    %dma_start3A_172 = arith.constant 0 : i32
    %dma_start3A_173 = tpu.memref_slice %arg6[%dma_start3A_171, %dma_start3A_172] : memref<80x125xi32, #tpu.memory_space<vmem>> -> memref<1x125xi32, #tpu.memory_space<vmem>>
    %dma_start3A_174 = tpu.memref_squeeze %dma_start3A_173 : memref<1x125xi32, #tpu.memory_space<vmem>> -> memref<125xi32, #tpu.memory_space<vmem>>
    %dma_start3A_175 = arith.constant 0 : i32
    %dma_start3A_176 = arith.constant 0 : i32
    %dma_start3A_177 = tpu.memref_slice %arg17[%dma_start3A_175, %dma_start3A_176] : memref<10000x64xbf16, #tpu.memory_space<vmem_shared>> -> memref<10000x64xbf16, #tpu.memory_space<vmem_shared>>
    tpu.enqueue_indirect_dma source(%arg13 : memref<125x64xbf16, #tpu.memory_space<vmem>>) target(%dma_start3A_177 : memref<10000x64xbf16, #tpu.memory_space<vmem_shared>>) offsets(%dma_start3A_174 : memref<125xi32, #tpu.memory_space<vmem>>) semaphore(%arg32 : memref<!tpu.dma_semaphore, #tpu.memory_space<semaphore_mem>>) {add = true}
    %dma_wait3A_178 = arith.constant 79 : i32
    %dma_wait3A_179 = arith.constant 0 : i32
    %dma_wait3A_180 = tpu.memref_slice %arg5[%dma_wait3A_178, %dma_wait3A_179] : memref<80x125xi32, #tpu.memory_space<vmem>> -> memref<1x125xi32, #tpu.memory_space<vmem>>
    %dma_wait3A_181 = tpu.memref_squeeze %dma_wait3A_180 : memref<1x125xi32, #tpu.memory_space<vmem>> -> memref<125xi32, #tpu.memory_space<vmem>>
    %dma_wait3A_182 = arith.constant 0 : i32
    %dma_wait3A_183 = arith.constant 0 : i32
    %dma_wait3A_184 = tpu.memref_slice %arg2[%dma_wait3A_182, %dma_wait3A_183] : memref<10000x64xbf16, #tpu.memory_space<hbm>> -> memref<10000x64xbf16, #tpu.memory_space<hbm>>
    tpu.wait_indirect_dma semaphore(%arg25 : memref<!tpu.dma_semaphore, #tpu.memory_space<semaphore_mem>>) src(%dma_wait3A_184 : memref<10000x64xbf16, #tpu.memory_space<hbm>>) dst(%arg14 : memref<125x64xbf16, #tpu.memory_space<vmem>>)
    %dma_start3A_185 = arith.constant 79 : i32
    %dma_start3A_186 = arith.constant 0 : i32
    %dma_start3A_187 = tpu.memref_slice %arg6[%dma_start3A_185, %dma_start3A_186] : memref<80x125xi32, #tpu.memory_space<vmem>> -> memref<1x125xi32, #tpu.memory_space<vmem>>
    %dma_start3A_188 = tpu.memref_squeeze %dma_start3A_187 : memref<1x125xi32, #tpu.memory_space<vmem>> -> memref<125xi32, #tpu.memory_space<vmem>>
    %dma_start3A_189 = arith.constant 0 : i32
    %dma_start3A_190 = arith.constant 0 : i32
    %dma_start3A_191 = tpu.memref_slice %arg17[%dma_start3A_189, %dma_start3A_190] : memref<10000x64xbf16, #tpu.memory_space<vmem_shared>> -> memref<10000x64xbf16, #tpu.memory_space<vmem_shared>>
    tpu.enqueue_indirect_dma source(%arg14 : memref<125x64xbf16, #tpu.memory_space<vmem>>) target(%dma_start3A_191 : memref<10000x64xbf16, #tpu.memory_space<vmem_shared>>) offsets(%dma_start3A_188 : memref<125xi32, #tpu.memory_space<vmem>>) semaphore(%arg33 : memref<!tpu.dma_semaphore, #tpu.memory_space<semaphore_mem>>) {add = true}
    %dma_wait3A_192 = arith.constant 72 : i32
    %dma_wait3A_193 = arith.constant 0 : i32
    %dma_wait3A_194 = tpu.memref_slice %arg6[%dma_wait3A_192, %dma_wait3A_193] : memref<80x125xi32, #tpu.memory_space<vmem>> -> memref<1x125xi32, #tpu.memory_space<vmem>>
    %dma_wait3A_195 = tpu.memref_squeeze %dma_wait3A_194 : memref<1x125xi32, #tpu.memory_space<vmem>> -> memref<125xi32, #tpu.memory_space<vmem>>
    %dma_wait3A_196 = arith.constant 0 : i32
    %dma_wait3A_197 = arith.constant 0 : i32
    %dma_wait3A_198 = tpu.memref_slice %arg17[%dma_wait3A_196, %dma_wait3A_197] : memref<10000x64xbf16, #tpu.memory_space<vmem_shared>> -> memref<10000x64xbf16, #tpu.memory_space<vmem_shared>>
    tpu.wait_indirect_dma semaphore(%arg26 : memref<!tpu.dma_semaphore, #tpu.memory_space<semaphore_mem>>) src(%arg7 : memref<125x64xbf16, #tpu.memory_space<vmem>>) dst(%dma_wait3A_198 : memref<10000x64xbf16, #tpu.memory_space<vmem_shared>>)
    %dma_wait3A_199 = arith.constant 73 : i32
    %dma_wait3A_200 = arith.constant 0 : i32
    %dma_wait3A_201 = tpu.memref_slice %arg6[%dma_wait3A_199, %dma_wait3A_200] : memref<80x125xi32, #tpu.memory_space<vmem>> -> memref<1x125xi32, #tpu.memory_space<vmem>>
    %dma_wait3A_202 = tpu.memref_squeeze %dma_wait3A_201 : memref<1x125xi32, #tpu.memory_space<vmem>> -> memref<125xi32, #tpu.memory_space<vmem>>
    %dma_wait3A_203 = arith.constant 0 : i32
    %dma_wait3A_204 = arith.constant 0 : i32
    %dma_wait3A_205 = tpu.memref_slice %arg17[%dma_wait3A_203, %dma_wait3A_204] : memref<10000x64xbf16, #tpu.memory_space<vmem_shared>> -> memref<10000x64xbf16, #tpu.memory_space<vmem_shared>>
    tpu.wait_indirect_dma semaphore(%arg27 : memref<!tpu.dma_semaphore, #tpu.memory_space<semaphore_mem>>) src(%arg8 : memref<125x64xbf16, #tpu.memory_space<vmem>>) dst(%dma_wait3A_205 : memref<10000x64xbf16, #tpu.memory_space<vmem_shared>>)
    %dma_wait3A_206 = arith.constant 74 : i32
    %dma_wait3A_207 = arith.constant 0 : i32
    %dma_wait3A_208 = tpu.memref_slice %arg6[%dma_wait3A_206, %dma_wait3A_207] : memref<80x125xi32, #tpu.memory_space<vmem>> -> memref<1x125xi32, #tpu.memory_space<vmem>>
    %dma_wait3A_209 = tpu.memref_squeeze %dma_wait3A_208 : memref<1x125xi32, #tpu.memory_space<vmem>> -> memref<125xi32, #tpu.memory_space<vmem>>
    %dma_wait3A_210 = arith.constant 0 : i32
    %dma_wait3A_211 = arith.constant 0 : i32
    %dma_wait3A_212 = tpu.memref_slice %arg17[%dma_wait3A_210, %dma_wait3A_211] : memref<10000x64xbf16, #tpu.memory_space<vmem_shared>> -> memref<10000x64xbf16, #tpu.memory_space<vmem_shared>>
    tpu.wait_indirect_dma semaphore(%arg28 : memref<!tpu.dma_semaphore, #tpu.memory_space<semaphore_mem>>) src(%arg9 : memref<125x64xbf16, #tpu.memory_space<vmem>>) dst(%dma_wait3A_212 : memref<10000x64xbf16, #tpu.memory_space<vmem_shared>>)
    %dma_wait3A_213 = arith.constant 75 : i32
    %dma_wait3A_214 = arith.constant 0 : i32
    %dma_wait3A_215 = tpu.memref_slice %arg6[%dma_wait3A_213, %dma_wait3A_214] : memref<80x125xi32, #tpu.memory_space<vmem>> -> memref<1x125xi32, #tpu.memory_space<vmem>>
    %dma_wait3A_216 = tpu.memref_squeeze %dma_wait3A_215 : memref<1x125xi32, #tpu.memory_space<vmem>> -> memref<125xi32, #tpu.memory_space<vmem>>
    %dma_wait3A_217 = arith.constant 0 : i32
    %dma_wait3A_218 = arith.constant 0 : i32
    %dma_wait3A_219 = tpu.memref_slice %arg17[%dma_wait3A_217, %dma_wait3A_218] : memref<10000x64xbf16, #tpu.memory_space<vmem_shared>> -> memref<10000x64xbf16, #tpu.memory_space<vmem_shared>>
    tpu.wait_indirect_dma semaphore(%arg29 : memref<!tpu.dma_semaphore, #tpu.memory_space<semaphore_mem>>) src(%arg10 : memref<125x64xbf16, #tpu.memory_space<vmem>>) dst(%dma_wait3A_219 : memref<10000x64xbf16, #tpu.memory_space<vmem_shared>>)
    %dma_wait3A_220 = arith.constant 76 : i32
    %dma_wait3A_221 = arith.constant 0 : i32
    %dma_wait3A_222 = tpu.memref_slice %arg6[%dma_wait3A_220, %dma_wait3A_221] : memref<80x125xi32, #tpu.memory_space<vmem>> -> memref<1x125xi32, #tpu.memory_space<vmem>>
    %dma_wait3A_223 = tpu.memref_squeeze %dma_wait3A_222 : memref<1x125xi32, #tpu.memory_space<vmem>> -> memref<125xi32, #tpu.memory_space<vmem>>
    %dma_wait3A_224 = arith.constant 0 : i32
    %dma_wait3A_225 = arith.constant 0 : i32
    %dma_wait3A_226 = tpu.memref_slice %arg17[%dma_wait3A_224, %dma_wait3A_225] : memref<10000x64xbf16, #tpu.memory_space<vmem_shared>> -> memref<10000x64xbf16, #tpu.memory_space<vmem_shared>>
    tpu.wait_indirect_dma semaphore(%arg30 : memref<!tpu.dma_semaphore, #tpu.memory_space<semaphore_mem>>) src(%arg11 : memref<125x64xbf16, #tpu.memory_space<vmem>>) dst(%dma_wait3A_226 : memref<10000x64xbf16, #tpu.memory_space<vmem_shared>>)
    %dma_wait3A_227 = arith.constant 77 : i32
    %dma_wait3A_228 = arith.constant 0 : i32
    %dma_wait3A_229 = tpu.memref_slice %arg6[%dma_wait3A_227, %dma_wait3A_228] : memref<80x125xi32, #tpu.memory_space<vmem>> -> memref<1x125xi32, #tpu.memory_space<vmem>>
    %dma_wait3A_230 = tpu.memref_squeeze %dma_wait3A_229 : memref<1x125xi32, #tpu.memory_space<vmem>> -> memref<125xi32, #tpu.memory_space<vmem>>
    %dma_wait3A_231 = arith.constant 0 : i32
    %dma_wait3A_232 = arith.constant 0 : i32
    %dma_wait3A_233 = tpu.memref_slice %arg17[%dma_wait3A_231, %dma_wait3A_232] : memref<10000x64xbf16, #tpu.memory_space<vmem_shared>> -> memref<10000x64xbf16, #tpu.memory_space<vmem_shared>>
    tpu.wait_indirect_dma semaphore(%arg31 : memref<!tpu.dma_semaphore, #tpu.memory_space<semaphore_mem>>) src(%arg12 : memref<125x64xbf16, #tpu.memory_space<vmem>>) dst(%dma_wait3A_233 : memref<10000x64xbf16, #tpu.memory_space<vmem_shared>>)
    %dma_wait3A_234 = arith.constant 78 : i32
    %dma_wait3A_235 = arith.constant 0 : i32
    %dma_wait3A_236 = tpu.memref_slice %arg6[%dma_wait3A_234, %dma_wait3A_235] : memref<80x125xi32, #tpu.memory_space<vmem>> -> memref<1x125xi32, #tpu.memory_space<vmem>>
    %dma_wait3A_237 = tpu.memref_squeeze %dma_wait3A_236 : memref<1x125xi32, #tpu.memory_space<vmem>> -> memref<125xi32, #tpu.memory_space<vmem>>
    %dma_wait3A_238 = arith.constant 0 : i32
    %dma_wait3A_239 = arith.constant 0 : i32
    %dma_wait3A_240 = tpu.memref_slice %arg17[%dma_wait3A_238, %dma_wait3A_239] : memref<10000x64xbf16, #tpu.memory_space<vmem_shared>> -> memref<10000x64xbf16, #tpu.memory_space<vmem_shared>>
    tpu.wait_indirect_dma semaphore(%arg32 : memref<!tpu.dma_semaphore, #tpu.memory_space<semaphore_mem>>) src(%arg13 : memref<125x64xbf16, #tpu.memory_space<vmem>>) dst(%dma_wait3A_240 : memref<10000x64xbf16, #tpu.memory_space<vmem_shared>>)
    %dma_wait3A_241 = arith.constant 79 : i32
    %dma_wait3A_242 = arith.constant 0 : i32
    %dma_wait3A_243 = tpu.memref_slice %arg6[%dma_wait3A_241, %dma_wait3A_242] : memref<80x125xi32, #tpu.memory_space<vmem>> -> memref<1x125xi32, #tpu.memory_space<vmem>>
    %dma_wait3A_244 = tpu.memref_squeeze %dma_wait3A_243 : memref<1x125xi32, #tpu.memory_space<vmem>> -> memref<125xi32, #tpu.memory_space<vmem>>
    %dma_wait3A_245 = arith.constant 0 : i32
    %dma_wait3A_246 = arith.constant 0 : i32
    %dma_wait3A_247 = tpu.memref_slice %arg17[%dma_wait3A_245, %dma_wait3A_246] : memref<10000x64xbf16, #tpu.memory_space<vmem_shared>> -> memref<10000x64xbf16, #tpu.memory_space<vmem_shared>>
    tpu.wait_indirect_dma semaphore(%arg33 : memref<!tpu.dma_semaphore, #tpu.memory_space<semaphore_mem>>) src(%arg14 : memref<125x64xbf16, #tpu.memory_space<vmem>>) dst(%dma_wait3A_247 : memref<10000x64xbf16, #tpu.memory_space<vmem_shared>>)
    %barrier3A_248 = arith.constant 0 : index
    tpu.barrier barrier_id(%barrier3A_248)
    %add3A_249 = arith.constant 0 : i32
    %add3A_250 = arith.addi %mul3A_64, %add3A_249 : i32
    "tpu.region"() ({
      %run_scoped3A_328 = tpu.sem_alloc : memref<!tpu.dma_semaphore, #tpu.memory_space<semaphore_mem>>
      %dma_start3A_329 = arith.constant 0 : i32
      %dma_start3A_330 = tpu.memref_slice %arg17[%add3A_250, %dma_start3A_329] : memref<10000x64xbf16, #tpu.memory_space<vmem_shared>> -> memref<125x64xbf16, #tpu.memory_space<vmem_shared>>
      %dma_start3A_331 = arith.constant 0 : i32
      %dma_start3A_332 = tpu.memref_slice %arg17[%add3A_250, %dma_start3A_331] : memref<10000x64xbf16, #tpu.memory_space<vmem_shared>> -> memref<125x64xbf16, #tpu.memory_space<vmem_shared>>
      tpu.enqueue_dma source(%dma_start3A_332 : memref<125x64xbf16, #tpu.memory_space<vmem_shared>>) target(%arg15 : memref<125x64xbf16, #tpu.memory_space<vmem>>) target_semaphore(%run_scoped3A_328 : memref<!tpu.dma_semaphore, #tpu.memory_space<semaphore_mem>>)
      %dma_wait3A_333 = arith.constant 0 : i32
      %dma_wait3A_334 = tpu.memref_slice %arg17[%add3A_250, %dma_wait3A_333] : memref<10000x64xbf16, #tpu.memory_space<vmem_shared>> -> memref<125x64xbf16, #tpu.memory_space<vmem_shared>>
      %dma_wait3A_335 = arith.constant 0 : i32
      %dma_wait3A_336 = tpu.memref_slice %arg17[%add3A_250, %dma_wait3A_335] : memref<10000x64xbf16, #tpu.memory_space<vmem_shared>> -> memref<125x64xbf16, #tpu.memory_space<vmem_shared>>
      tpu.wait_dma2 semaphore(%run_scoped3A_328 : memref<!tpu.dma_semaphore, #tpu.memory_space<semaphore_mem>>) src(%dma_wait3A_336 : memref<125x64xbf16, #tpu.memory_space<vmem_shared>>) dst(%arg15 : memref<125x64xbf16, #tpu.memory_space<vmem>>)
      tpu.yield
    }) : () -> ()
    %dma_start3A_251 = arith.constant 0 : i32
    %dma_start3A_252 = tpu.memref_slice %arg4[%arg0, %add3A_250, %dma_start3A_251] : memref<2x10000x64xbf16, #tpu.memory_space<hbm>> -> memref<1x125x64xbf16, #tpu.memory_space<hbm>>
    %dma_start3A_253 = tpu.memref_squeeze %dma_start3A_252 : memref<1x125x64xbf16, #tpu.memory_space<hbm>> -> memref<125x64xbf16, #tpu.memory_space<hbm>>
    %dma_start3A_254 = arith.constant 0 : i32
    %dma_start3A_255 = tpu.memref_slice %arg4[%arg0, %add3A_250, %dma_start3A_254] : memref<2x10000x64xbf16, #tpu.memory_space<hbm>> -> memref<1x125x64xbf16, #tpu.memory_space<hbm>>
    %dma_start3A_256 = tpu.memref_squeeze %dma_start3A_255 : memref<1x125x64xbf16, #tpu.memory_space<hbm>> -> memref<125x64xbf16, #tpu.memory_space<hbm>>
    tpu.enqueue_dma source(%arg15 : memref<125x64xbf16, #tpu.memory_space<vmem>>) target(%dma_start3A_256 : memref<125x64xbf16, #tpu.memory_space<hbm>>) target_semaphore(%arg18 : memref<!tpu.dma_semaphore, #tpu.memory_space<semaphore_mem>>)
    %add3A_257 = arith.constant 125 : i32
    %add3A_258 = arith.addi %mul3A_64, %add3A_257 : i32
    "tpu.region"() ({
      %run_scoped3A_328 = tpu.sem_alloc : memref<!tpu.dma_semaphore, #tpu.memory_space<semaphore_mem>>
      %dma_start3A_329 = arith.constant 0 : i32
      %dma_start3A_330 = tpu.memref_slice %arg17[%add3A_258, %dma_start3A_329] : memref<10000x64xbf16, #tpu.memory_space<vmem_shared>> -> memref<125x64xbf16, #tpu.memory_space<vmem_shared>>
      %dma_start3A_331 = arith.constant 0 : i32
      %dma_start3A_332 = tpu.memref_slice %arg17[%add3A_258, %dma_start3A_331] : memref<10000x64xbf16, #tpu.memory_space<vmem_shared>> -> memref<125x64xbf16, #tpu.memory_space<vmem_shared>>
      tpu.enqueue_dma source(%dma_start3A_332 : memref<125x64xbf16, #tpu.memory_space<vmem_shared>>) target(%arg16 : memref<125x64xbf16, #tpu.memory_space<vmem>>) target_semaphore(%run_scoped3A_328 : memref<!tpu.dma_semaphore, #tpu.memory_space<semaphore_mem>>)
      %dma_wait3A_333 = arith.constant 0 : i32
      %dma_wait3A_334 = tpu.memref_slice %arg17[%add3A_258, %dma_wait3A_333] : memref<10000x64xbf16, #tpu.memory_space<vmem_shared>> -> memref<125x64xbf16, #tpu.memory_space<vmem_shared>>
      %dma_wait3A_335 = arith.constant 0 : i32
      %dma_wait3A_336 = tpu.memref_slice %arg17[%add3A_258, %dma_wait3A_335] : memref<10000x64xbf16, #tpu.memory_space<vmem_shared>> -> memref<125x64xbf16, #tpu.memory_space<vmem_shared>>
      tpu.wait_dma2 semaphore(%run_scoped3A_328 : memref<!tpu.dma_semaphore, #tpu.memory_space<semaphore_mem>>) src(%dma_wait3A_336 : memref<125x64xbf16, #tpu.memory_space<vmem_shared>>) dst(%arg16 : memref<125x64xbf16, #tpu.memory_space<vmem>>)
      tpu.yield
    }) : () -> ()
    %dma_start3A_259 = arith.constant 0 : i32
    %dma_start3A_260 = tpu.memref_slice %arg4[%arg0, %add3A_258, %dma_start3A_259] : memref<2x10000x64xbf16, #tpu.memory_space<hbm>> -> memref<1x125x64xbf16, #tpu.memory_space<hbm>>
    %dma_start3A_261 = tpu.memref_squeeze %dma_start3A_260 : memref<1x125x64xbf16, #tpu.memory_space<hbm>> -> memref<125x64xbf16, #tpu.memory_space<hbm>>
    %dma_start3A_262 = arith.constant 0 : i32
    %dma_start3A_263 = tpu.memref_slice %arg4[%arg0, %add3A_258, %dma_start3A_262] : memref<2x10000x64xbf16, #tpu.memory_space<hbm>> -> memref<1x125x64xbf16, #tpu.memory_space<hbm>>
    %dma_start3A_264 = tpu.memref_squeeze %dma_start3A_263 : memref<1x125x64xbf16, #tpu.memory_space<hbm>> -> memref<125x64xbf16, #tpu.memory_space<hbm>>
    tpu.enqueue_dma source(%arg16 : memref<125x64xbf16, #tpu.memory_space<vmem>>) target(%dma_start3A_264 : memref<125x64xbf16, #tpu.memory_space<hbm>>) target_semaphore(%arg19 : memref<!tpu.dma_semaphore, #tpu.memory_space<semaphore_mem>>)
    %add3A_265 = arith.constant 250 : i32
    %add3A_266 = arith.addi %mul3A_64, %add3A_265 : i32
    %sub3A = arith.constant 250 : i32
    %sub3A_267 = arith.subi %add3A_266, %sub3A : i32
    %dma_wait3A_268 = arith.constant 0 : i32
    %dma_wait3A_269 = tpu.memref_slice %arg4[%arg0, %sub3A_267, %dma_wait3A_268] : memref<2x10000x64xbf16, #tpu.memory_space<hbm>> -> memref<1x125x64xbf16, #tpu.memory_space<hbm>>
    %dma_wait3A_270 = tpu.memref_squeeze %dma_wait3A_269 : memref<1x125x64xbf16, #tpu.memory_space<hbm>> -> memref<125x64xbf16, #tpu.memory_space<hbm>>
    %dma_wait3A_271 = arith.constant 0 : i32
    %dma_wait3A_272 = tpu.memref_slice %arg4[%arg0, %sub3A_267, %dma_wait3A_271] : memref<2x10000x64xbf16, #tpu.memory_space<hbm>> -> memref<1x125x64xbf16, #tpu.memory_space<hbm>>
    %dma_wait3A_273 = tpu.memref_squeeze %dma_wait3A_272 : memref<1x125x64xbf16, #tpu.memory_space<hbm>> -> memref<125x64xbf16, #tpu.memory_space<hbm>>
    tpu.wait_dma2 semaphore(%arg18 : memref<!tpu.dma_semaphore, #tpu.memory_space<semaphore_mem>>) src(%arg15 : memref<125x64xbf16, #tpu.memory_space<vmem>>) dst(%dma_wait3A_273 : memref<125x64xbf16, #tpu.memory_space<hbm>>)
    "tpu.region"() ({
      %run_scoped3A_328 = tpu.sem_alloc : memref<!tpu.dma_semaphore, #tpu.memory_space<semaphore_mem>>
      %dma_start3A_329 = arith.constant 0 : i32
      %dma_start3A_330 = tpu.memref_slice %arg17[%add3A_266, %dma_start3A_329] : memref<10000x64xbf16, #tpu.memory_space<vmem_shared>> -> memref<125x64xbf16, #tpu.memory_space<vmem_shared>>
      %dma_start3A_331 = arith.constant 0 : i32
      %dma_start3A_332 = tpu.memref_slice %arg17[%add3A_266, %dma_start3A_331] : memref<10000x64xbf16, #tpu.memory_space<vmem_shared>> -> memref<125x64xbf16, #tpu.memory_space<vmem_shared>>
      tpu.enqueue_dma source(%dma_start3A_332 : memref<125x64xbf16, #tpu.memory_space<vmem_shared>>) target(%arg15 : memref<125x64xbf16, #tpu.memory_space<vmem>>) target_semaphore(%run_scoped3A_328 : memref<!tpu.dma_semaphore, #tpu.memory_space<semaphore_mem>>)
      %dma_wait3A_333 = arith.constant 0 : i32
      %dma_wait3A_334 = tpu.memref_slice %arg17[%add3A_266, %dma_wait3A_333] : memref<10000x64xbf16, #tpu.memory_space<vmem_shared>> -> memref<125x64xbf16, #tpu.memory_space<vmem_shared>>
      %dma_wait3A_335 = arith.constant 0 : i32
      %dma_wait3A_336 = tpu.memref_slice %arg17[%add3A_266, %dma_wait3A_335] : memref<10000x64xbf16, #tpu.memory_space<vmem_shared>> -> memref<125x64xbf16, #tpu.memory_space<vmem_shared>>
      tpu.wait_dma2 semaphore(%run_scoped3A_328 : memref<!tpu.dma_semaphore, #tpu.memory_space<semaphore_mem>>) src(%dma_wait3A_336 : memref<125x64xbf16, #tpu.memory_space<vmem_shared>>) dst(%arg15 : memref<125x64xbf16, #tpu.memory_space<vmem>>)
      tpu.yield
    }) : () -> ()
    %dma_start3A_274 = arith.constant 0 : i32
    %dma_start3A_275 = tpu.memref_slice %arg4[%arg0, %add3A_266, %dma_start3A_274] : memref<2x10000x64xbf16, #tpu.memory_space<hbm>> -> memref<1x125x64xbf16, #tpu.memory_space<hbm>>
    %dma_start3A_276 = tpu.memref_squeeze %dma_start3A_275 : memref<1x125x64xbf16, #tpu.memory_space<hbm>> -> memref<125x64xbf16, #tpu.memory_space<hbm>>
    %dma_start3A_277 = arith.constant 0 : i32
    %dma_start3A_278 = tpu.memref_slice %arg4[%arg0, %add3A_266, %dma_start3A_277] : memref<2x10000x64xbf16, #tpu.memory_space<hbm>> -> memref<1x125x64xbf16, #tpu.memory_space<hbm>>
    %dma_start3A_279 = tpu.memref_squeeze %dma_start3A_278 : memref<1x125x64xbf16, #tpu.memory_space<hbm>> -> memref<125x64xbf16, #tpu.memory_space<hbm>>
    tpu.enqueue_dma source(%arg15 : memref<125x64xbf16, #tpu.memory_space<vmem>>) target(%dma_start3A_279 : memref<125x64xbf16, #tpu.memory_space<hbm>>) target_semaphore(%arg18 : memref<!tpu.dma_semaphore, #tpu.memory_space<semaphore_mem>>)
    %add3A_280 = arith.constant 375 : i32
    %add3A_281 = arith.addi %mul3A_64, %add3A_280 : i32
    %sub3A_282 = arith.constant 250 : i32
    %sub3A_283 = arith.subi %add3A_281, %sub3A_282 : i32
    %dma_wait3A_284 = arith.constant 0 : i32
    %dma_wait3A_285 = tpu.memref_slice %arg4[%arg0, %sub3A_283, %dma_wait3A_284] : memref<2x10000x64xbf16, #tpu.memory_space<hbm>> -> memref<1x125x64xbf16, #tpu.memory_space<hbm>>
    %dma_wait3A_286 = tpu.memref_squeeze %dma_wait3A_285 : memref<1x125x64xbf16, #tpu.memory_space<hbm>> -> memref<125x64xbf16, #tpu.memory_space<hbm>>
    %dma_wait3A_287 = arith.constant 0 : i32
    %dma_wait3A_288 = tpu.memref_slice %arg4[%arg0, %sub3A_283, %dma_wait3A_287] : memref<2x10000x64xbf16, #tpu.memory_space<hbm>> -> memref<1x125x64xbf16, #tpu.memory_space<hbm>>
    %dma_wait3A_289 = tpu.memref_squeeze %dma_wait3A_288 : memref<1x125x64xbf16, #tpu.memory_space<hbm>> -> memref<125x64xbf16, #tpu.memory_space<hbm>>
    tpu.wait_dma2 semaphore(%arg19 : memref<!tpu.dma_semaphore, #tpu.memory_space<semaphore_mem>>) src(%arg16 : memref<125x64xbf16, #tpu.memory_space<vmem>>) dst(%dma_wait3A_289 : memref<125x64xbf16, #tpu.memory_space<hbm>>)
    "tpu.region"() ({
      %run_scoped3A_328 = tpu.sem_alloc : memref<!tpu.dma_semaphore, #tpu.memory_space<semaphore_mem>>
      %dma_start3A_329 = arith.constant 0 : i32
      %dma_start3A_330 = tpu.memref_slice %arg17[%add3A_281, %dma_start3A_329] : memref<10000x64xbf16, #tpu.memory_space<vmem_shared>> -> memref<125x64xbf16, #tpu.memory_space<vmem_shared>>
      %dma_start3A_331 = arith.constant 0 : i32
      %dma_start3A_332 = tpu.memref_slice %arg17[%add3A_281, %dma_start3A_331] : memref<10000x64xbf16, #tpu.memory_space<vmem_shared>> -> memref<125x64xbf16, #tpu.memory_space<vmem_shared>>
      tpu.enqueue_dma source(%dma_start3A_332 : memref<125x64xbf16, #tpu.memory_space<vmem_shared>>) target(%arg16 : memref<125x64xbf16, #tpu.memory_space<vmem>>) target_semaphore(%run_scoped3A_328 : memref<!tpu.dma_semaphore, #tpu.memory_space<semaphore_mem>>)
      %dma_wait3A_333 = arith.constant 0 : i32
      %dma_wait3A_334 = tpu.memref_slice %arg17[%add3A_281, %dma_wait3A_333] : memref<10000x64xbf16, #tpu.memory_space<vmem_shared>> -> memref<125x64xbf16, #tpu.memory_space<vmem_shared>>
      %dma_wait3A_335 = arith.constant 0 : i32
      %dma_wait3A_336 = tpu.memref_slice %arg17[%add3A_281, %dma_wait3A_335] : memref<10000x64xbf16, #tpu.memory_space<vmem_shared>> -> memref<125x64xbf16, #tpu.memory_space<vmem_shared>>
      tpu.wait_dma2 semaphore(%run_scoped3A_328 : memref<!tpu.dma_semaphore, #tpu.memory_space<semaphore_mem>>) src(%dma_wait3A_336 : memref<125x64xbf16, #tpu.memory_space<vmem_shared>>) dst(%arg16 : memref<125x64xbf16, #tpu.memory_space<vmem>>)
      tpu.yield
    }) : () -> ()
    %dma_start3A_290 = arith.constant 0 : i32
    %dma_start3A_291 = tpu.memref_slice %arg4[%arg0, %add3A_281, %dma_start3A_290] : memref<2x10000x64xbf16, #tpu.memory_space<hbm>> -> memref<1x125x64xbf16, #tpu.memory_space<hbm>>
    %dma_start3A_292 = tpu.memref_squeeze %dma_start3A_291 : memref<1x125x64xbf16, #tpu.memory_space<hbm>> -> memref<125x64xbf16, #tpu.memory_space<hbm>>
    %dma_start3A_293 = arith.constant 0 : i32
    %dma_start3A_294 = tpu.memref_slice %arg4[%arg0, %add3A_281, %dma_start3A_293] : memref<2x10000x64xbf16, #tpu.memory_space<hbm>> -> memref<1x125x64xbf16, #tpu.memory_space<hbm>>
    %dma_start3A_295 = tpu.memref_squeeze %dma_start3A_294 : memref<1x125x64xbf16, #tpu.memory_space<hbm>> -> memref<125x64xbf16, #tpu.memory_space<hbm>>
    tpu.enqueue_dma source(%arg16 : memref<125x64xbf16, #tpu.memory_space<vmem>>) target(%dma_start3A_295 : memref<125x64xbf16, #tpu.memory_space<hbm>>) target_semaphore(%arg19 : memref<!tpu.dma_semaphore, #tpu.memory_space<semaphore_mem>>)
    %add3A_296 = arith.constant 500 : i32
    %add3A_297 = arith.addi %mul3A_64, %add3A_296 : i32
    %sub3A_298 = arith.constant 250 : i32
    %sub3A_299 = arith.subi %add3A_297, %sub3A_298 : i32
    %dma_wait3A_300 = arith.constant 0 : i32
    %dma_wait3A_301 = tpu.memref_slice %arg4[%arg0, %sub3A_299, %dma_wait3A_300] : memref<2x10000x64xbf16, #tpu.memory_space<hbm>> -> memref<1x125x64xbf16, #tpu.memory_space<hbm>>
    %dma_wait3A_302 = tpu.memref_squeeze %dma_wait3A_301 : memref<1x125x64xbf16, #tpu.memory_space<hbm>> -> memref<125x64xbf16, #tpu.memory_space<hbm>>
    %dma_wait3A_303 = arith.constant 0 : i32
    %dma_wait3A_304 = tpu.memref_slice %arg4[%arg0, %sub3A_299, %dma_wait3A_303] : memref<2x10000x64xbf16, #tpu.memory_space<hbm>> -> memref<1x125x64xbf16, #tpu.memory_space<hbm>>
    %dma_wait3A_305 = tpu.memref_squeeze %dma_wait3A_304 : memref<1x125x64xbf16, #tpu.memory_space<hbm>> -> memref<125x64xbf16, #tpu.memory_space<hbm>>
    tpu.wait_dma2 semaphore(%arg18 : memref<!tpu.dma_semaphore, #tpu.memory_space<semaphore_mem>>) src(%arg15 : memref<125x64xbf16, #tpu.memory_space<vmem>>) dst(%dma_wait3A_305 : memref<125x64xbf16, #tpu.memory_space<hbm>>)
    "tpu.region"() ({
      %run_scoped3A_328 = tpu.sem_alloc : memref<!tpu.dma_semaphore, #tpu.memory_space<semaphore_mem>>
      %dma_start3A_329 = arith.constant 0 : i32
      %dma_start3A_330 = tpu.memref_slice %arg17[%add3A_297, %dma_start3A_329] : memref<10000x64xbf16, #tpu.memory_space<vmem_shared>> -> memref<125x64xbf16, #tpu.memory_space<vmem_shared>>
      %dma_start3A_331 = arith.constant 0 : i32
      %dma_start3A_332 = tpu.memref_slice %arg17[%add3A_297, %dma_start3A_331] : memref<10000x64xbf16, #tpu.memory_space<vmem_shared>> -> memref<125x64xbf16, #tpu.memory_space<vmem_shared>>
      tpu.enqueue_dma source(%dma_start3A_332 : memref<125x64xbf16, #tpu.memory_space<vmem_shared>>) target(%arg15 : memref<125x64xbf16, #tpu.memory_space<vmem>>) target_semaphore(%run_scoped3A_328 : memref<!tpu.dma_semaphore, #tpu.memory_space<semaphore_mem>>)
      %dma_wait3A_333 = arith.constant 0 : i32
      %dma_wait3A_334 = tpu.memref_slice %arg17[%add3A_297, %dma_wait3A_333] : memref<10000x64xbf16, #tpu.memory_space<vmem_shared>> -> memref<125x64xbf16, #tpu.memory_space<vmem_shared>>
      %dma_wait3A_335 = arith.constant 0 : i32
      %dma_wait3A_336 = tpu.memref_slice %arg17[%add3A_297, %dma_wait3A_335] : memref<10000x64xbf16, #tpu.memory_space<vmem_shared>> -> memref<125x64xbf16, #tpu.memory_space<vmem_shared>>
      tpu.wait_dma2 semaphore(%run_scoped3A_328 : memref<!tpu.dma_semaphore, #tpu.memory_space<semaphore_mem>>) src(%dma_wait3A_336 : memref<125x64xbf16, #tpu.memory_space<vmem_shared>>) dst(%arg15 : memref<125x64xbf16, #tpu.memory_space<vmem>>)
      tpu.yield
    }) : () -> ()
    %dma_start3A_306 = arith.constant 0 : i32
    %dma_start3A_307 = tpu.memref_slice %arg4[%arg0, %add3A_297, %dma_start3A_306] : memref<2x10000x64xbf16, #tpu.memory_space<hbm>> -> memref<1x125x64xbf16, #tpu.memory_space<hbm>>
    %dma_start3A_308 = tpu.memref_squeeze %dma_start3A_307 : memref<1x125x64xbf16, #tpu.memory_space<hbm>> -> memref<125x64xbf16, #tpu.memory_space<hbm>>
    %dma_start3A_309 = arith.constant 0 : i32
    %dma_start3A_310 = tpu.memref_slice %arg4[%arg0, %add3A_297, %dma_start3A_309] : memref<2x10000x64xbf16, #tpu.memory_space<hbm>> -> memref<1x125x64xbf16, #tpu.memory_space<hbm>>
    %dma_start3A_311 = tpu.memref_squeeze %dma_start3A_310 : memref<1x125x64xbf16, #tpu.memory_space<hbm>> -> memref<125x64xbf16, #tpu.memory_space<hbm>>
    tpu.enqueue_dma source(%arg15 : memref<125x64xbf16, #tpu.memory_space<vmem>>) target(%dma_start3A_311 : memref<125x64xbf16, #tpu.memory_space<hbm>>) target_semaphore(%arg18 : memref<!tpu.dma_semaphore, #tpu.memory_space<semaphore_mem>>)
    %add3A_312 = arith.constant 375 : i32
    %add3A_313 = arith.addi %mul3A_64, %add3A_312 : i32
    %dma_wait3A_314 = arith.constant 0 : i32
    %dma_wait3A_315 = tpu.memref_slice %arg4[%arg0, %add3A_313, %dma_wait3A_314] : memref<2x10000x64xbf16, #tpu.memory_space<hbm>> -> memref<1x125x64xbf16, #tpu.memory_space<hbm>>
    %dma_wait3A_316 = tpu.memref_squeeze %dma_wait3A_315 : memref<1x125x64xbf16, #tpu.memory_space<hbm>> -> memref<125x64xbf16, #tpu.memory_space<hbm>>
    %dma_wait3A_317 = arith.constant 0 : i32
    %dma_wait3A_318 = tpu.memref_slice %arg4[%arg0, %add3A_313, %dma_wait3A_317] : memref<2x10000x64xbf16, #tpu.memory_space<hbm>> -> memref<1x125x64xbf16, #tpu.memory_space<hbm>>
    %dma_wait3A_319 = tpu.memref_squeeze %dma_wait3A_318 : memref<1x125x64xbf16, #tpu.memory_space<hbm>> -> memref<125x64xbf16, #tpu.memory_space<hbm>>
    tpu.wait_dma2 semaphore(%arg19 : memref<!tpu.dma_semaphore, #tpu.memory_space<semaphore_mem>>) src(%arg16 : memref<125x64xbf16, #tpu.memory_space<vmem>>) dst(%dma_wait3A_319 : memref<125x64xbf16, #tpu.memory_space<hbm>>)
    %add3A_320 = arith.constant 500 : i32
    %add3A_321 = arith.addi %mul3A_64, %add3A_320 : i32
    %dma_wait3A_322 = arith.constant 0 : i32
    %dma_wait3A_323 = tpu.memref_slice %arg4[%arg0, %add3A_321, %dma_wait3A_322] : memref<2x10000x64xbf16, #tpu.memory_space<hbm>> -> memref<1x125x64xbf16, #tpu.memory_space<hbm>>
    %dma_wait3A_324 = tpu.memref_squeeze %dma_wait3A_323 : memref<1x125x64xbf16, #tpu.memory_space<hbm>> -> memref<125x64xbf16, #tpu.memory_space<hbm>>
    %dma_wait3A_325 = arith.constant 0 : i32
    %dma_wait3A_326 = tpu.memref_slice %arg4[%arg0, %add3A_321, %dma_wait3A_325] : memref<2x10000x64xbf16, #tpu.memory_space<hbm>> -> memref<1x125x64xbf16, #tpu.memory_space<hbm>>
    %dma_wait3A_327 = tpu.memref_squeeze %dma_wait3A_326 : memref<1x125x64xbf16, #tpu.memory_space<hbm>> -> memref<125x64xbf16, #tpu.memory_space<hbm>>
    tpu.wait_dma2 semaphore(%arg18 : memref<!tpu.dma_semaphore, #tpu.memory_space<semaphore_mem>>) src(%arg15 : memref<125x64xbf16, #tpu.memory_space<vmem>>) dst(%dma_wait3A_327 : memref<125x64xbf16, #tpu.memory_space<hbm>>)
    return
  }
}

module attributes {stable_mosaic.version = 14 : i64} {
  func.func @body(%arg0: i32, %arg1: memref<2000x128xf32, #tpu.memory_space<vmem>>, %arg2: memref<128x64xf32, #tpu.memory_space<vmem>>, %arg3: memref<128x64xf32, #tpu.memory_space<vmem>>, %arg4: memref<2000x96xbf16, #tpu.memory_space<vmem>>, %arg5: memref<2000x64xf32, #tpu.memory_space<vmem>>) attributes {dimension_semantics = [#tpu.dimension_semantics<arbitrary>], iteration_bounds = array<i64: 5>, scalar_prefetch = 0 : i64, scratch_operands = 0 : i64, tpu.core_type = #tpu.core_type<tc>, window_params = [{transform_indices = @transform_0, window_bounds = array<i64: 2000, 128>}, {pipeline_mode = #tpu.pipeline_mode<synchronous>, transform_indices = @transform_1, window_bounds = array<i64: 128, 64>}, {pipeline_mode = #tpu.pipeline_mode<synchronous>, transform_indices = @transform_2, window_bounds = array<i64: 128, 64>}, {transform_indices = @transform_3, window_bounds = array<i64: 2000, 96>}, {transform_indices = @transform_4, window_bounds = array<i64: 2000, 64>}]} {
    %get3A = arith.constant 0 : index
    %get3A_0 = arith.constant 0 : index
    %get3A_1 = vector.load %arg1[%get3A, %get3A_0] : memref<2000x128xf32, #tpu.memory_space<vmem>>, vector<2000x128xf32>
    %get3A_2 = arith.constant 0 : index
    %get3A_3 = arith.constant 0 : index
    %get3A_4 = vector.load %arg2[%get3A_2, %get3A_3] : memref<128x64xf32, #tpu.memory_space<vmem>>, vector<128x64xf32>
    %dot_general3A = arith.constant dense<0.000000e+00> : vector<2000x64xf32>
    %dot_general3A_5 = tpu.matmul %get3A_1, %get3A_4, %dot_general3A {dimension_numbers = #tpu.dot_dimension_numbers<[1], [0], [0], [1], [0, 0, 1, 1], [], []>, transpose_lhs_hint = false} : vector<2000x128xf32>, vector<128x64xf32>, vector<2000x64xf32> -> vector<2000x64xf32>
    %convert_element_type3A = arith.truncf %dot_general3A_5 : vector<2000x64xf32> to vector<2000x64xbf16>
    %broadcast_in_dim3A = arith.constant 1.000000e+00 : bf16
    %broadcast_in_dim3A_6 = vector.broadcast %broadcast_in_dim3A : bf16 to vector<2000x32xbf16>
    %concatenate3A = tpu.concatenate %convert_element_type3A, %broadcast_in_dim3A_6 in 1 : vector<2000x64xbf16>, vector<2000x32xbf16> -> vector<2000x96xbf16>
    %swap3A = arith.constant 0 : index
    %swap3A_7 = arith.constant 0 : index
    %swap3A_8 = vector.load %arg4[%swap3A, %swap3A_7] : memref<2000x96xbf16, #tpu.memory_space<vmem>>, vector<2000x96xbf16>
    tpu.vector_store %arg4[%swap3A, %swap3A_7], %concatenate3A {strides = array<i32>} : memref<2000x96xbf16, #tpu.memory_space<vmem>>, vector<2000x96xbf16>,
    %get3A_9 = arith.constant 0 : index
    %get3A_10 = arith.constant 0 : index
    %get3A_11 = vector.load %arg3[%get3A_9, %get3A_10] : memref<128x64xf32, #tpu.memory_space<vmem>>, vector<128x64xf32>
    %dot_general3A_12 = arith.constant dense<0.000000e+00> : vector<2000x64xf32>
    %dot_general3A_13 = tpu.matmul %get3A_1, %get3A_11, %dot_general3A_12 {dimension_numbers = #tpu.dot_dimension_numbers<[1], [0], [0], [1], [0, 0, 1, 1], [], []>, transpose_lhs_hint = false} : vector<2000x128xf32>, vector<128x64xf32>, vector<2000x64xf32> -> vector<2000x64xf32>
    %swap3A_14 = arith.constant 0 : index
    %swap3A_15 = arith.constant 0 : index
    %swap3A_16 = vector.load %arg5[%swap3A_14, %swap3A_15] : memref<2000x64xf32, #tpu.memory_space<vmem>>, vector<2000x64xf32>
    tpu.vector_store %arg5[%swap3A_14, %swap3A_15], %dot_general3A_13 {strides = array<i32>} : memref<2000x64xf32, #tpu.memory_space<vmem>>, vector<2000x64xf32>,
    return
  }
  func.func @transform_0(%arg0: i32) -> (i32, i32) {
    %c0_i32 = arith.constant 0 : i32
    %c0_i32_0 = arith.constant 0 : i32
    return %arg0, %c0_i32 : i32, i32
  }
  func.func @transform_1(%arg0: i32) -> (i32, i32) {
    %c0_i32 = arith.constant 0 : i32
    %c0_i32_0 = arith.constant 0 : i32
    %c0_i32_1 = arith.constant 0 : i32
    return %c0_i32, %c0_i32_0 : i32, i32
  }
  func.func @transform_2(%arg0: i32) -> (i32, i32) {
    %c0_i32 = arith.constant 0 : i32
    %c0_i32_0 = arith.constant 0 : i32
    %c0_i32_1 = arith.constant 0 : i32
    return %c0_i32, %c0_i32_0 : i32, i32
  }
  func.func @transform_3(%arg0: i32) -> (i32, i32) {
    %c0_i32 = arith.constant 0 : i32
    %c0_i32_0 = arith.constant 0 : i32
    return %arg0, %c0_i32 : i32, i32
  }
  func.func @transform_4(%arg0: i32) -> (i32, i32) {
    %c0_i32 = arith.constant 0 : i32
    %c0_i32_0 = arith.constant 0 : i32
    return %arg0, %c0_i32 : i32, i32
  }
}

module attributes {stable_mosaic.version = 14 : i64} {
  func.func @body(%arg0: i32, %arg1: memref<2x2000x96xbf16, #tpu.memory_space<vmem>>, %arg2: memref<2000x64xf32, #tpu.memory_space<vmem>>, %arg3: memref<1x64xf32, #tpu.memory_space<vmem>>, %arg4: memref<64x64xf32, #tpu.memory_space<vmem>>, %arg5: memref<64x64xf32, #tpu.memory_space<vmem>>, %arg6: memref<2000x64xbf16, #tpu.memory_space<vmem>>, %arg7: memref<2000x64xf32, #tpu.memory_space<vmem>>, %arg8: memref<2000x1xf32, #tpu.memory_space<vmem>>) attributes {dimension_semantics = [#tpu.dimension_semantics<arbitrary>], iteration_bounds = array<i64: 5>, scalar_prefetch = 0 : i64, scratch_operands = 0 : i64, tpu.core_type = #tpu.core_type<tc>, window_params = [{transform_indices = @transform_0, window_bounds = array<i64: 2, 2000, 96>}, {transform_indices = @transform_1, window_bounds = array<i64: 2000, 64>}, {pipeline_mode = #tpu.pipeline_mode<synchronous>, transform_indices = @transform_2, window_bounds = array<i64: 1, 64>}, {pipeline_mode = #tpu.pipeline_mode<synchronous>, transform_indices = @transform_3, window_bounds = array<i64: 64, 64>}, {pipeline_mode = #tpu.pipeline_mode<synchronous>, transform_indices = @transform_4, window_bounds = array<i64: 64, 64>}, {transform_indices = @transform_5, window_bounds = array<i64: 2000, 64>}, {transform_indices = @transform_6, window_bounds = array<i64: 2000, 64>}, {transform_indices = @transform_7, window_bounds = array<i64: 2000, 1>}]} {
    %get3A = arith.constant 0 : index
    %get3A_0 = arith.constant 0 : index
    %get3A_1 = arith.constant 0 : index
    %get3A_2 = vector.load %arg1[%get3A, %get3A_0, %get3A_1] : memref<2x2000x96xbf16, #tpu.memory_space<vmem>>, vector<1x2000x96xbf16>
    %get3A_3 = vector.shape_cast %get3A_2 : vector<1x2000x96xbf16> to vector<2000x96xbf16>
    %get3A_4 = arith.constant 1 : index
    %get3A_5 = arith.constant 0 : index
    %get3A_6 = arith.constant 0 : index
    %get3A_7 = vector.load %arg1[%get3A_4, %get3A_5, %get3A_6] : memref<2x2000x96xbf16, #tpu.memory_space<vmem>>, vector<1x2000x96xbf16>
    %get3A_8 = vector.shape_cast %get3A_7 : vector<1x2000x96xbf16> to vector<2000x96xbf16>
    %add3A = arith.addf %get3A_3, %get3A_8 : vector<2000x96xbf16>
    %convert_element_type3A = arith.extf %add3A : vector<2000x96xbf16> to vector<2000x96xf32>
    %slice3A = vector.extract_strided_slice %convert_element_type3A {offsets = [0, 64], sizes = [2000, 1], strides = [1, 1]} : vector<2000x96xf32> to vector<2000x1xf32>
    %max3A = arith.constant 1.000000e+00 : f32
    %max3A_9 = vector.broadcast %max3A : f32 to vector<2000x1xf32>
    %max3A_10 = arith.maximumf %slice3A, %max3A_9 : vector<2000x1xf32>
    %div3A = arith.constant 1.000000e+00 : f32
    %div3A_11 = vector.broadcast %div3A : f32 to vector<2000x1xf32>
    %div3A_12 = arith.divf %div3A_11, %max3A_10 : vector<2000x1xf32>
    %slice3A_13 = vector.extract_strided_slice %convert_element_type3A {offsets = [0, 0], sizes = [2000, 64], strides = [1, 1]} : vector<2000x96xf32> to vector<2000x64xf32>
    %mul3A = vector.broadcast %div3A_12 : vector<2000x1xf32> to vector<2000x64xf32>
    %mul3A_14 = arith.mulf %slice3A_13, %mul3A : vector<2000x64xf32>
    %get3A_15 = arith.constant 0 : index
    %get3A_16 = arith.constant 0 : index
    %get3A_17 = vector.load %arg3[%get3A_15, %get3A_16] : memref<1x64xf32, #tpu.memory_space<vmem>>, vector<1x64xf32>
    %add3A_18 = vector.broadcast %get3A_17 : vector<1x64xf32> to vector<2000x64xf32>
    %add3A_19 = arith.addf %mul3A_14, %add3A_18 : vector<2000x64xf32>
    %get3A_20 = arith.constant 0 : index
    %get3A_21 = arith.constant 0 : index
    %get3A_22 = vector.load %arg2[%get3A_20, %get3A_21] : memref<2000x64xf32, #tpu.memory_space<vmem>>, vector<2000x64xf32>
    %add3A_23 = arith.addf %add3A_19, %get3A_22 : vector<2000x64xf32>
    %mul3A_24 = arith.mulf %add3A_23, %add3A_23 : vector<2000x64xf32>
    %reduce_sum3A = arith.constant dense<0.000000e+00> : vector<2000xf32>
    %reduce_sum3A_25 = vector.multi_reduction <add>, %mul3A_24, %reduce_sum3A [1] : vector<2000x64xf32> to vector<2000xf32>
    %broadcast_in_dim3A = vector.shape_cast %reduce_sum3A_25 : vector<2000xf32> to vector<2000x1xf32>
    %sqrt3A = math.sqrt %broadcast_in_dim3A : vector<2000x1xf32>
    %max3A_26 = arith.constant 9.99999996E-13 : f32
    %max3A_27 = vector.broadcast %max3A_26 : f32 to vector<2000x1xf32>
    %max3A_28 = arith.maximumf %sqrt3A, %max3A_27 : vector<2000x1xf32>
    %div3A_29 = vector.broadcast %max3A_28 : vector<2000x1xf32> to vector<2000x64xf32>
    %div3A_30 = arith.divf %add3A_23, %div3A_29 : vector<2000x64xf32>
    %max3A_31 = arith.constant 0.000000e+00 : f32
    %max3A_32 = vector.broadcast %max3A_31 : f32 to vector<2000x64xf32>
    %max3A_33 = arith.maximumf %div3A_30, %max3A_32 : vector<2000x64xf32>
    %get3A_34 = arith.constant 0 : index
    %get3A_35 = arith.constant 0 : index
    %get3A_36 = vector.load %arg4[%get3A_34, %get3A_35] : memref<64x64xf32, #tpu.memory_space<vmem>>, vector<64x64xf32>
    %dot_general3A = arith.constant dense<0.000000e+00> : vector<2000x64xf32>
    %dot_general3A_37 = tpu.matmul %max3A_33, %get3A_36, %dot_general3A {dimension_numbers = #tpu.dot_dimension_numbers<[1], [0], [0], [1], [0, 0, 1, 1], [], []>, transpose_lhs_hint = false} : vector<2000x64xf32>, vector<64x64xf32>, vector<2000x64xf32> -> vector<2000x64xf32>
    %convert_element_type3A_38 = arith.truncf %dot_general3A_37 : vector<2000x64xf32> to vector<2000x64xbf16>
    %swap3A = arith.constant 0 : index
    %swap3A_39 = arith.constant 0 : index
    %swap3A_40 = vector.load %arg6[%swap3A, %swap3A_39] : memref<2000x64xbf16, #tpu.memory_space<vmem>>, vector<2000x64xbf16>
    tpu.vector_store %arg6[%swap3A, %swap3A_39], %convert_element_type3A_38 {strides = array<i32>} : memref<2000x64xbf16, #tpu.memory_space<vmem>>, vector<2000x64xbf16>,
    %get3A_41 = arith.constant 0 : index
    %get3A_42 = arith.constant 0 : index
    %get3A_43 = vector.load %arg5[%get3A_41, %get3A_42] : memref<64x64xf32, #tpu.memory_space<vmem>>, vector<64x64xf32>
    %dot_general3A_44 = arith.constant dense<0.000000e+00> : vector<2000x64xf32>
    %dot_general3A_45 = tpu.matmul %max3A_33, %get3A_43, %dot_general3A_44 {dimension_numbers = #tpu.dot_dimension_numbers<[1], [0], [0], [1], [0, 0, 1, 1], [], []>, transpose_lhs_hint = false} : vector<2000x64xf32>, vector<64x64xf32>, vector<2000x64xf32> -> vector<2000x64xf32>
    %swap3A_46 = arith.constant 0 : index
    %swap3A_47 = arith.constant 0 : index
    %swap3A_48 = vector.load %arg7[%swap3A_46, %swap3A_47] : memref<2000x64xf32, #tpu.memory_space<vmem>>, vector<2000x64xf32>
    tpu.vector_store %arg7[%swap3A_46, %swap3A_47], %dot_general3A_45 {strides = array<i32>} : memref<2000x64xf32, #tpu.memory_space<vmem>>, vector<2000x64xf32>,
    %swap3A_49 = arith.constant 0 : index
    %swap3A_50 = arith.constant 0 : index
    %swap3A_51 = vector.load %arg8[%swap3A_49, %swap3A_50] : memref<2000x1xf32, #tpu.memory_space<vmem>>, vector<2000x1xf32>
    tpu.vector_store %arg8[%swap3A_49, %swap3A_50], %div3A_12 {strides = array<i32>} : memref<2000x1xf32, #tpu.memory_space<vmem>>, vector<2000x1xf32>,
    return
  }
  func.func @transform_0(%arg0: i32) -> (i32, i32, i32) {
    %c0_i32 = arith.constant 0 : i32
    %c0_i32_0 = arith.constant 0 : i32
    %c0_i32_1 = arith.constant 0 : i32
    return %c0_i32, %arg0, %c0_i32_0 : i32, i32, i32
  }
  func.func @transform_1(%arg0: i32) -> (i32, i32) {
    %c0_i32 = arith.constant 0 : i32
    %c0_i32_0 = arith.constant 0 : i32
    return %arg0, %c0_i32 : i32, i32
  }
  func.func @transform_2(%arg0: i32) -> (i32, i32) {
    %c0_i32 = arith.constant 0 : i32
    %c0_i32_0 = arith.constant 0 : i32
    %c0_i32_1 = arith.constant 0 : i32
    return %c0_i32, %c0_i32_0 : i32, i32
  }
  func.func @transform_3(%arg0: i32) -> (i32, i32) {
    %c0_i32 = arith.constant 0 : i32
    %c0_i32_0 = arith.constant 0 : i32
    %c0_i32_1 = arith.constant 0 : i32
    return %c0_i32, %c0_i32_0 : i32, i32
  }
  func.func @transform_4(%arg0: i32) -> (i32, i32) {
    %c0_i32 = arith.constant 0 : i32
    %c0_i32_0 = arith.constant 0 : i32
    %c0_i32_1 = arith.constant 0 : i32
    return %c0_i32, %c0_i32_0 : i32, i32
  }
  func.func @transform_5(%arg0: i32) -> (i32, i32) {
    %c0_i32 = arith.constant 0 : i32
    %c0_i32_0 = arith.constant 0 : i32
    return %arg0, %c0_i32 : i32, i32
  }
  func.func @transform_6(%arg0: i32) -> (i32, i32) {
    %c0_i32 = arith.constant 0 : i32
    %c0_i32_0 = arith.constant 0 : i32
    return %arg0, %c0_i32 : i32, i32
  }
  func.func @transform_7(%arg0: i32) -> (i32, i32) {
    %c0_i32 = arith.constant 0 : i32
    %c0_i32_0 = arith.constant 0 : i32
    return %arg0, %c0_i32 : i32, i32
  }
}

module attributes {stable_mosaic.version = 14 : i64} {
  func.func @body(%arg0: i32, %arg1: memref<2x2000x64xbf16, #tpu.memory_space<vmem>>, %arg2: memref<2000x64xf32, #tpu.memory_space<vmem>>, %arg3: memref<2000x1xf32, #tpu.memory_space<vmem>>, %arg4: memref<1x64xf32, #tpu.memory_space<vmem>>, %arg5: memref<2000x64xf32, #tpu.memory_space<vmem>>) attributes {dimension_semantics = [#tpu.dimension_semantics<arbitrary>], iteration_bounds = array<i64: 5>, scalar_prefetch = 0 : i64, scratch_operands = 0 : i64, tpu.core_type = #tpu.core_type<tc>, window_params = [{transform_indices = @transform_0, window_bounds = array<i64: 2, 2000, 64>}, {transform_indices = @transform_1, window_bounds = array<i64: 2000, 64>}, {transform_indices = @transform_2, window_bounds = array<i64: 2000, 1>}, {pipeline_mode = #tpu.pipeline_mode<synchronous>, transform_indices = @transform_3, window_bounds = array<i64: 1, 64>}, {transform_indices = @transform_4, window_bounds = array<i64: 2000, 64>}]} {
    %get3A = arith.constant 0 : index
    %get3A_0 = arith.constant 0 : index
    %get3A_1 = arith.constant 0 : index
    %get3A_2 = vector.load %arg1[%get3A, %get3A_0, %get3A_1] : memref<2x2000x64xbf16, #tpu.memory_space<vmem>>, vector<1x2000x64xbf16>
    %get3A_3 = vector.shape_cast %get3A_2 : vector<1x2000x64xbf16> to vector<2000x64xbf16>
    %get3A_4 = arith.constant 1 : index
    %get3A_5 = arith.constant 0 : index
    %get3A_6 = arith.constant 0 : index
    %get3A_7 = vector.load %arg1[%get3A_4, %get3A_5, %get3A_6] : memref<2x2000x64xbf16, #tpu.memory_space<vmem>>, vector<1x2000x64xbf16>
    %get3A_8 = vector.shape_cast %get3A_7 : vector<1x2000x64xbf16> to vector<2000x64xbf16>
    %add3A = arith.addf %get3A_3, %get3A_8 : vector<2000x64xbf16>
    %convert_element_type3A = arith.extf %add3A : vector<2000x64xbf16> to vector<2000x64xf32>
    %get3A_9 = arith.constant 0 : index
    %get3A_10 = arith.constant 0 : index
    %get3A_11 = vector.load %arg3[%get3A_9, %get3A_10] : memref<2000x1xf32, #tpu.memory_space<vmem>>, vector<2000x1xf32>
    %mul3A = vector.broadcast %get3A_11 : vector<2000x1xf32> to vector<2000x64xf32>
    %mul3A_12 = arith.mulf %convert_element_type3A, %mul3A : vector<2000x64xf32>
    %get3A_13 = arith.constant 0 : index
    %get3A_14 = arith.constant 0 : index
    %get3A_15 = vector.load %arg4[%get3A_13, %get3A_14] : memref<1x64xf32, #tpu.memory_space<vmem>>, vector<1x64xf32>
    %add3A_16 = vector.broadcast %get3A_15 : vector<1x64xf32> to vector<2000x64xf32>
    %add3A_17 = arith.addf %mul3A_12, %add3A_16 : vector<2000x64xf32>
    %get3A_18 = arith.constant 0 : index
    %get3A_19 = arith.constant 0 : index
    %get3A_20 = vector.load %arg2[%get3A_18, %get3A_19] : memref<2000x64xf32, #tpu.memory_space<vmem>>, vector<2000x64xf32>
    %add3A_21 = arith.addf %add3A_17, %get3A_20 : vector<2000x64xf32>
    %mul3A_22 = arith.mulf %add3A_21, %add3A_21 : vector<2000x64xf32>
    %reduce_sum3A = arith.constant dense<0.000000e+00> : vector<2000xf32>
    %reduce_sum3A_23 = vector.multi_reduction <add>, %mul3A_22, %reduce_sum3A [1] : vector<2000x64xf32> to vector<2000xf32>
    %broadcast_in_dim3A = vector.shape_cast %reduce_sum3A_23 : vector<2000xf32> to vector<2000x1xf32>
    %sqrt3A = math.sqrt %broadcast_in_dim3A : vector<2000x1xf32>
    %max3A = arith.constant 9.99999996E-13 : f32
    %max3A_24 = vector.broadcast %max3A : f32 to vector<2000x1xf32>
    %max3A_25 = arith.maximumf %sqrt3A, %max3A_24 : vector<2000x1xf32>
    %div3A = vector.broadcast %max3A_25 : vector<2000x1xf32> to vector<2000x64xf32>
    %div3A_26 = arith.divf %add3A_21, %div3A : vector<2000x64xf32>
    %gt3A = arith.constant 0.000000e+00 : f32
    %gt3A_27 = vector.broadcast %gt3A : f32 to vector<2000x64xf32>
    %gt3A_28 = arith.cmpf ogt, %div3A_26, %gt3A_27 : vector<2000x64xf32>
    %min3A = arith.constant 0.000000e+00 : f32
    %min3A_29 = vector.broadcast %min3A : f32 to vector<2000x64xf32>
    %min3A_30 = arith.minimumf %div3A_26, %min3A_29 : vector<2000x64xf32>
    %exp3A = math.exp %min3A_30 : vector<2000x64xf32>
    %sub3A = arith.constant 1.000000e+00 : f32
    %sub3A_31 = vector.broadcast %sub3A : f32 to vector<2000x64xf32>
    %sub3A_32 = arith.subf %exp3A, %sub3A_31 : vector<2000x64xf32>
    %select_n3A = arith.select %gt3A_28, %div3A_26, %sub3A_32 : vector<2000x64xi1>, vector<2000x64xf32>
    %swap3A = arith.constant 0 : index
    %swap3A_33 = arith.constant 0 : index
    %swap3A_34 = vector.load %arg5[%swap3A, %swap3A_33] : memref<2000x64xf32, #tpu.memory_space<vmem>>, vector<2000x64xf32>
    tpu.vector_store %arg5[%swap3A, %swap3A_33], %select_n3A {strides = array<i32>} : memref<2000x64xf32, #tpu.memory_space<vmem>>, vector<2000x64xf32>,
    return
  }
  func.func @transform_0(%arg0: i32) -> (i32, i32, i32) {
    %c0_i32 = arith.constant 0 : i32
    %c0_i32_0 = arith.constant 0 : i32
    %c0_i32_1 = arith.constant 0 : i32
    return %c0_i32, %arg0, %c0_i32_0 : i32, i32, i32
  }
  func.func @transform_1(%arg0: i32) -> (i32, i32) {
    %c0_i32 = arith.constant 0 : i32
    %c0_i32_0 = arith.constant 0 : i32
    return %arg0, %c0_i32 : i32, i32
  }
  func.func @transform_2(%arg0: i32) -> (i32, i32) {
    %c0_i32 = arith.constant 0 : i32
    %c0_i32_0 = arith.constant 0 : i32
    return %arg0, %c0_i32 : i32, i32
  }
  func.func @transform_3(%arg0: i32) -> (i32, i32) {
    %c0_i32 = arith.constant 0 : i32
    %c0_i32_0 = arith.constant 0 : i32
    %c0_i32_1 = arith.constant 0 : i32
    return %c0_i32, %c0_i32_0 : i32, i32
  }
  func.func @transform_4(%arg0: i32) -> (i32, i32) {
    %c0_i32 = arith.constant 0 : i32
    %c0_i32_0 = arith.constant 0 : i32
    return %arg0, %c0_i32 : i32, i32
  }
}

</mosaic_0001>

<sc_bundles>
// kernel: kernel.10.cloned.1.call-start
scs
__scs_entry_jumppad:
0x0: {  	(pc) =	sbr.rel $0x88, $3  }
0x1: {  	(tag) =	ssettag $0x0;
	lr =	simm.s32 $0x1  }
0x2: {  	[smem:$0x3F99] =	sst lr;
	_ =	strace $0xD0000000  }
0x3: {  	_ = 	snop  }
0x4: {  	_ = 	snop  }
0x5: {  	_ = 	snop  }
0x6: {  	_ = 	snop  }
0x7: {  	_ = 	snop  }
__scs_overlays_trampoline_lowered:
0x8: {  	[smem:$0x3FA8] =	sst s0  }
0x9: {  	[smem:$0x3FA9] =	sst s1  }
0xa: {  	[smem:$0x3FAA] =	sst s2  }
0xb: {  	[smem:$0x3FAB] =	sst s3  }
0xc: {  	[smem:$0x3FAC] =	sst s4  }
0xd: {  	[smem:$0x3FAD] =	sst s5  }
0xe: {  	[smem:$0x3FAE] =	sst s6  }
0xf: {  	[smem:$0x3FAF] =	sst s7  }
0x10: {  	[smem:$0x3FB0] =	sst s8  }
0x11: {  	[smem:$0x3FB1] =	sst s9;
	s0 =	simm.s32 @!p0 $0x0  }
0x12: {  	s1 =	sld [smem:$0x3F97];
	s0 =	simm.s32 @p0 $0x1  }
0x13: {  	[smem:$0x3FB2] =	sst s0;
	s0 =	simm.s32 @!p1 $0x0  }
0x14: {  	s2 =	sld [smem:$0x3F96];
	s0 =	simm.s32 @p1 $0x1  }
0x15: {  	[smem:$0x3FB3] =	sst s0;
	s0 =	simm.s32 @!p2 $0x0  }
0x16: {  	s3 =	sld [smem:$0x3FDB];
	s0 =	simm.s32 @p2 $0x1  }
0x17: {  	s4 =	simm.s32 $0x1BF5;
	[smem:$0x3FB5] =	sst s0  }
0x18: {  	s0 =	sld [smem:$0x3F98];
	_ =	swait.ge [sflag:s4], $0x0  }
0x19: {  	s7 =	sld [smem:$0x3F99]  }
0x1a: {  	s8 =	sadd.s32 $0xFFFFE003, lr  }
0x1b: {  	s9 =	sadd.s32 $0xFFFFFEF7, lr;
	s5 =	simm.s32 $0xFFFFFFFF;
	p2 =	slt.u32 s8, $0xFFFFF086  }
0x1c: {  	p1 =	slt.u32 s9, $0xF7A;
	s5 =	simm.s32 @!p2 $0x0  }
0x1d: {  	s5 =	simm.s32 @p1 $0x1;
	p0 =	seq.s32 s7, s2  }
0x1e: {  	s7 =	smul.u32 @!p0 $0xF7A, s2;
	p2 =	seq.s32 @!p0 s5, $0x0  }
0x1f: {  	s9 =	smul.u32 $0xF7A, s1;
	s8 =	simm.s32 @!p0 $0x1BF5;
	p2 =	por !p2, p0  }
0x20: {  	[sflag:s8] =	ssyncset.s32 @!p0 $0xFFFFF086;
	s6 =	sadd.s32 @!p0 s3, s7;
	s7 =	simm.s32 @!p0 $0x108  }
0x21: {  	s3 =	sadd.s32 s3, s9;
	s6 =	sadd.s32 @!p0 $0x88, s6;
	s7 =	simm.s32 @p2 $0x1082  }
0x22: {  	[simem:s7], [sflag:s8] =	dma.local @!p0 [hbm:s6], $0xF7A  }
0x23: {  	s9 =	sor.u32 $0xD0000000, s2;
	s6 =	simm.s32 $0x108;
	_ =	swait.ge @!p0 [sflag:s8], $0x0  }
0x24: {  	s3 =	sadd.s32 $0x88, s3;
	s6 =	simm.s32 @!p1 $0x1082;
	[sflag:s4] =	ssyncset.s32 $0xFFFFF086  }
0x25: {  	[simem:s6], [sflag:s4] =	dma.local [hbm:s3], $0xF7A  }
0x26: {  	[smem:$0x3F99] =	sst s1;
	(tag) =	ssettag s2;
	_ =	strace s9  }
0x27: {  	s1 =	sld [smem:$0x3FA9]  }
0x28: {  	s2 =	sld [smem:$0x3FAA]  }
0x29: {  	s4 =	sld [smem:$0x3FAC]  }
0x2a: {  	p0 =	seq.s32 s5, $0x0;
	s5 =	sld [smem:$0x3FAD]  }
0x2b: {  	s6 =	sld [smem:$0x3FAE]  }
0x2c: {  	s7 =	sld [smem:$0x3FAF]  }
0x2d: {  	s3 =	simm.s32 $0x108;
	s8 =	sld [smem:$0x3FB0]  }
0x2e: {  	s3 =	simm.s32 @!p0 $0x1082;
	s9 =	sld [smem:$0x3FB1]  }
0x2f: {  	lr =	sadd.s32 s0, s3;
	s0 =	sld [smem:$0x3FA8]  }
0x30: {  	s3 =	sld [smem:$0x3FAB]  }
0x31: {  	[smem:$0x3FB4] =	sst s10  }
0x32: {  	s10 =	sld [smem:$0x3FB2];
	_ =	sdelay $0x3  }
0x33: {  	p0 =	seq.s32 s10, $0x1;
	s10 =	sld [smem:$0x3FB4];
	_ =	sdelay $0x3  }
0x34: {  	[smem:$0x3FB4] =	sst s10  }
0x35: {  	s10 =	sld [smem:$0x3FB3];
	_ =	sdelay $0x3  }
0x36: {  	p1 =	seq.s32 s10, $0x1;
	s10 =	sld [smem:$0x3FB4];
	_ =	sdelay $0x3  }
0x37: {  	[smem:$0x3FB4] =	sst s10  }
0x38: {  	s10 =	sld [smem:$0x3FB5]  }
0x39: {  	_ = 	snop;
	(pc) =	sbr.ind lr, $3  }
0x3a: {  	_ = 	snop  }
0x3b: {  	_ = 	snop  }
0x3c: {  	p2 =	seq.s32 s10, $0x1;
	s10 =	sld [smem:$0x3FB4]  }
0x3d: {  	_ =	shalt  }
0x3e: {  	_ =	shalt  }
0x3f: {  	_ =	shalt  }
0x40: {  	_ =	shalt  }
0x41: {  	_ =	shalt  }
0x42: {  	_ =	shalt  }
0x43: {  	_ =	shalt  }
0x44: {  	_ =	shalt  }
0x45: {  	_ =	shalt  }
0x46: {  	_ =	shalt  }
0x47: {  	_ =	shalt  }
0x48: {  	_ =	shalt  }
0x49: {  	_ =	shalt  }
0x4a: {  	_ =	shalt  }
0x4b: {  	_ =	shalt  }
0x4c: {  	_ =	shalt  }
0x4d: {  	_ =	shalt  }
0x4e: {  	_ =	shalt  }
0x4f: {  	_ =	shalt  }
0x50: {  	_ =	shalt  }
0x51: {  	_ =	shalt  }
0x52: {  	_ =	shalt  }
0x53: {  	_ =	shalt  }
0x54: {  	_ =	shalt  }
0x55: {  	_ =	shalt  }
0x56: {  	_ =	shalt  }
0x57: {  	_ =	shalt  }
0x58: {  	_ =	shalt  }
0x59: {  	_ =	shalt  }
0x5a: {  	_ =	shalt  }
0x5b: {  	_ =	shalt  }
0x5c: {  	_ =	shalt  }
0x5d: {  	_ =	shalt  }
0x5e: {  	_ =	shalt  }
0x5f: {  	_ =	shalt  }
0x60: {  	_ =	shalt  }
0x61: {  	_ =	shalt  }
0x62: {  	_ =	shalt  }
0x63: {  	_ =	shalt  }
0x64: {  	_ =	shalt  }
0x65: {  	_ =	shalt  }
0x66: {  	_ =	shalt  }
0x67: {  	_ =	shalt  }
0x68: {  	_ =	shalt  }
0x69: {  	_ =	shalt  }
0x6a: {  	_ =	shalt  }
0x6b: {  	_ =	shalt  }
0x6c: {  	_ =	shalt  }
0x6d: {  	_ =	shalt  }
0x6e: {  	_ =	shalt  }
0x6f: {  	_ =	shalt  }
0x70: {  	_ =	shalt  }
0x71: {  	_ =	shalt  }
0x72: {  	_ =	shalt  }
0x73: {  	_ =	shalt  }
0x74: {  	_ =	shalt  }
0x75: {  	_ =	shalt  }
0x76: {  	_ =	shalt  }
0x77: {  	_ =	shalt  }
0x78: {  	_ =	shalt  }
0x79: {  	_ =	shalt  }
0x7a: {  	_ =	shalt  }
0x7b: {  	_ =	shalt  }
0x7c: {  	_ =	shalt  }
0x7d: {  	_ =	shalt  }
0x7e: {  	_ =	shalt  }
0x7f: {  	_ =	shalt  }
0x80: {  	_ =	shalt  }
0x81: {  	_ =	shalt  }
0x82: {  	_ =	shalt  }
0x83: {  	_ =	shalt  }
0x84: {  	_ =	shalt  }
0x85: {  	_ =	shalt  }
0x86: {  	_ =	shalt  }
0x87: {  	_ =	shalt  }
.Lfunc_end0:
.L_simem_size_0:
called_computation.1_lowered:
.L_overlay_start_0:
0x88: {  	s2 =	sld [smem:$0x3FD9]  }
0x89: {  	s3 =	sld [smem:$0x3FFE];
	_ =	sdelay $0x1  }
0x8a: {  	s1 =	srdreg.scid  }
0x8b: {  	s0 =	sand.u32 $0x1, s1  }
0x8c: {  	s17 =	sshll.u32 s0, $0xA;
	s2 =	sadd.s32 s3, s2  }
0x8d: {  	s2 =	sadd.s32 s2, s17  }
0x8e: {  	[smem:$0x3FC0] =	sst s2  }
0x8f: {  	_ = 	snop  }
0x90: {  	s2 =	sld [smem:$0x3FD0];
	(tm) =	ssettm $0x1  }
0x91: {  	s18 =	sld [smem:$0x3FFB];
	_ =	sdelay $0x3  }
0x92: {  	_ =	strace s18  }
0x93: {  	s3 =	sld [smem:$0x3FFC];
	_ =	sdelay $0x3  }
0x94: {  	_ =	strace s3  }
0x95: {  	s3 =	sld [smem:$0x3FFD];
	_ =	sdelay $0x3  }
0x96: {  	_ =	strace s3  }
0x97: {  	_ =	strace $0x8FFFFFFF  }
0x98: {  	s19 =	sld [smem:$0x3FDB];
	_ =	sdelay $0x1  }
0x99: {  	s4 =	simm.s32 $_scs_section_size  }
0x9a: {  	s5 =	simm.s32 $_size__tile_overlayer_lowered;
	s6 =	simm.s32 $_tile_overlayer_lowered  }
0x9b: {  	s22 =	simm.s32 $0x1BFF;
	s21 =	sshll.u32 s6, $0x1;
	s3 =	sadd.s32 s4, s19  }
0x9c: {  	s7 =	simm.s32 $0x0;
	s20 =	sshll.u32 s5, $0x1;
	s5 =	sadd.s32 s21, s3  }
0x9d: {  	[timem:s7], [sflag:s22] =	dma.local [hbm:s5], s20  }
0x9e: {  	_ =	swait.ge [sflag:s22], s20  }
0x9f: {  	s4 =	ssub.s32 $0x0, s20;
	[sflag:s22] =	ssyncset.done $0x0  }
0xa0: {  	[sflag:s22] =	ssyncadd.s32 s4;
	_ =	sdelay $0x1  }
0xa1: {  	s23 =	simm.s32 $0x1B8B  }
0xa2: {  	_ =	swait.ge [sflag:s23], $0x1  }
0xa3: {  	[sflag:s23] =	ssyncset.done $0x0  }
0xa4: {  	s25 =	simm.s32 $0x1B8E;
	s24 =	sld [smem:$0x3FFE];
	[sflag:s23] =	ssyncadd.s32 $0xFFFFFFFF  }
0xa5: {  	s26 =	simm.s32 $execute0_lowered;
	[smem:$0x3FD2] =	sst s25  }
0xa6: {  	s5 =	sshll.u32 s26, $0x1;
	_ =	strace $0x80000049;
	[dreg:$0x1] =	wrdreg $0xFFFFFFFF  }
0xa7: {  	s28 =	simm.s32 $_size_execute0_lowered;
	s3 =	sadd.s32 s3, s5;
	[dreg:$0x0] =	wrdreg $0x0  }
0xa8: {  	s5 =	sshll.u32 s28, $0x1;
	[dreg:$0x2] =	wrdreg s3  }
0xa9: {  	[dreg:$0x3] =	wrdreg s5  }
0xaa: {  	[dreg:$0x4] =	wrdreg $0xC0  }
0xab: {  	_ =	task [dreg:s7], $0x5FFFF  }
0xac: {  	[dreg:$0x1] =	wrdreg $0xFFFFFFFF  }
0xad: {  	[dreg:$0x0] =	wrdreg $0x60  }
0xae: {  	[dreg:$0x2] =	wrdreg s24  }
0xaf: {  	[dreg:$0x3] =	wrdreg s2  }
0xb0: {  	[dreg:$0x4] =	wrdreg $0xEC400  }
0xb1: {  	[dreg:$0x5] =	wrdreg $0x9  }
0xb2: {  	_ =	task.clear_ibuf [dreg:s7], $0x6FFFF;
	_ =	strace $0x90000049  }
0xb3: {  	s29 =	simm.s32 $0x9;
	_ =	strace $0x8000004B  }
0xb4: {  	_ =	swait.ge [sflag:s29], $0x1  }
0xb5: {  	[sflag:s29] =	ssyncadd.s32 $0xFFFFFFFF  }
0xb6: {  	_ =	strace $0x9000004B  }
0xb7: {  	_ =	sfence  }
0xb8: {  	s30 =	sld [smem:$0x0];
	_ =	sdelay $0x2  }
0xb9: {  	s31 =	sshll.u32 s1, $0xD;
	s1 =	sshrl.u32 s1, $0x2  }
0xba: {  	s3 =	sand.u32 $0x4000, s31;
	s1 =	sadd.s32 s1, s30  }
0xbb: {  	s0 =	sor.u32 s3, s0;
	s1 =	sshll.u32 s1, $0x11  }
0xbc: {  	s0 =	sor.u32 s1, s0  }
0xbd: {  	s0 =	sadd.s32 $0x8F2B, s0  }
0xbe: {  	[sflag:s0] =	ssyncadd.remote.s32 $0x1  }
0xbf: {  	_ =	sfence.sel $0xFFFF  }
0xc0: {  	[dreg:$0x0] =	wrdreg $0xFFFFFFFF;
	(pc) =	sbr.abs _section_cstart, $3  }
0xc1: {  	[dreg:$0x1] =	wrdreg $0xFFFFFFFF  }
0xc2: {  	_ =	task.clear_ibuf [dreg:s7], $0x2FFFF;
	_ =	strace $0x9FFFFFFF  }
0xc3: {  	(tm) =	ssettm $0x7FFFFFFF  }
tec
execute0_lowered:
.L_overlay_start_1:
0x0: {  	(tag) =	ssettag $0x1  }
0x1: {  	s0 =	rddreg [dreg:$0x0]  }
0x2: {  	s1 =	rddreg [dreg:$0x1];
	s3 =	srdreg.scid  }
0x3: {  	s8 =	stileid.u32;
	s2 =	rddreg [dreg:$0x2]  }
0x4: {  	s26 =	simm.s32 $0x0;
	s28 =	simm.s32 $0x7EE0;
	s30 =	simm.s32 $0x8E80  }
0x5: {  	s29 =	simm.s32 $0x1;
	s31 =	simm.s32 $0x2;
	s12 =	simm.s32 $0x7  }
0x6: {  	s13 =	simm.s32 $0x8;
	s11 =	simm.s32 $0x0;
	s3 =	sand.u32 $0x1, s3  }
0x7: {  	s4 =	sshll.u32 s8, $0x1;
	[smem:$0x7FF] =	sst s26;
	s8 =	smul.u32 $0x9C40, s8  }
0x8: {  	s4 =	sor.u32 s3, s4;
	s5 =	ssub.s32 $0x2, s3;
	s3 =	smul.u32 $0x9C400, s3  }
0x9: {  	_ =	strace $0x8000004A;
	s4 =	smul.u32 $0x2800, s4;
	s7 =	sshrl.u32 s5, $0x1  }
0xa: {  	s14 =	sshrl.u32 s8, $0x1;
	s15 =	sadd.s32 $0x1F40, s8;
	s18 =	sadd.s32 $0x3E80, s8  }
0xb: {  	s19 =	sadd.s32 $0x5DC0, s8;
	s21 =	sadd.s32 $0x7D00, s8;
	s5 =	ssub.s32 s5, s7  }
0xc: {  	s16 =	sadd.s32 s14, s2;
	s17 =	sshrl.u32 s15, $0x1;
	s9 =	sshrl.u32 s18, $0x1  }
0xd: {  	s10 =	sshrl.u32 s19, $0x1;
	s22 =	sshrl.u32 s21, $0x1;
	s8 =	sadd.s32 s8, s3  }
0xe: {  	s7 =	sadd.s32 s3, s15;
	s14 =	simm.s32 $0x9;
	s15 =	simm.s32 $0xA  }
0xf: {  	s6 =	sshrl.u32 s4, $0x3;
	s4 =	sadd.s32 $0x1800, s0;
	[dreg:$0x6] =	wrdreg s16  }
0x10: {  	s9 =	sadd.s32 s9, s2;
	s20 =	sadd.s32 s10, s2;
	s10 =	sadd.s32 s22, s2  }
0x11: {  	s8 =	sshrl.u32 s8, $0x4;
	s7 =	sshrl.u32 s7, $0x4;
	s25 =	smax.u32 s5, $0x1  }
0x12: {  	s22 =	simm.s32 $0x4;
	s5 =	simm.s32 $0x5;
	[dreg:$0x8] =	wrdreg s9  }
0x13: {  	s16 =	simm.s32 $0xB;
	s0 =	sadd.s32 s6, s0;
	[dreg:$0x9] =	wrdreg s20  }
0x14: {  	[dreg:$0xa] =	wrdreg s10;
	s8 =	sadd.s32 s1, s8;
	s7 =	sadd.s32 s1, s7  }
0x15: {  	[dreg:$0x10] =	wrdreg s25;
	s20 =	simm.s32 $0x7D;
	s25 =	simm.s32 $0x6F40  }
0x16: {  	s9 =	simm.s32 $0xF;
	s10 =	simm.s32 $0x10;
	[dreg:$0xb] =	wrdreg s8  }
0x17: {  	s6 =	sadd.s32 $0x28A00, s0;
	s0 =	sadd.s32 $0x32A00, s0;
	[dreg:$0xc] =	wrdreg s7  }
0x18: {  	s7 =	simm.s32 $0xD;
	s8 =	simm.s32 $0xE;
	[dreg:$0x4] =	wrdreg s6  }
0x19: {  	[dreg:$0x5] =	wrdreg s0;
	s0 =	sadd.s32 s17, s2;
	s6 =	sadd.s32 s3, s19  }
0x1a: {  	s19 =	simm.s32 $0xADC0;
	s17 =	simm.s32 $0xC;
	[dreg:$0x7] =	wrdreg s0  }
0x1b: {  	s0 =	sadd.s32 s3, s18;
	s3 =	sadd.s32 s3, s21;
	s23 =	sshrl.u32 s6, $0x4  }
0x1c: {  	s18 =	simm.s32 $0x11;
	s21 =	simm.s32 $0x5000;
	s0 =	sshrl.u32 s0, $0x4  }
0x1d: {  	s6 =	simm.s32 $0x6;
	s3 =	sshrl.u32 s3, $0x4;
	s0 =	sadd.s32 s1, s0  }
0x1e: {  	s24 =	sadd.s32 s1, s3;
	[dreg:$0xd] =	wrdreg s0;
	s0 =	sadd.s32 s1, s23  }
0x1f: {  	[dreg:$0xf] =	wrdreg s24;
	s23 =	simm.s32 $0x5FA0;
	s1 =	simm.s32 $0x9E20  }
0x20: {  	v0 =	vimm.bf16 $0.0e+00;
	s24 =	simm.s32 $0xBD60;
	[dreg:$0xe] =	wrdreg s0;
	s0 =	simm.s32 $0x3  }
.LBB2_1:
0x21: {  	[dreg:$0x11] =	wrdreg s11  }
0x22: {  	s3 =	rddreg [dreg:$0x4]  }
0x23: {  	[tilespmem:s26], [sflag:$0x11] =	stream.linear.gather [hbm4b:s3+s26], $0x2800, $0x38;
	[tilespmem:$0x13A60] =	vst v63  }
0x24: {  	_ =	swait.ge [sflag:s18], $0x2800  }
0x25: {  	s11 =	simm.s32 $0x0;
	[sflag:s18] =	ssyncset.done $0x0  }
0x26: {  	s26 =	simm.s32 $0x2800;
	s3 =	rddreg [dreg:$0x5];
	[sflag:s18] =	ssyncadd.s32 $0xFFFFD800  }
0x27: {  	[tilespmem:s26], [sflag:$0x11] =	stream.linear.gather [hbm4b:s3+s11], $0x2800, $0x38;
	[tilespmem:$0x13A60] =	vst v63  }
0x28: {  	_ =	swait.ge [sflag:s18], $0x2800  }
0x29: {  	[sflag:s18] =	ssyncset.done $0x0  }
0x2a: {  	[sflag:s18] =	ssyncadd.s32 $0xFFFFD800  }
0x2b: {  	[tilespmem:s21], [sflag:$0x1] =	stream.indirect.gather [hbm4b:s4+s20], $0x20, s11, s20, $0xb8;
	[tilespmem:$0x13A60] =	vst v63  }
0x2c: {  	s26 =	simm.s32 $0x80  }
0x2d: {  	[tilespmem:s23], [sflag:$0x2] =	stream.indirect.gather [hbm4b:s4+s20], $0x20, s26, s20, $0xb8;
	[tilespmem:$0x13A60] =	vst v63  }
0x2e: {  	s11 =	simm.s32 $0x100  }
0x2f: {  	[tilespmem:s25], [sflag:$0x3] =	stream.indirect.gather [hbm4b:s4+s20], $0x20, s11, s20, $0xb8;
	[tilespmem:$0x13A60] =	vst v63  }
0x30: {  	s26 =	simm.s32 $0x180  }
0x31: {  	[tilespmem:s28], [sflag:$0x4] =	stream.indirect.gather [hbm4b:s4+s20], $0x20, s26, s20, $0xb8;
	[tilespmem:$0x13A60] =	vst v63  }
0x32: {  	s11 =	simm.s32 $0x200  }
0x33: {  	[tilespmem:s30], [sflag:$0x5] =	stream.indirect.gather [hbm4b:s4+s20], $0x20, s11, s20, $0xb8;
	[tilespmem:$0x13A60] =	vst v63  }
0x34: {  	s26 =	simm.s32 $0x280  }
0x35: {  	[tilespmem:s1], [sflag:$0x6] =	stream.indirect.gather [hbm4b:s4+s20], $0x20, s26, s20, $0xb8;
	[tilespmem:$0x13A60] =	vst v63  }
0x36: {  	s11 =	simm.s32 $0x300  }
0x37: {  	[tilespmem:s19], [sflag:$0x7] =	stream.indirect.gather [hbm4b:s4+s20], $0x20, s11, s20, $0xb8;
	[tilespmem:$0x13A60] =	vst v63  }
0x38: {  	s26 =	simm.s32 $0x380  }
0x39: {  	[tilespmem:s24], [sflag:$0x8] =	stream.indirect.gather [hbm4b:s4+s20], $0x20, s26, s20, $0xb8;
	[tilespmem:$0x13A60] =	vst v63  }
0x3a: {  	s3 =	simm.s32 $0x80;
	s26 =	simm.s32 $0x0  }
.LBB2_2:
0x3b: {  	p0 =	sne.s32 s3, $0x3E00;
	[tilespmem:s26+$0xCD00] =	vst v0;
	s11 =	smov.u32 s3;
	s3 =	sadd.s32 $0x80, s3  }
.Ltmp0:
0x3c: {  	[tilespmem:s26+$0xCD10] =	vst v0;
	(pc) =	sbr.rel @p0 .LBB2_2-.Ltmp0, $2  }
0x3d: {  	_ =	sdelay $0x2  }
0x3e: {  	s26 =	sshra.s32 s11, $0x2  }
0x3f: {  	[tilespmem:s26+$0xCD00] =	vst v0  }
0x40: {  	[tilespmem:s26+$0xCD10] =	vst v0;
	s3 =	rddreg [dreg:$0x6];
	s11 =	simm.s32 $0xCD00  }
0x41: {  	[spmem:s3] =	stream.linear.scatter [tilespmem:s11], [sflag:$0x11], $0xFA0, $0x38;
	[tilespmem:$0x13A60] =	vst v63  }
0x42: {  	_ =	swait.ge [sflag:s18], $0xFA0  }
0x43: {  	[sflag:s18] =	ssyncset.done $0x0  }
0x44: {  	s26 =	rddreg [dreg:$0x7];
	[sflag:s18] =	ssyncadd.s32 $0xFFFFF060  }
0x45: {  	[spmem:s26] =	stream.linear.scatter [tilespmem:s11], [sflag:$0x11], $0xFA0, $0x38;
	[tilespmem:$0x13A60] =	vst v63  }
0x46: {  	_ =	swait.ge [sflag:s18], $0xFA0  }
0x47: {  	[sflag:s18] =	ssyncset.done $0x0  }
0x48: {  	s26 =	rddreg [dreg:$0x8];
	[sflag:s18] =	ssyncadd.s32 $0xFFFFF060  }
0x49: {  	[spmem:s26] =	stream.linear.scatter [tilespmem:s11], [sflag:$0x11], $0xFA0, $0x38;
	[tilespmem:$0x13A60] =	vst v63  }
0x4a: {  	_ =	swait.ge [sflag:s18], $0xFA0  }
0x4b: {  	[sflag:s18] =	ssyncset.done $0x0  }
0x4c: {  	s26 =	rddreg [dreg:$0x9];
	[sflag:s18] =	ssyncadd.s32 $0xFFFFF060  }
0x4d: {  	[spmem:s26] =	stream.linear.scatter [tilespmem:s11], [sflag:$0x11], $0xFA0, $0x38;
	[tilespmem:$0x13A60] =	vst v63  }
0x4e: {  	_ =	swait.ge [sflag:s18], $0xFA0  }
0x4f: {  	[sflag:s18] =	ssyncset.done $0x0  }
0x50: {  	s26 =	rddreg [dreg:$0xa];
	[sflag:s18] =	ssyncadd.s32 $0xFFFFF060  }
0x51: {  	[spmem:s26] =	stream.linear.scatter [tilespmem:s11], [sflag:$0x11], $0xFA0, $0x38;
	[tilespmem:$0x13A60] =	vst v63  }
0x52: {  	_ =	swait.ge [sflag:s18], $0xFA0  }
0x53: {  	[sflag:s18] =	ssyncset.done $0x0  }
0x54: {  	[sflag:s18] =	ssyncadd.s32 $0xFFFFF060  }
0x55: {  	[bflag:$0x0] =	sbarrier.arrive $0xFFFF  }
0x56: {  	_ =	swait.ge [sflag:s29], $0xFA0  }
0x57: {  	[sflag:s29] =	ssyncset.done $0x0  }
0x58: {  	s26 =	simm.s32 $0x2800;
	[sflag:s29] =	ssyncadd.s32 $0xFFFFF060  }
0x59: {  	[spmem:s2] =	stream.indirect.scatter.add.bf16 [tilespmem:s21], [sflag:$0x9], $0x20, s26, s20, $0xb8;
	[tilespmem:$0x13A60] =	vst v63  }
0x5a: {  	_ =	swait.ge [sflag:s31], $0xFA0  }
0x5b: {  	[sflag:s31] =	ssyncset.done $0x0  }
0x5c: {  	s11 =	simm.s32 $0x2880;
	[sflag:s31] =	ssyncadd.s32 $0xFFFFF060  }
0x5d: {  	[spmem:s2] =	stream.indirect.scatter.add.bf16 [tilespmem:s23], [sflag:$0xA], $0x20, s11, s20, $0xb8;
	[tilespmem:$0x13A60] =	vst v63  }
0x5e: {  	_ =	swait.ge [sflag:s0], $0xFA0  }
0x5f: {  	[sflag:s0] =	ssyncset.done $0x0  }
0x60: {  	s26 =	simm.s32 $0x2900;
	[sflag:s0] =	ssyncadd.s32 $0xFFFFF060  }
0x61: {  	[spmem:s2] =	stream.indirect.scatter.add.bf16 [tilespmem:s25], [sflag:$0xB], $0x20, s26, s20, $0xb8;
	[tilespmem:$0x13A60] =	vst v63  }
0x62: {  	_ =	swait.ge [sflag:s22], $0xFA0  }
0x63: {  	[sflag:s22] =	ssyncset.done $0x0  }
0x64: {  	s11 =	simm.s32 $0x2980;
	[sflag:s22] =	ssyncadd.s32 $0xFFFFF060  }
0x65: {  	[spmem:s2] =	stream.indirect.scatter.add.bf16 [tilespmem:s28], [sflag:$0xC], $0x20, s11, s20, $0xb8;
	[tilespmem:$0x13A60] =	vst v63  }
0x66: {  	_ =	swait.ge [sflag:s5], $0xFA0  }
0x67: {  	[sflag:s5] =	ssyncset.done $0x0  }
0x68: {  	s26 =	simm.s32 $0x2A00;
	[sflag:s5] =	ssyncadd.s32 $0xFFFFF060  }
0x69: {  	[spmem:s2] =	stream.indirect.scatter.add.bf16 [tilespmem:s30], [sflag:$0xD], $0x20, s26, s20, $0xb8;
	[tilespmem:$0x13A60] =	vst v63  }
0x6a: {  	_ =	swait.ge [sflag:s6], $0xFA0  }
0x6b: {  	[sflag:s6] =	ssyncset.done $0x0  }
0x6c: {  	s11 =	simm.s32 $0x2A80;
	[sflag:s6] =	ssyncadd.s32 $0xFFFFF060  }
0x6d: {  	[spmem:s2] =	stream.indirect.scatter.add.bf16 [tilespmem:s1], [sflag:$0xE], $0x20, s11, s20, $0xb8;
	[tilespmem:$0x13A60] =	vst v63  }
0x6e: {  	_ =	swait.ge [sflag:s12], $0xFA0  }
0x6f: {  	[sflag:s12] =	ssyncset.done $0x0  }
0x70: {  	s26 =	simm.s32 $0x2B00;
	[sflag:s12] =	ssyncadd.s32 $0xFFFFF060  }
0x71: {  	[spmem:s2] =	stream.indirect.scatter.add.bf16 [tilespmem:s19], [sflag:$0xF], $0x20, s26, s20, $0xb8;
	[tilespmem:$0x13A60] =	vst v63  }
0x72: {  	_ =	swait.ge [sflag:s13], $0xFA0  }
0x73: {  	[sflag:s13] =	ssyncset.done $0x0  }
0x74: {  	s11 =	simm.s32 $0x2B80;
	[sflag:s13] =	ssyncadd.s32 $0xFFFFF060  }
0x75: {  	[spmem:s2] =	stream.indirect.scatter.add.bf16 [tilespmem:s24], [sflag:$0x10], $0x20, s11, s20, $0xb8;
	[tilespmem:$0x13A60] =	vst v63  }
0x76: {  	_ =	swait.ge [sflag:s14], $0xFA0  }
0x77: {  	[sflag:s14] =	ssyncset.done $0x0  }
0x78: {  	s26 =	simm.s32 $0x400;
	[sflag:s14] =	ssyncadd.s32 $0xFFFFF060  }
0x79: {  	[tilespmem:s21], [sflag:$0x1] =	stream.indirect.gather [hbm4b:s4+s20], $0x20, s26, s20, $0xb8;
	[tilespmem:$0x13A60] =	vst v63  }
0x7a: {  	_ =	swait.ge [sflag:s15], $0xFA0  }
0x7b: {  	[sflag:s15] =	ssyncset.done $0x0  }
0x7c: {  	s11 =	simm.s32 $0x480;
	[sflag:s15] =	ssyncadd.s32 $0xFFFFF060  }
0x7d: {  	[tilespmem:s23], [sflag:$0x2] =	stream.indirect.gather [hbm4b:s4+s20], $0x20, s11, s20, $0xb8;
	[tilespmem:$0x13A60] =	vst v63  }
0x7e: {  	_ =	swait.ge [sflag:s16], $0xFA0  }
0x7f: {  	[sflag:s16] =	ssyncset.done $0x0  }
0x80: {  	s26 =	simm.s32 $0x500;
	[sflag:s16] =	ssyncadd.s32 $0xFFFFF060  }
0x81: {  	[tilespmem:s25], [sflag:$0x3] =	stream.indirect.gather [hbm4b:s4+s20], $0x20, s26, s20, $0xb8;
	[tilespmem:$0x13A60] =	vst v63  }
0x82: {  	_ =	swait.ge [sflag:s17], $0xFA0  }
0x83: {  	[sflag:s17] =	ssyncset.done $0x0  }
0x84: {  	s11 =	simm.s32 $0x580;
	[sflag:s17] =	ssyncadd.s32 $0xFFFFF060  }
0x85: {  	[tilespmem:s28], [sflag:$0x4] =	stream.indirect.gather [hbm4b:s4+s20], $0x20, s11, s20, $0xb8;
	[tilespmem:$0x13A60] =	vst v63  }
0x86: {  	_ =	swait.ge [sflag:s7], $0xFA0  }
0x87: {  	[sflag:s7] =	ssyncset.done $0x0  }
0x88: {  	s26 =	simm.s32 $0x600;
	[sflag:s7] =	ssyncadd.s32 $0xFFFFF060  }
0x89: {  	[tilespmem:s30], [sflag:$0x5] =	stream.indirect.gather [hbm4b:s4+s20], $0x20, s26, s20, $0xb8;
	[tilespmem:$0x13A60] =	vst v63  }
0x8a: {  	_ =	swait.ge [sflag:s8], $0xFA0  }
0x8b: {  	[sflag:s8] =	ssyncset.done $0x0  }
0x8c: {  	s11 =	simm.s32 $0x680;
	[sflag:s8] =	ssyncadd.s32 $0xFFFFF060  }
0x8d: {  	[tilespmem:s1], [sflag:$0x6] =	stream.indirect.gather [hbm4b:s4+s20], $0x20, s11, s20, $0xb8;
	[tilespmem:$0x13A60] =	vst v63  }
0x8e: {  	_ =	swait.ge [sflag:s9], $0xFA0  }
0x8f: {  	[sflag:s9] =	ssyncset.done $0x0  }
0x90: {  	s26 =	simm.s32 $0x700;
	[sflag:s9] =	ssyncadd.s32 $0xFFFFF060  }
0x91: {  	[tilespmem:s19], [sflag:$0x7] =	stream.indirect.gather [hbm4b:s4+s20], $0x20, s26, s20, $0xb8;
	[tilespmem:$0x13A60] =	vst v63  }
0x92: {  	_ =	swait.ge [sflag:s10], $0xFA0  }
0x93: {  	[sflag:s10] =	ssyncset.done $0x0  }
0x94: {  	s3 =	simm.s32 $0x1000;
	s26 =	simm.s32 $0x780;
	[sflag:s10] =	ssyncadd.s32 $0xFFFFF060  }
.LBB2_4:
0x95: {  	[tilespmem:s24], [sflag:$0x8] =	stream.indirect.gather [hbm4b:s4+s20], $0x20, s26, s20, $0xb8;
	[tilespmem:$0x13A60] =	vst v63  }
0x96: {  	s11 =	smov.u32 s3  }
0x97: {  	p0 =	sne.s32 s3, $0x8000;
	s3 =	sadd.s32 $0x1000, s3;
	_ =	swait.ge [sflag:s29], $0xFA0  }
0x98: {  	s26 =	sshra.s32 s11, $0x2;
	[sflag:s29] =	ssyncset.done $0x0  }
0x99: {  	s11 =	sadd.s32 $0x2800, s26;
	[sflag:s29] =	ssyncadd.s32 $0xFFFFF060  }
0x9a: {  	[spmem:s2] =	stream.indirect.scatter.add.bf16 [tilespmem:s21], [sflag:$0x9], $0x20, s11, s20, $0xb8;
	[tilespmem:$0x13A60] =	vst v63  }
0x9b: {  	_ =	swait.ge [sflag:s31], $0xFA0  }
0x9c: {  	[sflag:s31] =	ssyncset.done $0x0  }
0x9d: {  	s11 =	sadd.s32 $0x2880, s26;
	[sflag:s31] =	ssyncadd.s32 $0xFFFFF060  }
0x9e: {  	[spmem:s2] =	stream.indirect.scatter.add.bf16 [tilespmem:s23], [sflag:$0xA], $0x20, s11, s20, $0xb8;
	[tilespmem:$0x13A60] =	vst v63  }
0x9f: {  	_ =	swait.ge [sflag:s0], $0xFA0  }
0xa0: {  	[sflag:s0] =	ssyncset.done $0x0  }
0xa1: {  	s11 =	sadd.s32 $0x2900, s26;
	[sflag:s0] =	ssyncadd.s32 $0xFFFFF060  }
0xa2: {  	[spmem:s2] =	stream.indirect.scatter.add.bf16 [tilespmem:s25], [sflag:$0xB], $0x20, s11, s20, $0xb8;
	[tilespmem:$0x13A60] =	vst v63  }
0xa3: {  	_ =	swait.ge [sflag:s22], $0xFA0  }
0xa4: {  	[sflag:s22] =	ssyncset.done $0x0  }
0xa5: {  	s11 =	sadd.s32 $0x2980, s26;
	[sflag:s22] =	ssyncadd.s32 $0xFFFFF060  }
0xa6: {  	[spmem:s2] =	stream.indirect.scatter.add.bf16 [tilespmem:s28], [sflag:$0xC], $0x20, s11, s20, $0xb8;
	[tilespmem:$0x13A60] =	vst v63  }
0xa7: {  	_ =	swait.ge [sflag:s5], $0xFA0  }
0xa8: {  	[sflag:s5] =	ssyncset.done $0x0  }
0xa9: {  	s11 =	sadd.s32 $0x2A00, s26;
	[sflag:s5] =	ssyncadd.s32 $0xFFFFF060  }
0xaa: {  	[spmem:s2] =	stream.indirect.scatter.add.bf16 [tilespmem:s30], [sflag:$0xD], $0x20, s11, s20, $0xb8;
	[tilespmem:$0x13A60] =	vst v63  }
0xab: {  	_ =	swait.ge [sflag:s6], $0xFA0  }
0xac: {  	[sflag:s6] =	ssyncset.done $0x0  }
0xad: {  	s11 =	sadd.s32 $0x2A80, s26;
	[sflag:s6] =	ssyncadd.s32 $0xFFFFF060  }
0xae: {  	[spmem:s2] =	stream.indirect.scatter.add.bf16 [tilespmem:s1], [sflag:$0xE], $0x20, s11, s20, $0xb8;
	[tilespmem:$0x13A60] =	vst v63  }
0xaf: {  	_ =	swait.ge [sflag:s12], $0xFA0  }
0xb0: {  	[sflag:s12] =	ssyncset.done $0x0  }
0xb1: {  	s11 =	sadd.s32 $0x2B00, s26;
	[sflag:s12] =	ssyncadd.s32 $0xFFFFF060  }
0xb2: {  	[spmem:s2] =	stream.indirect.scatter.add.bf16 [tilespmem:s19], [sflag:$0xF], $0x20, s11, s20, $0xb8;
	[tilespmem:$0x13A60] =	vst v63  }
0xb3: {  	_ =	swait.ge [sflag:s13], $0xFA0  }
0xb4: {  	[sflag:s13] =	ssyncset.done $0x0  }
0xb5: {  	s11 =	sadd.s32 $0x2B80, s26;
	[sflag:s13] =	ssyncadd.s32 $0xFFFFF060  }
0xb6: {  	[spmem:s2] =	stream.indirect.scatter.add.bf16 [tilespmem:s24], [sflag:$0x10], $0x20, s11, s20, $0xb8;
	[tilespmem:$0x13A60] =	vst v63  }
0xb7: {  	_ =	swait.ge [sflag:s14], $0xFA0  }
0xb8: {  	[sflag:s14] =	ssyncset.done $0x0  }
0xb9: {  	s11 =	sadd.s32 $0x400, s26;
	[sflag:s14] =	ssyncadd.s32 $0xFFFFF060  }
0xba: {  	[tilespmem:s21], [sflag:$0x1] =	stream.indirect.gather [hbm4b:s4+s20], $0x20, s11, s20, $0xb8;
	[tilespmem:$0x13A60] =	vst v63  }
0xbb: {  	_ =	swait.ge [sflag:s15], $0xFA0  }
0xbc: {  	[sflag:s15] =	ssyncset.done $0x0  }
0xbd: {  	s11 =	sadd.s32 $0x480, s26;
	[sflag:s15] =	ssyncadd.s32 $0xFFFFF060  }
0xbe: {  	[tilespmem:s23], [sflag:$0x2] =	stream.indirect.gather [hbm4b:s4+s20], $0x20, s11, s20, $0xb8;
	[tilespmem:$0x13A60] =	vst v63  }
0xbf: {  	_ =	swait.ge [sflag:s16], $0xFA0  }
0xc0: {  	[sflag:s16] =	ssyncset.done $0x0  }
0xc1: {  	s11 =	sadd.s32 $0x500, s26;
	[sflag:s16] =	ssyncadd.s32 $0xFFFFF060  }
0xc2: {  	[tilespmem:s25], [sflag:$0x3] =	stream.indirect.gather [hbm4b:s4+s20], $0x20, s11, s20, $0xb8;
	[tilespmem:$0x13A60] =	vst v63  }
0xc3: {  	_ =	swait.ge [sflag:s17], $0xFA0  }
0xc4: {  	[sflag:s17] =	ssyncset.done $0x0  }
0xc5: {  	s11 =	sadd.s32 $0x580, s26;
	[sflag:s17] =	ssyncadd.s32 $0xFFFFF060  }
0xc6: {  	[tilespmem:s28], [sflag:$0x4] =	stream.indirect.gather [hbm4b:s4+s20], $0x20, s11, s20, $0xb8;
	[tilespmem:$0x13A60] =	vst v63  }
0xc7: {  	_ =	swait.ge [sflag:s7], $0xFA0  }
0xc8: {  	[sflag:s7] =	ssyncset.done $0x0  }
0xc9: {  	s11 =	sadd.s32 $0x600, s26;
	[sflag:s7] =	ssyncadd.s32 $0xFFFFF060  }
0xca: {  	[tilespmem:s30], [sflag:$0x5] =	stream.indirect.gather [hbm4b:s4+s20], $0x20, s11, s20, $0xb8;
	[tilespmem:$0x13A60] =	vst v63  }
0xcb: {  	_ =	swait.ge [sflag:s8], $0xFA0  }
0xcc: {  	[sflag:s8] =	ssyncset.done $0x0  }
0xcd: {  	s11 =	sadd.s32 $0x680, s26;
	[sflag:s8] =	ssyncadd.s32 $0xFFFFF060  }
0xce: {  	[tilespmem:s1], [sflag:$0x6] =	stream.indirect.gather [hbm4b:s4+s20], $0x20, s11, s20, $0xb8;
	[tilespmem:$0x13A60] =	vst v63  }
0xcf: {  	_ =	swait.ge [sflag:s9], $0xFA0  }
0xd0: {  	[sflag:s9] =	ssyncset.done $0x0  }
.Ltmp1:
0xd1: {  	s11 =	sadd.s32 $0x700, s26;
	[sflag:s9] =	ssyncadd.s32 $0xFFFFF060;
	(pc) =	sbr.rel @p0 .LBB2_4-.Ltmp1, $4  }
0xd2: {  	[tilespmem:s19], [sflag:$0x7] =	stream.indirect.gather [hbm4b:s4+s20], $0x20, s11, s20, $0xb8;
	[tilespmem:$0x13A60] =	vst v63  }
0xd3: {  	_ =	swait.ge [sflag:s10], $0xFA0  }
0xd4: {  	[sflag:s10] =	ssyncset.done $0x0  }
0xd5: {  	s26 =	sadd.s32 $0x780, s26;
	[sflag:s10] =	ssyncadd.s32 $0xFFFFF060  }
0xd6: {  	[tilespmem:s24], [sflag:$0x8] =	stream.indirect.gather [hbm4b:s4+s20], $0x20, s26, s20, $0xb8;
	[tilespmem:$0x13A60] =	vst v63  }
0xd7: {  	_ =	swait.ge [sflag:s29], $0xFA0  }
0xd8: {  	[sflag:s29] =	ssyncset.done $0x0  }
0xd9: {  	s3 =	simm.s32 $0x4C00;
	[sflag:s29] =	ssyncadd.s32 $0xFFFFF060  }
0xda: {  	[spmem:s2] =	stream.indirect.scatter.add.bf16 [tilespmem:s21], [sflag:$0x9], $0x20, s3, s20, $0xb8;
	[tilespmem:$0x13A60] =	vst v63  }
0xdb: {  	_ =	swait.ge [sflag:s31], $0xFA0  }
0xdc: {  	[sflag:s31] =	ssyncset.done $0x0  }
0xdd: {  	s26 =	simm.s32 $0x4C80;
	[sflag:s31] =	ssyncadd.s32 $0xFFFFF060  }
0xde: {  	[spmem:s2] =	stream.indirect.scatter.add.bf16 [tilespmem:s23], [sflag:$0xA], $0x20, s26, s20, $0xb8;
	[tilespmem:$0x13A60] =	vst v63  }
0xdf: {  	_ =	swait.ge [sflag:s0], $0xFA0  }
0xe0: {  	[sflag:s0] =	ssyncset.done $0x0  }
0xe1: {  	s11 =	simm.s32 $0x4D00;
	[sflag:s0] =	ssyncadd.s32 $0xFFFFF060  }
0xe2: {  	[spmem:s2] =	stream.indirect.scatter.add.bf16 [tilespmem:s25], [sflag:$0xB], $0x20, s11, s20, $0xb8;
	[tilespmem:$0x13A60] =	vst v63  }
0xe3: {  	_ =	swait.ge [sflag:s22], $0xFA0  }
0xe4: {  	[sflag:s22] =	ssyncset.done $0x0  }
0xe5: {  	s26 =	simm.s32 $0x4D80;
	[sflag:s22] =	ssyncadd.s32 $0xFFFFF060  }
0xe6: {  	[spmem:s2] =	stream.indirect.scatter.add.bf16 [tilespmem:s28], [sflag:$0xC], $0x20, s26, s20, $0xb8;
	[tilespmem:$0x13A60] =	vst v63  }
0xe7: {  	_ =	swait.ge [sflag:s5], $0xFA0  }
0xe8: {  	[sflag:s5] =	ssyncset.done $0x0  }
0xe9: {  	s11 =	simm.s32 $0x4E00;
	[sflag:s5] =	ssyncadd.s32 $0xFFFFF060  }
0xea: {  	[spmem:s2] =	stream.indirect.scatter.add.bf16 [tilespmem:s30], [sflag:$0xD], $0x20, s11, s20, $0xb8;
	[tilespmem:$0x13A60] =	vst v63  }
0xeb: {  	_ =	swait.ge [sflag:s6], $0xFA0  }
0xec: {  	[sflag:s6] =	ssyncset.done $0x0  }
0xed: {  	s26 =	simm.s32 $0x4E80;
	[sflag:s6] =	ssyncadd.s32 $0xFFFFF060  }
0xee: {  	[spmem:s2] =	stream.indirect.scatter.add.bf16 [tilespmem:s1], [sflag:$0xE], $0x20, s26, s20, $0xb8;
	[tilespmem:$0x13A60] =	vst v63  }
0xef: {  	_ =	swait.ge [sflag:s12], $0xFA0  }
0xf0: {  	[sflag:s12] =	ssyncset.done $0x0  }
0xf1: {  	s11 =	simm.s32 $0x4F00;
	[sflag:s12] =	ssyncadd.s32 $0xFFFFF060  }
0xf2: {  	[spmem:s2] =	stream.indirect.scatter.add.bf16 [tilespmem:s19], [sflag:$0xF], $0x20, s11, s20, $0xb8;
	[tilespmem:$0x13A60] =	vst v63  }
0xf3: {  	_ =	swait.ge [sflag:s13], $0xFA0  }
0xf4: {  	[sflag:s13] =	ssyncset.done $0x0  }
0xf5: {  	s26 =	simm.s32 $0x4F80;
	[sflag:s13] =	ssyncadd.s32 $0xFFFFF060  }
0xf6: {  	[spmem:s2] =	stream.indirect.scatter.add.bf16 [tilespmem:s24], [sflag:$0x10], $0x20, s26, s20, $0xb8;
	[tilespmem:$0x13A60] =	vst v63  }
0xf7: {  	_ =	swait.ge [sflag:s14], $0xFA0  }
0xf8: {  	[sflag:s14] =	ssyncset.done $0x0  }
0xf9: {  	[sflag:s14] =	ssyncadd.s32 $0xFFFFF060  }
0xfa: {  	_ =	swait.ge [sflag:s15], $0xFA0  }
0xfb: {  	[sflag:s15] =	ssyncset.done $0x0  }
0xfc: {  	[sflag:s15] =	ssyncadd.s32 $0xFFFFF060  }
0xfd: {  	_ =	swait.ge [sflag:s16], $0xFA0  }
0xfe: {  	[sflag:s16] =	ssyncset.done $0x0  }
0xff: {  	[sflag:s16] =	ssyncadd.s32 $0xFFFFF060  }
0x100: {  	_ =	swait.ge [sflag:s17], $0xFA0  }
0x101: {  	[sflag:s17] =	ssyncset.done $0x0  }
0x102: {  	[sflag:s17] =	ssyncadd.s32 $0xFFFFF060  }
0x103: {  	_ =	swait.ge [sflag:s7], $0xFA0  }
0x104: {  	[sflag:s7] =	ssyncset.done $0x0  }
0x105: {  	[sflag:s7] =	ssyncadd.s32 $0xFFFFF060  }
0x106: {  	_ =	swait.ge [sflag:s8], $0xFA0  }
0x107: {  	[sflag:s8] =	ssyncset.done $0x0  }
0x108: {  	[sflag:s8] =	ssyncadd.s32 $0xFFFFF060  }
0x109: {  	_ =	swait.ge [sflag:s9], $0xFA0  }
0x10a: {  	[sflag:s9] =	ssyncset.done $0x0  }
0x10b: {  	[sflag:s9] =	ssyncadd.s32 $0xFFFFF060  }
0x10c: {  	_ =	swait.ge [sflag:s10], $0xFA0  }
0x10d: {  	[sflag:s10] =	ssyncset.done $0x0  }
0x10e: {  	[sflag:s10] =	ssyncadd.s32 $0xFFFFF060  }
0x10f: {  	[bflag:$0x0] =	sbarrier.arrive $0xFFFF  }
0x110: {  	s26 =	simm.s32 $0xCD00;
	s11 =	rddreg [dreg:$0x6]  }
0x111: {  	[tilespmem:s26], [sflag:$0x11] =	stream.linear.gather [spmem:s11], $0xFA0, $0x38;
	[tilespmem:$0x13A60] =	vst v63  }
0x112: {  	_ =	swait.ge [sflag:s18], $0xFA0  }
0x113: {  	[sflag:s18] =	ssyncset.done $0x0  }
0x114: {  	s11 =	simm.s32 $0x0;
	[sflag:s18] =	ssyncadd.s32 $0xFFFFF060;
	s18 =	rddreg [dreg:$0xb]  }
0x115: {  	[hbm4b:s18+s11] =	stream.linear.scatter [tilespmem:s26], [sflag:$0x1], $0xFA0, $0x38;
	[tilespmem:$0x13A60] =	vst v63  }
0x116: {  	s18 =	rddreg [dreg:$0x7];
	s11 =	simm.s32 $0x11;
	s26 =	simm.s32 $0xDCA0  }
0x117: {  	[tilespmem:s26], [sflag:$0x11] =	stream.linear.gather [spmem:s18], $0xFA0, $0x38;
	[tilespmem:$0x13A60] =	vst v63  }
0x118: {  	_ =	swait.ge [sflag:s11], $0xFA0  }
0x119: {  	s18 =	simm.s32 $0x0;
	[sflag:s11] =	ssyncset.done $0x0  }
0x11a: {  	s26 =	simm.s32 $0xDCA0;
	s3 =	rddreg [dreg:$0xc];
	[sflag:s11] =	ssyncadd.s32 $0xFFFFF060  }
0x11b: {  	[hbm4b:s3+s18] =	stream.linear.scatter [tilespmem:s26], [sflag:$0x2], $0xFA0, $0x38;
	[tilespmem:$0x13A60] =	vst v63  }
0x11c: {  	_ =	swait.ge [sflag:s29], $0xFA0  }
0x11d: {  	[sflag:s29] =	ssyncset.done $0x0  }
0x11e: {  	s26 =	simm.s32 $0xCD00;
	s3 =	rddreg [dreg:$0x8];
	[sflag:s29] =	ssyncadd.s32 $0xFFFFF060  }
0x11f: {  	[tilespmem:s26], [sflag:$0x11] =	stream.linear.gather [spmem:s3], $0xFA0, $0x38;
	[tilespmem:$0x13A60] =	vst v63  }
0x120: {  	_ =	swait.ge [sflag:s11], $0xFA0  }
0x121: {  	[sflag:s11] =	ssyncset.done $0x0  }
0x122: {  	s18 =	simm.s32 $0x0;
	s3 =	rddreg [dreg:$0xd];
	[sflag:s11] =	ssyncadd.s32 $0xFFFFF060  }
0x123: {  	[hbm4b:s3+s18] =	stream.linear.scatter [tilespmem:s26], [sflag:$0x1], $0xFA0, $0x38;
	[tilespmem:$0x13A60] =	vst v63  }
0x124: {  	_ =	swait.ge [sflag:s31], $0xFA0  }
0x125: {  	[sflag:s31] =	ssyncset.done $0x0  }
0x126: {  	s18 =	simm.s32 $0xDCA0;
	s3 =	rddreg [dreg:$0x9];
	[sflag:s31] =	ssyncadd.s32 $0xFFFFF060  }
0x127: {  	[tilespmem:s18], [sflag:$0x11] =	stream.linear.gather [spmem:s3], $0xFA0, $0x38;
	[tilespmem:$0x13A60] =	vst v63  }
0x128: {  	_ =	swait.ge [sflag:s11], $0xFA0  }
0x129: {  	[sflag:s11] =	ssyncset.done $0x0  }
0x12a: {  	s3 =	rddreg [dreg:$0xe];
	[sflag:s11] =	ssyncadd.s32 $0xFFFFF060;
	s11 =	simm.s32 $0x0  }
0x12b: {  	[hbm4b:s3+s11] =	stream.linear.scatter [tilespmem:s18], [sflag:$0x2], $0xFA0, $0x38;
	[tilespmem:$0x13A60] =	vst v63  }
0x12c: {  	_ =	swait.ge [sflag:s29], $0xFA0  }
0x12d: {  	s26 =	simm.s32 $0xCD00;
	[sflag:s29] =	ssyncset.done $0x0  }
0x12e: {  	s18 =	simm.s32 $0x11;
	s3 =	rddreg [dreg:$0xa];
	[sflag:s29] =	ssyncadd.s32 $0xFFFFF060  }
0x12f: {  	[tilespmem:s26], [sflag:$0x11] =	stream.linear.gather [spmem:s3], $0xFA0, $0x38;
	[tilespmem:$0x13A60] =	vst v63  }
0x130: {  	_ =	swait.ge [sflag:s18], $0xFA0  }
0x131: {  	[sflag:s18] =	ssyncset.done $0x0  }
0x132: {  	s3 =	rddreg [dreg:$0xf];
	[sflag:s18] =	ssyncadd.s32 $0xFFFFF060  }
0x133: {  	[hbm4b:s3+s11] =	stream.linear.scatter [tilespmem:s26], [sflag:$0x1], $0xFA0, $0x38;
	[tilespmem:$0x13A60] =	vst v63  }
0x134: {  	_ =	swait.ge [sflag:s31], $0xFA0  }
0x135: {  	[sflag:s31] =	ssyncset.done $0x0  }
0x136: {  	[sflag:s31] =	ssyncadd.s32 $0xFFFFF060  }
0x137: {  	_ =	swait.ge [sflag:s29], $0xFA0  }
0x138: {  	s3 =	rddreg [dreg:$0x11]  }
0x139: {  	s11 =	sadd.s32 $0x1, s3;
	s3 =	rddreg [dreg:$0x10]  }
0x13a: {  	p0 =	sne.s32 s11, s3  }
.Ltmp2:
0x13b: {  	_ = 	snop;
	(pc) =	sbr.rel @p0 .LBB2_1-.Ltmp2, $3  }
0x13c: {  	_ =	sdelay $0x1  }
0x13d: {  	[sflag:s29] =	ssyncset.done $0x0  }
0x13e: {  	s26 =	simm.s32 $0x0;
	[sflag:s29] =	ssyncadd.s32 $0xFFFFF060  }
0x13f: {  	_ =	sfence.sel $0x180000  }
0x140: {  	[bflag:$0x0] =	sbarrier.arrive $0xFFFF  }
0x141: {  	_ =	strace $0x9000004A  }
0x142: {  	s0 =	stileid.u32;
	[bflag:$0x2] =	sbarrier.arrive $0xFFFF  }
0x143: {  	p0 =	sne.s32 s0, $0x0;
	s0 =	rddreg [dreg:$0x3]  }
0x144: {  	s0 =	sadd.s32 @!p0 $0x100000, s0  }
0x145: {  	[sflag:s0] =	ssyncadd.tile.s32 @!p0 $0x1;
	_ =	shalt  }
.Lfunc_end2:
_tile_overlayer_lowered:
.L_overlay_start_2:
0x146: {  	(tag) =	ssettag $0x2  }
0x147: {  	s0 =	rddreg [dreg:$0x0];
	s2 =	stileid.u32  }
0x148: {  	s1 =	rddreg [dreg:$0x1];
	p0 =	sne.s32 s2, $0x0  }
0x149: {  	s3 =	rddreg [dreg:$0x2];
	[bflag:$0x3] =	sbarrier.arrive $0xFFFF;
	s2 =	simm.s32 @!p0 $0x1C11  }
0x14a: {  	[timem:s3], [sflag:s2] =	dma.local @!p0 [hbm:s0], s1  }
0x14b: {  	s0 =	simm.s32 @!p0 $0x11  }
0x14c: {  	_ =	swait.ge @!p0 [sflag:s0], s1  }
0x14d: {  	s1 =	ssub.s32 @!p0 $0x0, s1;
	[sflag:s0] =	ssyncset.done @!p0 $0x0  }
0x14e: {  	[sflag:s0] =	ssyncadd.s32 @!p0 s1  }
0x14f: {  	[bflag:$0x3] =	sbarrier.arrive $0xFFFF  }
0x150: {  	_ =	shalt  }

// kernel: kernel.7.cloned.1.call-start
scs
__scs_entry_jumppad:
0x0: {  	(pc) =	sbr.rel $0x88, $3  }
0x1: {  	(tag) =	ssettag $0x0;
	lr =	simm.s32 $0x1  }
0x2: {  	[smem:$0x3F99] =	sst lr;
	_ =	strace $0xD0000000  }
0x3: {  	_ = 	snop  }
0x4: {  	_ = 	snop  }
0x5: {  	_ = 	snop  }
0x6: {  	_ = 	snop  }
0x7: {  	_ = 	snop  }
__scs_overlays_trampoline_lowered:
0x8: {  	[smem:$0x3FA8] =	sst s0  }
0x9: {  	[smem:$0x3FA9] =	sst s1  }
0xa: {  	[smem:$0x3FAA] =	sst s2  }
0xb: {  	[smem:$0x3FAB] =	sst s3  }
0xc: {  	[smem:$0x3FAC] =	sst s4  }
0xd: {  	[smem:$0x3FAD] =	sst s5  }
0xe: {  	[smem:$0x3FAE] =	sst s6  }
0xf: {  	[smem:$0x3FAF] =	sst s7  }
0x10: {  	[smem:$0x3FB0] =	sst s8  }
0x11: {  	[smem:$0x3FB1] =	sst s9;
	s0 =	simm.s32 @!p0 $0x0  }
0x12: {  	s1 =	sld [smem:$0x3F97];
	s0 =	simm.s32 @p0 $0x1  }
0x13: {  	[smem:$0x3FB2] =	sst s0;
	s0 =	simm.s32 @!p1 $0x0  }
0x14: {  	s2 =	sld [smem:$0x3F96];
	s0 =	simm.s32 @p1 $0x1  }
0x15: {  	[smem:$0x3FB3] =	sst s0;
	s0 =	simm.s32 @!p2 $0x0  }
0x16: {  	s3 =	sld [smem:$0x3FDB];
	s0 =	simm.s32 @p2 $0x1  }
0x17: {  	s4 =	simm.s32 $0x1BF5;
	[smem:$0x3FB5] =	sst s0  }
0x18: {  	s0 =	sld [smem:$0x3F98];
	_ =	swait.ge [sflag:s4], $0x0  }
0x19: {  	s7 =	sld [smem:$0x3F99]  }
0x1a: {  	s8 =	sadd.s32 $0xFFFFE003, lr  }
0x1b: {  	s9 =	sadd.s32 $0xFFFFFEF7, lr;
	s5 =	simm.s32 $0xFFFFFFFF;
	p2 =	slt.u32 s8, $0xFFFFF086  }
0x1c: {  	p1 =	slt.u32 s9, $0xF7A;
	s5 =	simm.s32 @!p2 $0x0  }
0x1d: {  	s5 =	simm.s32 @p1 $0x1;
	p0 =	seq.s32 s7, s2  }
0x1e: {  	s7 =	smul.u32 @!p0 $0xF7A, s2;
	p2 =	seq.s32 @!p0 s5, $0x0  }
0x1f: {  	s9 =	smul.u32 $0xF7A, s1;
	s8 =	simm.s32 @!p0 $0x1BF5;
	p2 =	por !p2, p0  }
0x20: {  	[sflag:s8] =	ssyncset.s32 @!p0 $0xFFFFF086;
	s6 =	sadd.s32 @!p0 s3, s7;
	s7 =	simm.s32 @!p0 $0x108  }
0x21: {  	s3 =	sadd.s32 s3, s9;
	s6 =	sadd.s32 @!p0 $0x88, s6;
	s7 =	simm.s32 @p2 $0x1082  }
0x22: {  	[simem:s7], [sflag:s8] =	dma.local @!p0 [hbm:s6], $0xF7A  }
0x23: {  	s9 =	sor.u32 $0xD0000000, s2;
	s6 =	simm.s32 $0x108;
	_ =	swait.ge @!p0 [sflag:s8], $0x0  }
0x24: {  	s3 =	sadd.s32 $0x88, s3;
	s6 =	simm.s32 @!p1 $0x1082;
	[sflag:s4] =	ssyncset.s32 $0xFFFFF086  }
0x25: {  	[simem:s6], [sflag:s4] =	dma.local [hbm:s3], $0xF7A  }
0x26: {  	[smem:$0x3F99] =	sst s1;
	(tag) =	ssettag s2;
	_ =	strace s9  }
0x27: {  	s1 =	sld [smem:$0x3FA9]  }
0x28: {  	s2 =	sld [smem:$0x3FAA]  }
0x29: {  	s4 =	sld [smem:$0x3FAC]  }
0x2a: {  	p0 =	seq.s32 s5, $0x0;
	s5 =	sld [smem:$0x3FAD]  }
0x2b: {  	s6 =	sld [smem:$0x3FAE]  }
0x2c: {  	s7 =	sld [smem:$0x3FAF]  }
0x2d: {  	s3 =	simm.s32 $0x108;
	s8 =	sld [smem:$0x3FB0]  }
0x2e: {  	s3 =	simm.s32 @!p0 $0x1082;
	s9 =	sld [smem:$0x3FB1]  }
0x2f: {  	lr =	sadd.s32 s0, s3;
	s0 =	sld [smem:$0x3FA8]  }
0x30: {  	s3 =	sld [smem:$0x3FAB]  }
0x31: {  	[smem:$0x3FB4] =	sst s10  }
0x32: {  	s10 =	sld [smem:$0x3FB2];
	_ =	sdelay $0x3  }
0x33: {  	p0 =	seq.s32 s10, $0x1;
	s10 =	sld [smem:$0x3FB4];
	_ =	sdelay $0x3  }
0x34: {  	[smem:$0x3FB4] =	sst s10  }
0x35: {  	s10 =	sld [smem:$0x3FB3];
	_ =	sdelay $0x3  }
0x36: {  	p1 =	seq.s32 s10, $0x1;
	s10 =	sld [smem:$0x3FB4];
	_ =	sdelay $0x3  }
0x37: {  	[smem:$0x3FB4] =	sst s10  }
0x38: {  	s10 =	sld [smem:$0x3FB5]  }
0x39: {  	_ = 	snop;
	(pc) =	sbr.ind lr, $3  }
0x3a: {  	_ = 	snop  }
0x3b: {  	_ = 	snop  }
0x3c: {  	p2 =	seq.s32 s10, $0x1;
	s10 =	sld [smem:$0x3FB4]  }
0x3d: {  	_ =	shalt  }
0x3e: {  	_ =	shalt  }
0x3f: {  	_ =	shalt  }
0x40: {  	_ =	shalt  }
0x41: {  	_ =	shalt  }
0x42: {  	_ =	shalt  }
0x43: {  	_ =	shalt  }
0x44: {  	_ =	shalt  }
0x45: {  	_ =	shalt  }
0x46: {  	_ =	shalt  }
0x47: {  	_ =	shalt  }
0x48: {  	_ =	shalt  }
0x49: {  	_ =	shalt  }
0x4a: {  	_ =	shalt  }
0x4b: {  	_ =	shalt  }
0x4c: {  	_ =	shalt  }
0x4d: {  	_ =	shalt  }
0x4e: {  	_ =	shalt  }
0x4f: {  	_ =	shalt  }
0x50: {  	_ =	shalt  }
0x51: {  	_ =	shalt  }
0x52: {  	_ =	shalt  }
0x53: {  	_ =	shalt  }
0x54: {  	_ =	shalt  }
0x55: {  	_ =	shalt  }
0x56: {  	_ =	shalt  }
0x57: {  	_ =	shalt  }
0x58: {  	_ =	shalt  }
0x59: {  	_ =	shalt  }
0x5a: {  	_ =	shalt  }
0x5b: {  	_ =	shalt  }
0x5c: {  	_ =	shalt  }
0x5d: {  	_ =	shalt  }
0x5e: {  	_ =	shalt  }
0x5f: {  	_ =	shalt  }
0x60: {  	_ =	shalt  }
0x61: {  	_ =	shalt  }
0x62: {  	_ =	shalt  }
0x63: {  	_ =	shalt  }
0x64: {  	_ =	shalt  }
0x65: {  	_ =	shalt  }
0x66: {  	_ =	shalt  }
0x67: {  	_ =	shalt  }
0x68: {  	_ =	shalt  }
0x69: {  	_ =	shalt  }
0x6a: {  	_ =	shalt  }
0x6b: {  	_ =	shalt  }
0x6c: {  	_ =	shalt  }
0x6d: {  	_ =	shalt  }
0x6e: {  	_ =	shalt  }
0x6f: {  	_ =	shalt  }
0x70: {  	_ =	shalt  }
0x71: {  	_ =	shalt  }
0x72: {  	_ =	shalt  }
0x73: {  	_ =	shalt  }
0x74: {  	_ =	shalt  }
0x75: {  	_ =	shalt  }
0x76: {  	_ =	shalt  }
0x77: {  	_ =	shalt  }
0x78: {  	_ =	shalt  }
0x79: {  	_ =	shalt  }
0x7a: {  	_ =	shalt  }
0x7b: {  	_ =	shalt  }
0x7c: {  	_ =	shalt  }
0x7d: {  	_ =	shalt  }
0x7e: {  	_ =	shalt  }
0x7f: {  	_ =	shalt  }
0x80: {  	_ =	shalt  }
0x81: {  	_ =	shalt  }
0x82: {  	_ =	shalt  }
0x83: {  	_ =	shalt  }
0x84: {  	_ =	shalt  }
0x85: {  	_ =	shalt  }
0x86: {  	_ =	shalt  }
0x87: {  	_ =	shalt  }
.Lfunc_end0:
.L_simem_size_0:
called_computation_lowered:
.L_overlay_start_0:
0x88: {  	s2 =	sld [smem:$0x3FD9]  }
0x89: {  	s3 =	sld [smem:$0x3FFE];
	_ =	sdelay $0x1  }
0x8a: {  	s1 =	srdreg.scid  }
0x8b: {  	s0 =	sand.u32 $0x1, s1  }
0x8c: {  	s17 =	sshll.u32 s0, $0xA;
	s2 =	sadd.s32 s3, s2  }
0x8d: {  	s2 =	sadd.s32 s2, s17  }
0x8e: {  	[smem:$0x3FC0] =	sst s2  }
0x8f: {  	_ = 	snop  }
0x90: {  	s2 =	sld [smem:$0x3FD0];
	(tm) =	ssettm $0x1  }
0x91: {  	s18 =	sld [smem:$0x3FFB];
	_ =	sdelay $0x3  }
0x92: {  	_ =	strace s18  }
0x93: {  	s3 =	sld [smem:$0x3FFC];
	_ =	sdelay $0x3  }
0x94: {  	_ =	strace s3  }
0x95: {  	s3 =	sld [smem:$0x3FFD];
	_ =	sdelay $0x3  }
0x96: {  	_ =	strace s3  }
0x97: {  	_ =	strace $0x8FFFFFFF  }
0x98: {  	s19 =	sld [smem:$0x3FDB];
	_ =	sdelay $0x1  }
0x99: {  	s4 =	simm.s32 $_scs_section_size  }
0x9a: {  	s5 =	simm.s32 $_size__tile_overlayer_lowered;
	s6 =	simm.s32 $_tile_overlayer_lowered  }
0x9b: {  	s22 =	simm.s32 $0x1BFF;
	s21 =	sshll.u32 s6, $0x1;
	s3 =	sadd.s32 s4, s19  }
0x9c: {  	s7 =	simm.s32 $0x0;
	s20 =	sshll.u32 s5, $0x1;
	s5 =	sadd.s32 s21, s3  }
0x9d: {  	[timem:s7], [sflag:s22] =	dma.local [hbm:s5], s20  }
0x9e: {  	_ =	swait.ge [sflag:s22], s20  }
0x9f: {  	s4 =	ssub.s32 $0x0, s20;
	[sflag:s22] =	ssyncset.done $0x0  }
0xa0: {  	[sflag:s22] =	ssyncadd.s32 s4;
	_ =	sdelay $0x1  }
0xa1: {  	s23 =	simm.s32 $0x1B8B  }
0xa2: {  	_ =	swait.ge [sflag:s23], $0x1  }
0xa3: {  	[sflag:s23] =	ssyncset.done $0x0  }
0xa4: {  	s25 =	simm.s32 $0x1B8E;
	s24 =	sld [smem:$0x3FFE];
	[sflag:s23] =	ssyncadd.s32 $0xFFFFFFFF  }
0xa5: {  	s26 =	simm.s32 $execute0_lowered;
	[smem:$0x3FD2] =	sst s25  }
0xa6: {  	s5 =	sshll.u32 s26, $0x1;
	_ =	strace $0x80000046;
	[dreg:$0x1] =	wrdreg $0xFFFFFFFF  }
0xa7: {  	s28 =	simm.s32 $_size_execute0_lowered;
	s3 =	sadd.s32 s3, s5;
	[dreg:$0x0] =	wrdreg $0x0  }
0xa8: {  	s5 =	sshll.u32 s28, $0x1;
	[dreg:$0x2] =	wrdreg s3  }
0xa9: {  	[dreg:$0x3] =	wrdreg s5  }
0xaa: {  	[dreg:$0x4] =	wrdreg $0xC0  }
0xab: {  	_ =	task [dreg:s7], $0x5FFFF  }
0xac: {  	[dreg:$0x1] =	wrdreg $0xFFFFFFFF  }
0xad: {  	[dreg:$0x0] =	wrdreg $0x60  }
0xae: {  	[dreg:$0x2] =	wrdreg s2  }
0xaf: {  	[dreg:$0x3] =	wrdreg s24  }
0xb0: {  	[dreg:$0x4] =	wrdreg $0x13A600  }
0xb1: {  	[dreg:$0x5] =	wrdreg $0x9  }
0xb2: {  	_ =	task.clear_ibuf [dreg:s7], $0x6FFFF;
	_ =	strace $0x90000046  }
0xb3: {  	s29 =	simm.s32 $0x9;
	_ =	strace $0x80000048  }
0xb4: {  	_ =	swait.ge [sflag:s29], $0x1  }
0xb5: {  	[sflag:s29] =	ssyncadd.s32 $0xFFFFFFFF  }
0xb6: {  	_ =	strace $0x90000048  }
0xb7: {  	_ =	sfence  }
0xb8: {  	s30 =	sld [smem:$0x0];
	_ =	sdelay $0x2  }
0xb9: {  	s31 =	sshll.u32 s1, $0xD;
	s1 =	sshrl.u32 s1, $0x2  }
0xba: {  	s3 =	sand.u32 $0x4000, s31;
	s1 =	sadd.s32 s1, s30  }
0xbb: {  	s0 =	sor.u32 s3, s0;
	s1 =	sshll.u32 s1, $0x11  }
0xbc: {  	s0 =	sor.u32 s1, s0  }
0xbd: {  	s0 =	sadd.s32 $0x8F2B, s0  }
0xbe: {  	[sflag:s0] =	ssyncadd.remote.s32 $0x1  }
0xbf: {  	_ =	sfence.sel $0xFFFF  }
0xc0: {  	[dreg:$0x0] =	wrdreg $0xFFFFFFFF;
	(pc) =	sbr.abs _section_cstart, $3  }
0xc1: {  	[dreg:$0x1] =	wrdreg $0xFFFFFFFF  }
0xc2: {  	_ =	task.clear_ibuf [dreg:s7], $0x2FFFF;
	_ =	strace $0x9FFFFFFF  }
0xc3: {  	(tm) =	ssettm $0x7FFFFFFF  }
tec
execute0_lowered:
.L_overlay_start_1:
0x0: {  	(tag) =	ssettag $0x1  }
0x1: {  	s1 =	rddreg [dreg:$0x0]  }
0x2: {  	s0 =	rddreg [dreg:$0x1];
	s2 =	srdreg.scid  }
0x3: {  	s7 =	stileid.u32;
	s3 =	rddreg [dreg:$0x2]  }
0x4: {  	s26 =	simm.s32 $0x0;
	s28 =	simm.s32 $0x9650;
	s30 =	simm.s32 $0xADC0  }
0x5: {  	s29 =	simm.s32 $0x1;
	s31 =	simm.s32 $0x2;
	s12 =	simm.s32 $0x7  }
0x6: {  	s13 =	simm.s32 $0x8;
	s11 =	simm.s32 $0x0;
	s2 =	sand.u32 $0x1, s2  }
0x7: {  	s4 =	sshll.u32 s7, $0x1;
	[smem:$0x7FF] =	sst s26;
	s7 =	smul.u32 $0xEA60, s7  }
0x8: {  	s4 =	sor.u32 s2, s4;
	s5 =	ssub.s32 $0x2, s2;
	s2 =	smul.u32 $0xEA600, s2  }
0x9: {  	_ =	strace $0x80000047;
	s4 =	smul.u32 $0x2800, s4;
	s6 =	sshrl.u32 s5, $0x1  }
0xa: {  	s15 =	sshrl.u32 s7, $0x1;
	s8 =	sadd.s32 $0x2EE0, s7;
	s18 =	sadd.s32 $0x5DC0, s7  }
0xb: {  	s19 =	sadd.s32 $0x8CA0, s7;
	s21 =	sadd.s32 $0xBB80, s7;
	s5 =	ssub.s32 s5, s6  }
0xc: {  	s16 =	sadd.s32 s15, s3;
	s17 =	sshrl.u32 s8, $0x1;
	s9 =	sshrl.u32 s18, $0x1  }
0xd: {  	s10 =	sshrl.u32 s19, $0x1;
	s22 =	sshrl.u32 s21, $0x1;
	s7 =	sadd.s32 s7, s2  }
0xe: {  	s8 =	sadd.s32 s2, s8;
	s6 =	sadd.s32 s2, s19;
	s19 =	simm.s32 $0xDCA0  }
0xf: {  	s15 =	simm.s32 $0xA;
	s4 =	sshrl.u32 s4, $0x3;
	[dreg:$0x6] =	wrdreg s16  }
0x10: {  	s9 =	sadd.s32 s9, s3;
	s20 =	sadd.s32 s10, s3;
	s10 =	sadd.s32 s22, s3  }
0x11: {  	s7 =	sshrl.u32 s7, $0x4;
	s8 =	sshrl.u32 s8, $0x4;
	s24 =	sshrl.u32 s6, $0x4  }
0x12: {  	s25 =	smax.u32 s5, $0x1;
	s22 =	simm.s32 $0x4;
	[dreg:$0x8] =	wrdreg s9  }
0x13: {  	s5 =	simm.s32 $0x5;
	s6 =	simm.s32 $0x6;
	[dreg:$0x9] =	wrdreg s20  }
0x14: {  	s16 =	simm.s32 $0xB;
	s4 =	sadd.s32 s4, s0;
	[dreg:$0xa] =	wrdreg s10  }
0x15: {  	s0 =	sadd.s32 $0x3CA00, s0;
	[dreg:$0x10] =	wrdreg s25;
	s20 =	simm.s32 $0x7D  }
0x16: {  	s25 =	simm.s32 $0x7EE0;
	s9 =	simm.s32 $0xF;
	s14 =	sadd.s32 $0x28A00, s4  }
0x17: {  	s10 =	simm.s32 $0x10;
	s4 =	sadd.s32 $0x32A00, s4;
	[dreg:$0x4] =	wrdreg s14  }
0x18: {  	s7 =	sadd.s32 s0, s7;
	s23 =	sadd.s32 s0, s8;
	[dreg:$0x5] =	wrdreg s4  }
0x19: {  	s8 =	simm.s32 $0xE;
	s4 =	sadd.s32 s17, s3;
	[dreg:$0xb] =	wrdreg s7  }
0x1a: {  	[dreg:$0xc] =	wrdreg s23;
	s23 =	simm.s32 $0x6770;
	s14 =	simm.s32 $0x9  }
0x1b: {  	s17 =	simm.s32 $0xC;
	[dreg:$0x7] =	wrdreg s4;
	s4 =	sadd.s32 s2, s18  }
0x1c: {  	s7 =	simm.s32 $0xD;
	s2 =	sadd.s32 s2, s21;
	s4 =	sshrl.u32 s4, $0x4  }
0x1d: {  	s18 =	simm.s32 $0x11;
	s21 =	simm.s32 $0x5000;
	s4 =	sadd.s32 s0, s4  }
0x1e: {  	s2 =	sshrl.u32 s2, $0x4;
	[dreg:$0xd] =	wrdreg s4;
	s4 =	sadd.s32 s0, s24  }
0x1f: {  	s0 =	sadd.s32 s0, s2;
	s2 =	simm.s32 $0xC530;
	[dreg:$0xe] =	wrdreg s4  }
0x20: {  	v0 =	vimm.bf16 $0.0e+00;
	s24 =	simm.s32 $0xF410;
	[dreg:$0xf] =	wrdreg s0;
	s0 =	simm.s32 $0x3  }
.LBB2_1:
0x21: {  	[dreg:$0x11] =	wrdreg s11  }
0x22: {  	s4 =	rddreg [dreg:$0x4]  }
0x23: {  	[tilespmem:s26], [sflag:$0x11] =	stream.linear.gather [hbm4b:s4+s26], $0x2800, $0x38;
	[tilespmem:$0x1AF90] =	vst v63  }
0x24: {  	_ =	swait.ge [sflag:s18], $0x2800  }
0x25: {  	s11 =	simm.s32 $0x0;
	[sflag:s18] =	ssyncset.done $0x0  }
0x26: {  	s26 =	simm.s32 $0x2800;
	s4 =	rddreg [dreg:$0x5];
	[sflag:s18] =	ssyncadd.s32 $0xFFFFD800  }
0x27: {  	[tilespmem:s26], [sflag:$0x11] =	stream.linear.gather [hbm4b:s4+s11], $0x2800, $0x38;
	[tilespmem:$0x1AF90] =	vst v63  }
0x28: {  	_ =	swait.ge [sflag:s18], $0x2800  }
0x29: {  	[sflag:s18] =	ssyncset.done $0x0  }
0x2a: {  	[sflag:s18] =	ssyncadd.s32 $0xFFFFD800  }
0x2b: {  	[tilespmem:s21], [sflag:$0x1] =	stream.indirect.gather [hbm4b:s1+s20], $0x30, s11, s20, $0xb8;
	[tilespmem:$0x1AF90] =	vst v63  }
0x2c: {  	s26 =	simm.s32 $0x80  }
0x2d: {  	[tilespmem:s23], [sflag:$0x2] =	stream.indirect.gather [hbm4b:s1+s20], $0x30, s26, s20, $0xb8;
	[tilespmem:$0x1AF90] =	vst v63  }
0x2e: {  	s11 =	simm.s32 $0x100  }
0x2f: {  	[tilespmem:s25], [sflag:$0x3] =	stream.indirect.gather [hbm4b:s1+s20], $0x30, s11, s20, $0xb8;
	[tilespmem:$0x1AF90] =	vst v63  }
0x30: {  	s26 =	simm.s32 $0x180  }
0x31: {  	[tilespmem:s28], [sflag:$0x4] =	stream.indirect.gather [hbm4b:s1+s20], $0x30, s26, s20, $0xb8;
	[tilespmem:$0x1AF90] =	vst v63  }
0x32: {  	s11 =	simm.s32 $0x200  }
0x33: {  	[tilespmem:s30], [sflag:$0x5] =	stream.indirect.gather [hbm4b:s1+s20], $0x30, s11, s20, $0xb8;
	[tilespmem:$0x1AF90] =	vst v63  }
0x34: {  	s26 =	simm.s32 $0x280  }
0x35: {  	[tilespmem:s2], [sflag:$0x6] =	stream.indirect.gather [hbm4b:s1+s20], $0x30, s26, s20, $0xb8;
	[tilespmem:$0x1AF90] =	vst v63  }
0x36: {  	s11 =	simm.s32 $0x300  }
0x37: {  	[tilespmem:s19], [sflag:$0x7] =	stream.indirect.gather [hbm4b:s1+s20], $0x30, s11, s20, $0xb8;
	[tilespmem:$0x1AF90] =	vst v63  }
0x38: {  	s26 =	simm.s32 $0x380  }
0x39: {  	[tilespmem:s24], [sflag:$0x8] =	stream.indirect.gather [hbm4b:s1+s20], $0x30, s26, s20, $0xb8;
	[tilespmem:$0x1AF90] =	vst v63  }
0x3a: {  	s4 =	simm.s32 $0xC0;
	s26 =	simm.s32 $0x0  }
.LBB2_2:
0x3b: {  	p0 =	sne.s32 s4, $0x5D00;
	[tilespmem:s26+$0x10BA0] =	vst v0;
	s11 =	smov.u32 s4;
	s4 =	sadd.s32 $0xC0, s4  }
.Ltmp0:
0x3c: {  	[tilespmem:s26+$0x10B80] =	vst v0;
	(pc) =	sbr.rel @p0 .LBB2_2-.Ltmp0, $2  }
0x3d: {  	[tilespmem:s26+$0x10B90] =	vst v0;
	_ =	sdelay $0x2  }
0x3e: {  	s26 =	sshra.s32 s11, $0x2  }
0x3f: {  	[tilespmem:s26+$0x10BA0] =	vst v0  }
0x40: {  	[tilespmem:s26+$0x10B80] =	vst v0  }
0x41: {  	[tilespmem:s26+$0x10B90] =	vst v0;
	s4 =	rddreg [dreg:$0x6];
	s11 =	simm.s32 $0x10B80  }
0x42: {  	[spmem:s4] =	stream.linear.scatter [tilespmem:s11], [sflag:$0x11], $0x1770, $0x38;
	[tilespmem:$0x1AF90] =	vst v63  }
0x43: {  	_ =	swait.ge [sflag:s18], $0x1770  }
0x44: {  	[sflag:s18] =	ssyncset.done $0x0  }
0x45: {  	s26 =	rddreg [dreg:$0x7];
	[sflag:s18] =	ssyncadd.s32 $0xFFFFE890  }
0x46: {  	[spmem:s26] =	stream.linear.scatter [tilespmem:s11], [sflag:$0x11], $0x1770, $0x38;
	[tilespmem:$0x1AF90] =	vst v63  }
0x47: {  	_ =	swait.ge [sflag:s18], $0x1770  }
0x48: {  	[sflag:s18] =	ssyncset.done $0x0  }
0x49: {  	s26 =	rddreg [dreg:$0x8];
	[sflag:s18] =	ssyncadd.s32 $0xFFFFE890  }
0x4a: {  	[spmem:s26] =	stream.linear.scatter [tilespmem:s11], [sflag:$0x11], $0x1770, $0x38;
	[tilespmem:$0x1AF90] =	vst v63  }
0x4b: {  	_ =	swait.ge [sflag:s18], $0x1770  }
0x4c: {  	[sflag:s18] =	ssyncset.done $0x0  }
0x4d: {  	s26 =	rddreg [dreg:$0x9];
	[sflag:s18] =	ssyncadd.s32 $0xFFFFE890  }
0x4e: {  	[spmem:s26] =	stream.linear.scatter [tilespmem:s11], [sflag:$0x11], $0x1770, $0x38;
	[tilespmem:$0x1AF90] =	vst v63  }
0x4f: {  	_ =	swait.ge [sflag:s18], $0x1770  }
0x50: {  	[sflag:s18] =	ssyncset.done $0x0  }
0x51: {  	s26 =	rddreg [dreg:$0xa];
	[sflag:s18] =	ssyncadd.s32 $0xFFFFE890  }
0x52: {  	[spmem:s26] =	stream.linear.scatter [tilespmem:s11], [sflag:$0x11], $0x1770, $0x38;
	[tilespmem:$0x1AF90] =	vst v63  }
0x53: {  	_ =	swait.ge [sflag:s18], $0x1770  }
0x54: {  	[sflag:s18] =	ssyncset.done $0x0  }
0x55: {  	[sflag:s18] =	ssyncadd.s32 $0xFFFFE890  }
0x56: {  	[bflag:$0x0] =	sbarrier.arrive $0xFFFF  }
0x57: {  	_ =	swait.ge [sflag:s29], $0x1770  }
0x58: {  	[sflag:s29] =	ssyncset.done $0x0  }
0x59: {  	s26 =	simm.s32 $0x2800;
	[sflag:s29] =	ssyncadd.s32 $0xFFFFE890  }
0x5a: {  	[spmem:s3] =	stream.indirect.scatter.add.bf16 [tilespmem:s21], [sflag:$0x9], $0x30, s26, s20, $0xb8;
	[tilespmem:$0x1AF90] =	vst v63  }
0x5b: {  	_ =	swait.ge [sflag:s31], $0x1770  }
0x5c: {  	[sflag:s31] =	ssyncset.done $0x0  }
0x5d: {  	s11 =	simm.s32 $0x2880;
	[sflag:s31] =	ssyncadd.s32 $0xFFFFE890  }
0x5e: {  	[spmem:s3] =	stream.indirect.scatter.add.bf16 [tilespmem:s23], [sflag:$0xA], $0x30, s11, s20, $0xb8;
	[tilespmem:$0x1AF90] =	vst v63  }
0x5f: {  	_ =	swait.ge [sflag:s0], $0x1770  }
0x60: {  	[sflag:s0] =	ssyncset.done $0x0  }
0x61: {  	s26 =	simm.s32 $0x2900;
	[sflag:s0] =	ssyncadd.s32 $0xFFFFE890  }
0x62: {  	[spmem:s3] =	stream.indirect.scatter.add.bf16 [tilespmem:s25], [sflag:$0xB], $0x30, s26, s20, $0xb8;
	[tilespmem:$0x1AF90] =	vst v63  }
0x63: {  	_ =	swait.ge [sflag:s22], $0x1770  }
0x64: {  	[sflag:s22] =	ssyncset.done $0x0  }
0x65: {  	s11 =	simm.s32 $0x2980;
	[sflag:s22] =	ssyncadd.s32 $0xFFFFE890  }
0x66: {  	[spmem:s3] =	stream.indirect.scatter.add.bf16 [tilespmem:s28], [sflag:$0xC], $0x30, s11, s20, $0xb8;
	[tilespmem:$0x1AF90] =	vst v63  }
0x67: {  	_ =	swait.ge [sflag:s5], $0x1770  }
0x68: {  	[sflag:s5] =	ssyncset.done $0x0  }
0x69: {  	s26 =	simm.s32 $0x2A00;
	[sflag:s5] =	ssyncadd.s32 $0xFFFFE890  }
0x6a: {  	[spmem:s3] =	stream.indirect.scatter.add.bf16 [tilespmem:s30], [sflag:$0xD], $0x30, s26, s20, $0xb8;
	[tilespmem:$0x1AF90] =	vst v63  }
0x6b: {  	_ =	swait.ge [sflag:s6], $0x1770  }
0x6c: {  	[sflag:s6] =	ssyncset.done $0x0  }
0x6d: {  	s11 =	simm.s32 $0x2A80;
	[sflag:s6] =	ssyncadd.s32 $0xFFFFE890  }
0x6e: {  	[spmem:s3] =	stream.indirect.scatter.add.bf16 [tilespmem:s2], [sflag:$0xE], $0x30, s11, s20, $0xb8;
	[tilespmem:$0x1AF90] =	vst v63  }
0x6f: {  	_ =	swait.ge [sflag:s12], $0x1770  }
0x70: {  	[sflag:s12] =	ssyncset.done $0x0  }
0x71: {  	s26 =	simm.s32 $0x2B00;
	[sflag:s12] =	ssyncadd.s32 $0xFFFFE890  }
0x72: {  	[spmem:s3] =	stream.indirect.scatter.add.bf16 [tilespmem:s19], [sflag:$0xF], $0x30, s26, s20, $0xb8;
	[tilespmem:$0x1AF90] =	vst v63  }
0x73: {  	_ =	swait.ge [sflag:s13], $0x1770  }
0x74: {  	[sflag:s13] =	ssyncset.done $0x0  }
0x75: {  	s11 =	simm.s32 $0x2B80;
	[sflag:s13] =	ssyncadd.s32 $0xFFFFE890  }
0x76: {  	[spmem:s3] =	stream.indirect.scatter.add.bf16 [tilespmem:s24], [sflag:$0x10], $0x30, s11, s20, $0xb8;
	[tilespmem:$0x1AF90] =	vst v63  }
0x77: {  	_ =	swait.ge [sflag:s14], $0x1770  }
0x78: {  	[sflag:s14] =	ssyncset.done $0x0  }
0x79: {  	s26 =	simm.s32 $0x400;
	[sflag:s14] =	ssyncadd.s32 $0xFFFFE890  }
0x7a: {  	[tilespmem:s21], [sflag:$0x1] =	stream.indirect.gather [hbm4b:s1+s20], $0x30, s26, s20, $0xb8;
	[tilespmem:$0x1AF90] =	vst v63  }
0x7b: {  	_ =	swait.ge [sflag:s15], $0x1770  }
0x7c: {  	[sflag:s15] =	ssyncset.done $0x0  }
0x7d: {  	s11 =	simm.s32 $0x480;
	[sflag:s15] =	ssyncadd.s32 $0xFFFFE890  }
0x7e: {  	[tilespmem:s23], [sflag:$0x2] =	stream.indirect.gather [hbm4b:s1+s20], $0x30, s11, s20, $0xb8;
	[tilespmem:$0x1AF90] =	vst v63  }
0x7f: {  	_ =	swait.ge [sflag:s16], $0x1770  }
0x80: {  	[sflag:s16] =	ssyncset.done $0x0  }
0x81: {  	s26 =	simm.s32 $0x500;
	[sflag:s16] =	ssyncadd.s32 $0xFFFFE890  }
0x82: {  	[tilespmem:s25], [sflag:$0x3] =	stream.indirect.gather [hbm4b:s1+s20], $0x30, s26, s20, $0xb8;
	[tilespmem:$0x1AF90] =	vst v63  }
0x83: {  	_ =	swait.ge [sflag:s17], $0x1770  }
0x84: {  	[sflag:s17] =	ssyncset.done $0x0  }
0x85: {  	s11 =	simm.s32 $0x580;
	[sflag:s17] =	ssyncadd.s32 $0xFFFFE890  }
0x86: {  	[tilespmem:s28], [sflag:$0x4] =	stream.indirect.gather [hbm4b:s1+s20], $0x30, s11, s20, $0xb8;
	[tilespmem:$0x1AF90] =	vst v63  }
0x87: {  	_ =	swait.ge [sflag:s7], $0x1770  }
0x88: {  	[sflag:s7] =	ssyncset.done $0x0  }
0x89: {  	s26 =	simm.s32 $0x600;
	[sflag:s7] =	ssyncadd.s32 $0xFFFFE890  }
0x8a: {  	[tilespmem:s30], [sflag:$0x5] =	stream.indirect.gather [hbm4b:s1+s20], $0x30, s26, s20, $0xb8;
	[tilespmem:$0x1AF90] =	vst v63  }
0x8b: {  	_ =	swait.ge [sflag:s8], $0x1770  }
0x8c: {  	[sflag:s8] =	ssyncset.done $0x0  }
0x8d: {  	s11 =	simm.s32 $0x680;
	[sflag:s8] =	ssyncadd.s32 $0xFFFFE890  }
0x8e: {  	[tilespmem:s2], [sflag:$0x6] =	stream.indirect.gather [hbm4b:s1+s20], $0x30, s11, s20, $0xb8;
	[tilespmem:$0x1AF90] =	vst v63  }
0x8f: {  	_ =	swait.ge [sflag:s9], $0x1770  }
0x90: {  	[sflag:s9] =	ssyncset.done $0x0  }
0x91: {  	s26 =	simm.s32 $0x700;
	[sflag:s9] =	ssyncadd.s32 $0xFFFFE890  }
0x92: {  	[tilespmem:s19], [sflag:$0x7] =	stream.indirect.gather [hbm4b:s1+s20], $0x30, s26, s20, $0xb8;
	[tilespmem:$0x1AF90] =	vst v63  }
0x93: {  	_ =	swait.ge [sflag:s10], $0x1770  }
0x94: {  	[sflag:s10] =	ssyncset.done $0x0  }
0x95: {  	s4 =	simm.s32 $0x1000;
	s26 =	simm.s32 $0x780;
	[sflag:s10] =	ssyncadd.s32 $0xFFFFE890  }
.LBB2_4:
0x96: {  	[tilespmem:s24], [sflag:$0x8] =	stream.indirect.gather [hbm4b:s1+s20], $0x30, s26, s20, $0xb8;
	[tilespmem:$0x1AF90] =	vst v63  }
0x97: {  	s11 =	smov.u32 s4  }
0x98: {  	p0 =	sne.s32 s4, $0x8000;
	s4 =	sadd.s32 $0x1000, s4;
	_ =	swait.ge [sflag:s29], $0x1770  }
0x99: {  	s26 =	sshra.s32 s11, $0x2;
	[sflag:s29] =	ssyncset.done $0x0  }
0x9a: {  	s11 =	sadd.s32 $0x2800, s26;
	[sflag:s29] =	ssyncadd.s32 $0xFFFFE890  }
0x9b: {  	[spmem:s3] =	stream.indirect.scatter.add.bf16 [tilespmem:s21], [sflag:$0x9], $0x30, s11, s20, $0xb8;
	[tilespmem:$0x1AF90] =	vst v63  }
0x9c: {  	_ =	swait.ge [sflag:s31], $0x1770  }
0x9d: {  	[sflag:s31] =	ssyncset.done $0x0  }
0x9e: {  	s11 =	sadd.s32 $0x2880, s26;
	[sflag:s31] =	ssyncadd.s32 $0xFFFFE890  }
0x9f: {  	[spmem:s3] =	stream.indirect.scatter.add.bf16 [tilespmem:s23], [sflag:$0xA], $0x30, s11, s20, $0xb8;
	[tilespmem:$0x1AF90] =	vst v63  }
0xa0: {  	_ =	swait.ge [sflag:s0], $0x1770  }
0xa1: {  	[sflag:s0] =	ssyncset.done $0x0  }
0xa2: {  	s11 =	sadd.s32 $0x2900, s26;
	[sflag:s0] =	ssyncadd.s32 $0xFFFFE890  }
0xa3: {  	[spmem:s3] =	stream.indirect.scatter.add.bf16 [tilespmem:s25], [sflag:$0xB], $0x30, s11, s20, $0xb8;
	[tilespmem:$0x1AF90] =	vst v63  }
0xa4: {  	_ =	swait.ge [sflag:s22], $0x1770  }
0xa5: {  	[sflag:s22] =	ssyncset.done $0x0  }
0xa6: {  	s11 =	sadd.s32 $0x2980, s26;
	[sflag:s22] =	ssyncadd.s32 $0xFFFFE890  }
0xa7: {  	[spmem:s3] =	stream.indirect.scatter.add.bf16 [tilespmem:s28], [sflag:$0xC], $0x30, s11, s20, $0xb8;
	[tilespmem:$0x1AF90] =	vst v63  }
0xa8: {  	_ =	swait.ge [sflag:s5], $0x1770  }
0xa9: {  	[sflag:s5] =	ssyncset.done $0x0  }
0xaa: {  	s11 =	sadd.s32 $0x2A00, s26;
	[sflag:s5] =	ssyncadd.s32 $0xFFFFE890  }
0xab: {  	[spmem:s3] =	stream.indirect.scatter.add.bf16 [tilespmem:s30], [sflag:$0xD], $0x30, s11, s20, $0xb8;
	[tilespmem:$0x1AF90] =	vst v63  }
0xac: {  	_ =	swait.ge [sflag:s6], $0x1770  }
0xad: {  	[sflag:s6] =	ssyncset.done $0x0  }
0xae: {  	s11 =	sadd.s32 $0x2A80, s26;
	[sflag:s6] =	ssyncadd.s32 $0xFFFFE890  }
0xaf: {  	[spmem:s3] =	stream.indirect.scatter.add.bf16 [tilespmem:s2], [sflag:$0xE], $0x30, s11, s20, $0xb8;
	[tilespmem:$0x1AF90] =	vst v63  }
0xb0: {  	_ =	swait.ge [sflag:s12], $0x1770  }
0xb1: {  	[sflag:s12] =	ssyncset.done $0x0  }
0xb2: {  	s11 =	sadd.s32 $0x2B00, s26;
	[sflag:s12] =	ssyncadd.s32 $0xFFFFE890  }
0xb3: {  	[spmem:s3] =	stream.indirect.scatter.add.bf16 [tilespmem:s19], [sflag:$0xF], $0x30, s11, s20, $0xb8;
	[tilespmem:$0x1AF90] =	vst v63  }
0xb4: {  	_ =	swait.ge [sflag:s13], $0x1770  }
0xb5: {  	[sflag:s13] =	ssyncset.done $0x0  }
0xb6: {  	s11 =	sadd.s32 $0x2B80, s26;
	[sflag:s13] =	ssyncadd.s32 $0xFFFFE890  }
0xb7: {  	[spmem:s3] =	stream.indirect.scatter.add.bf16 [tilespmem:s24], [sflag:$0x10], $0x30, s11, s20, $0xb8;
	[tilespmem:$0x1AF90] =	vst v63  }
0xb8: {  	_ =	swait.ge [sflag:s14], $0x1770  }
0xb9: {  	[sflag:s14] =	ssyncset.done $0x0  }
0xba: {  	s11 =	sadd.s32 $0x400, s26;
	[sflag:s14] =	ssyncadd.s32 $0xFFFFE890  }
0xbb: {  	[tilespmem:s21], [sflag:$0x1] =	stream.indirect.gather [hbm4b:s1+s20], $0x30, s11, s20, $0xb8;
	[tilespmem:$0x1AF90] =	vst v63  }
0xbc: {  	_ =	swait.ge [sflag:s15], $0x1770  }
0xbd: {  	[sflag:s15] =	ssyncset.done $0x0  }
0xbe: {  	s11 =	sadd.s32 $0x480, s26;
	[sflag:s15] =	ssyncadd.s32 $0xFFFFE890  }
0xbf: {  	[tilespmem:s23], [sflag:$0x2] =	stream.indirect.gather [hbm4b:s1+s20], $0x30, s11, s20, $0xb8;
	[tilespmem:$0x1AF90] =	vst v63  }
0xc0: {  	_ =	swait.ge [sflag:s16], $0x1770  }
0xc1: {  	[sflag:s16] =	ssyncset.done $0x0  }
0xc2: {  	s11 =	sadd.s32 $0x500, s26;
	[sflag:s16] =	ssyncadd.s32 $0xFFFFE890  }
0xc3: {  	[tilespmem:s25], [sflag:$0x3] =	stream.indirect.gather [hbm4b:s1+s20], $0x30, s11, s20, $0xb8;
	[tilespmem:$0x1AF90] =	vst v63  }
0xc4: {  	_ =	swait.ge [sflag:s17], $0x1770  }
0xc5: {  	[sflag:s17] =	ssyncset.done $0x0  }
0xc6: {  	s11 =	sadd.s32 $0x580, s26;
	[sflag:s17] =	ssyncadd.s32 $0xFFFFE890  }
0xc7: {  	[tilespmem:s28], [sflag:$0x4] =	stream.indirect.gather [hbm4b:s1+s20], $0x30, s11, s20, $0xb8;
	[tilespmem:$0x1AF90] =	vst v63  }
0xc8: {  	_ =	swait.ge [sflag:s7], $0x1770  }
0xc9: {  	[sflag:s7] =	ssyncset.done $0x0  }
0xca: {  	s11 =	sadd.s32 $0x600, s26;
	[sflag:s7] =	ssyncadd.s32 $0xFFFFE890  }
0xcb: {  	[tilespmem:s30], [sflag:$0x5] =	stream.indirect.gather [hbm4b:s1+s20], $0x30, s11, s20, $0xb8;
	[tilespmem:$0x1AF90] =	vst v63  }
0xcc: {  	_ =	swait.ge [sflag:s8], $0x1770  }
0xcd: {  	[sflag:s8] =	ssyncset.done $0x0  }
0xce: {  	s11 =	sadd.s32 $0x680, s26;
	[sflag:s8] =	ssyncadd.s32 $0xFFFFE890  }
0xcf: {  	[tilespmem:s2], [sflag:$0x6] =	stream.indirect.gather [hbm4b:s1+s20], $0x30, s11, s20, $0xb8;
	[tilespmem:$0x1AF90] =	vst v63  }
0xd0: {  	_ =	swait.ge [sflag:s9], $0x1770  }
0xd1: {  	[sflag:s9] =	ssyncset.done $0x0  }
.Ltmp1:
0xd2: {  	s11 =	sadd.s32 $0x700, s26;
	[sflag:s9] =	ssyncadd.s32 $0xFFFFE890;
	(pc) =	sbr.rel @p0 .LBB2_4-.Ltmp1, $4  }
0xd3: {  	[tilespmem:s19], [sflag:$0x7] =	stream.indirect.gather [hbm4b:s1+s20], $0x30, s11, s20, $0xb8;
	[tilespmem:$0x1AF90] =	vst v63  }
0xd4: {  	_ =	swait.ge [sflag:s10], $0x1770  }
0xd5: {  	[sflag:s10] =	ssyncset.done $0x0  }
0xd6: {  	s26 =	sadd.s32 $0x780, s26;
	[sflag:s10] =	ssyncadd.s32 $0xFFFFE890  }
0xd7: {  	[tilespmem:s24], [sflag:$0x8] =	stream.indirect.gather [hbm4b:s1+s20], $0x30, s26, s20, $0xb8;
	[tilespmem:$0x1AF90] =	vst v63  }
0xd8: {  	_ =	swait.ge [sflag:s29], $0x1770  }
0xd9: {  	[sflag:s29] =	ssyncset.done $0x0  }
0xda: {  	s4 =	simm.s32 $0x4C00;
	[sflag:s29] =	ssyncadd.s32 $0xFFFFE890  }
0xdb: {  	[spmem:s3] =	stream.indirect.scatter.add.bf16 [tilespmem:s21], [sflag:$0x9], $0x30, s4, s20, $0xb8;
	[tilespmem:$0x1AF90] =	vst v63  }
0xdc: {  	_ =	swait.ge [sflag:s31], $0x1770  }
0xdd: {  	[sflag:s31] =	ssyncset.done $0x0  }
0xde: {  	s26 =	simm.s32 $0x4C80;
	[sflag:s31] =	ssyncadd.s32 $0xFFFFE890  }
0xdf: {  	[spmem:s3] =	stream.indirect.scatter.add.bf16 [tilespmem:s23], [sflag:$0xA], $0x30, s26, s20, $0xb8;
	[tilespmem:$0x1AF90] =	vst v63  }
0xe0: {  	_ =	swait.ge [sflag:s0], $0x1770  }
0xe1: {  	[sflag:s0] =	ssyncset.done $0x0  }
0xe2: {  	s11 =	simm.s32 $0x4D00;
	[sflag:s0] =	ssyncadd.s32 $0xFFFFE890  }
0xe3: {  	[spmem:s3] =	stream.indirect.scatter.add.bf16 [tilespmem:s25], [sflag:$0xB], $0x30, s11, s20, $0xb8;
	[tilespmem:$0x1AF90] =	vst v63  }
0xe4: {  	_ =	swait.ge [sflag:s22], $0x1770  }
0xe5: {  	[sflag:s22] =	ssyncset.done $0x0  }
0xe6: {  	s26 =	simm.s32 $0x4D80;
	[sflag:s22] =	ssyncadd.s32 $0xFFFFE890  }
0xe7: {  	[spmem:s3] =	stream.indirect.scatter.add.bf16 [tilespmem:s28], [sflag:$0xC], $0x30, s26, s20, $0xb8;
	[tilespmem:$0x1AF90] =	vst v63  }
0xe8: {  	_ =	swait.ge [sflag:s5], $0x1770  }
0xe9: {  	[sflag:s5] =	ssyncset.done $0x0  }
0xea: {  	s11 =	simm.s32 $0x4E00;
	[sflag:s5] =	ssyncadd.s32 $0xFFFFE890  }
0xeb: {  	[spmem:s3] =	stream.indirect.scatter.add.bf16 [tilespmem:s30], [sflag:$0xD], $0x30, s11, s20, $0xb8;
	[tilespmem:$0x1AF90] =	vst v63  }
0xec: {  	_ =	swait.ge [sflag:s6], $0x1770  }
0xed: {  	[sflag:s6] =	ssyncset.done $0x0  }
0xee: {  	s26 =	simm.s32 $0x4E80;
	[sflag:s6] =	ssyncadd.s32 $0xFFFFE890  }
0xef: {  	[spmem:s3] =	stream.indirect.scatter.add.bf16 [tilespmem:s2], [sflag:$0xE], $0x30, s26, s20, $0xb8;
	[tilespmem:$0x1AF90] =	vst v63  }
0xf0: {  	_ =	swait.ge [sflag:s12], $0x1770  }
0xf1: {  	[sflag:s12] =	ssyncset.done $0x0  }
0xf2: {  	s11 =	simm.s32 $0x4F00;
	[sflag:s12] =	ssyncadd.s32 $0xFFFFE890  }
0xf3: {  	[spmem:s3] =	stream.indirect.scatter.add.bf16 [tilespmem:s19], [sflag:$0xF], $0x30, s11, s20, $0xb8;
	[tilespmem:$0x1AF90] =	vst v63  }
0xf4: {  	_ =	swait.ge [sflag:s13], $0x1770  }
0xf5: {  	[sflag:s13] =	ssyncset.done $0x0  }
0xf6: {  	s26 =	simm.s32 $0x4F80;
	[sflag:s13] =	ssyncadd.s32 $0xFFFFE890  }
0xf7: {  	[spmem:s3] =	stream.indirect.scatter.add.bf16 [tilespmem:s24], [sflag:$0x10], $0x30, s26, s20, $0xb8;
	[tilespmem:$0x1AF90] =	vst v63  }
0xf8: {  	_ =	swait.ge [sflag:s14], $0x1770  }
0xf9: {  	[sflag:s14] =	ssyncset.done $0x0  }
0xfa: {  	[sflag:s14] =	ssyncadd.s32 $0xFFFFE890  }
0xfb: {  	_ =	swait.ge [sflag:s15], $0x1770  }
0xfc: {  	[sflag:s15] =	ssyncset.done $0x0  }
0xfd: {  	[sflag:s15] =	ssyncadd.s32 $0xFFFFE890  }
0xfe: {  	_ =	swait.ge [sflag:s16], $0x1770  }
0xff: {  	[sflag:s16] =	ssyncset.done $0x0  }
0x100: {  	[sflag:s16] =	ssyncadd.s32 $0xFFFFE890  }
0x101: {  	_ =	swait.ge [sflag:s17], $0x1770  }
0x102: {  	[sflag:s17] =	ssyncset.done $0x0  }
0x103: {  	[sflag:s17] =	ssyncadd.s32 $0xFFFFE890  }
0x104: {  	_ =	swait.ge [sflag:s7], $0x1770  }
0x105: {  	[sflag:s7] =	ssyncset.done $0x0  }
0x106: {  	[sflag:s7] =	ssyncadd.s32 $0xFFFFE890  }
0x107: {  	_ =	swait.ge [sflag:s8], $0x1770  }
0x108: {  	[sflag:s8] =	ssyncset.done $0x0  }
0x109: {  	[sflag:s8] =	ssyncadd.s32 $0xFFFFE890  }
0x10a: {  	_ =	swait.ge [sflag:s9], $0x1770  }
0x10b: {  	[sflag:s9] =	ssyncset.done $0x0  }
0x10c: {  	[sflag:s9] =	ssyncadd.s32 $0xFFFFE890  }
0x10d: {  	_ =	swait.ge [sflag:s10], $0x1770  }
0x10e: {  	[sflag:s10] =	ssyncset.done $0x0  }
0x10f: {  	[sflag:s10] =	ssyncadd.s32 $0xFFFFE890  }
0x110: {  	[bflag:$0x0] =	sbarrier.arrive $0xFFFF  }
0x111: {  	s26 =	simm.s32 $0x10B80;
	s11 =	rddreg [dreg:$0x6]  }
0x112: {  	[tilespmem:s26], [sflag:$0x11] =	stream.linear.gather [spmem:s11], $0x1770, $0x38;
	[tilespmem:$0x1AF90] =	vst v63  }
0x113: {  	_ =	swait.ge [sflag:s18], $0x1770  }
0x114: {  	[sflag:s18] =	ssyncset.done $0x0  }
0x115: {  	s11 =	simm.s32 $0x0;
	[sflag:s18] =	ssyncadd.s32 $0xFFFFE890;
	s18 =	rddreg [dreg:$0xb]  }
0x116: {  	[hbm4b:s18+s11] =	stream.linear.scatter [tilespmem:s26], [sflag:$0x1], $0x1770, $0x38;
	[tilespmem:$0x1AF90] =	vst v63  }
0x117: {  	s18 =	rddreg [dreg:$0x7];
	s11 =	simm.s32 $0x11;
	s26 =	simm.s32 $0x122F0  }
0x118: {  	[tilespmem:s26], [sflag:$0x11] =	stream.linear.gather [spmem:s18], $0x1770, $0x38;
	[tilespmem:$0x1AF90] =	vst v63  }
0x119: {  	_ =	swait.ge [sflag:s11], $0x1770  }
0x11a: {  	s18 =	simm.s32 $0x0;
	[sflag:s11] =	ssyncset.done $0x0  }
0x11b: {  	s26 =	simm.s32 $0x122F0;
	s4 =	rddreg [dreg:$0xc];
	[sflag:s11] =	ssyncadd.s32 $0xFFFFE890  }
0x11c: {  	[hbm4b:s4+s18] =	stream.linear.scatter [tilespmem:s26], [sflag:$0x2], $0x1770, $0x38;
	[tilespmem:$0x1AF90] =	vst v63  }
0x11d: {  	_ =	swait.ge [sflag:s29], $0x1770  }
0x11e: {  	[sflag:s29] =	ssyncset.done $0x0  }
0x11f: {  	s26 =	simm.s32 $0x10B80;
	s4 =	rddreg [dreg:$0x8];
	[sflag:s29] =	ssyncadd.s32 $0xFFFFE890  }
0x120: {  	[tilespmem:s26], [sflag:$0x11] =	stream.linear.gather [spmem:s4], $0x1770, $0x38;
	[tilespmem:$0x1AF90] =	vst v63  }
0x121: {  	_ =	swait.ge [sflag:s11], $0x1770  }
0x122: {  	[sflag:s11] =	ssyncset.done $0x0  }
0x123: {  	s18 =	simm.s32 $0x0;
	s4 =	rddreg [dreg:$0xd];
	[sflag:s11] =	ssyncadd.s32 $0xFFFFE890  }
0x124: {  	[hbm4b:s4+s18] =	stream.linear.scatter [tilespmem:s26], [sflag:$0x1], $0x1770, $0x38;
	[tilespmem:$0x1AF90] =	vst v63  }
0x125: {  	_ =	swait.ge [sflag:s31], $0x1770  }
0x126: {  	[sflag:s31] =	ssyncset.done $0x0  }
0x127: {  	s18 =	simm.s32 $0x122F0;
	s4 =	rddreg [dreg:$0x9];
	[sflag:s31] =	ssyncadd.s32 $0xFFFFE890  }
0x128: {  	[tilespmem:s18], [sflag:$0x11] =	stream.linear.gather [spmem:s4], $0x1770, $0x38;
	[tilespmem:$0x1AF90] =	vst v63  }
0x129: {  	_ =	swait.ge [sflag:s11], $0x1770  }
0x12a: {  	[sflag:s11] =	ssyncset.done $0x0  }
0x12b: {  	s4 =	rddreg [dreg:$0xe];
	[sflag:s11] =	ssyncadd.s32 $0xFFFFE890;
	s11 =	simm.s32 $0x0  }
0x12c: {  	[hbm4b:s4+s11] =	stream.linear.scatter [tilespmem:s18], [sflag:$0x2], $0x1770, $0x38;
	[tilespmem:$0x1AF90] =	vst v63  }
0x12d: {  	_ =	swait.ge [sflag:s29], $0x1770  }
0x12e: {  	s26 =	simm.s32 $0x10B80;
	[sflag:s29] =	ssyncset.done $0x0  }
0x12f: {  	s18 =	simm.s32 $0x11;
	s4 =	rddreg [dreg:$0xa];
	[sflag:s29] =	ssyncadd.s32 $0xFFFFE890  }
0x130: {  	[tilespmem:s26], [sflag:$0x11] =	stream.linear.gather [spmem:s4], $0x1770, $0x38;
	[tilespmem:$0x1AF90] =	vst v63  }
0x131: {  	_ =	swait.ge [sflag:s18], $0x1770  }
0x132: {  	[sflag:s18] =	ssyncset.done $0x0  }
0x133: {  	s4 =	rddreg [dreg:$0xf];
	[sflag:s18] =	ssyncadd.s32 $0xFFFFE890  }
0x134: {  	[hbm4b:s4+s11] =	stream.linear.scatter [tilespmem:s26], [sflag:$0x1], $0x1770, $0x38;
	[tilespmem:$0x1AF90] =	vst v63  }
0x135: {  	_ =	swait.ge [sflag:s31], $0x1770  }
0x136: {  	[sflag:s31] =	ssyncset.done $0x0  }
0x137: {  	[sflag:s31] =	ssyncadd.s32 $0xFFFFE890  }
0x138: {  	_ =	swait.ge [sflag:s29], $0x1770  }
0x139: {  	s4 =	rddreg [dreg:$0x11]  }
0x13a: {  	s11 =	sadd.s32 $0x1, s4;
	s4 =	rddreg [dreg:$0x10]  }
0x13b: {  	p0 =	sne.s32 s11, s4  }
.Ltmp2:
0x13c: {  	_ = 	snop;
	(pc) =	sbr.rel @p0 .LBB2_1-.Ltmp2, $3  }
0x13d: {  	_ =	sdelay $0x1  }
0x13e: {  	[sflag:s29] =	ssyncset.done $0x0  }
0x13f: {  	s26 =	simm.s32 $0x0;
	[sflag:s29] =	ssyncadd.s32 $0xFFFFE890  }
0x140: {  	_ =	sfence.sel $0x180000  }
0x141: {  	[bflag:$0x0] =	sbarrier.arrive $0xFFFF  }
0x142: {  	_ =	strace $0x90000047  }
0x143: {  	s0 =	stileid.u32;
	[bflag:$0x2] =	sbarrier.arrive $0xFFFF  }
0x144: {  	p0 =	sne.s32 s0, $0x0;
	s0 =	rddreg [dreg:$0x3]  }
0x145: {  	s0 =	sadd.s32 @!p0 $0x100000, s0  }
0x146: {  	[sflag:s0] =	ssyncadd.tile.s32 @!p0 $0x1;
	_ =	shalt  }
.Lfunc_end2:
_tile_overlayer_lowered:
.L_overlay_start_2:
0x147: {  	(tag) =	ssettag $0x2  }
0x148: {  	s0 =	rddreg [dreg:$0x0];
	s2 =	stileid.u32  }
0x149: {  	s1 =	rddreg [dreg:$0x1];
	p0 =	sne.s32 s2, $0x0  }
0x14a: {  	s3 =	rddreg [dreg:$0x2];
	[bflag:$0x3] =	sbarrier.arrive $0xFFFF;
	s2 =	simm.s32 @!p0 $0x1C11  }
0x14b: {  	[timem:s3], [sflag:s2] =	dma.local @!p0 [hbm:s0], s1  }
0x14c: {  	s0 =	simm.s32 @!p0 $0x11  }
0x14d: {  	_ =	swait.ge @!p0 [sflag:s0], s1  }
0x14e: {  	s1 =	ssub.s32 @!p0 $0x0, s1;
	[sflag:s0] =	ssyncset.done @!p0 $0x0  }
0x14f: {  	[sflag:s0] =	ssyncadd.s32 @!p0 s1  }
0x150: {  	[bflag:$0x3] =	sbarrier.arrive $0xFFFF  }
0x151: {  	_ =	shalt  }

</sc_bundles>
